<compile_context>
chip_gen: v7x
topology: tpu7x:2x2x1
jax: 0.10.2.dev20260603
libtpu: 0.0.44.dev20260713+nightly
codegen_flags: <defaults>
</compile_context>

<pallas_src>
import functools

import jax
import jax.numpy as jnp
from jax import lax
from jax.experimental import pallas as pl
from jax.experimental.pallas import tpu as pltpu
from jax.experimental.pallas import tpu_sc as plsc

K = 10


def _topk_body(c_ref, t_ref, o_ref, *, n_target):
    b = pl.program_id(0)
    cc = c_ref[0]
    tt = t_ref[0]
    d = (cc[:, 0:1] - tt[0:1, :]) ** 2
    d = d + (cc[:, 1:2] - tt[1:2, :]) ** 2
    d = d + (cc[:, 2:3] - tt[2:3, :]) ** 2
    iota = lax.broadcasted_iota(jnp.int32, d.shape, 1)
    base = b * n_target
    for k in range(K):
        m = jnp.min(d, axis=1, keepdims=True)
        am = jnp.min(jnp.where(d == m, iota, n_target), axis=1, keepdims=True)
        o_ref[0, :, k : k + 1] = am + base
        if k < K - 1:
            d = jnp.where(iota == am, jnp.inf, d)


def _topk_indices(center_coords, target_t):
    B, C, _ = center_coords.shape
    T = target_t.shape[-1]
    CB = 512
    nb = C // CB
    return pl.pallas_call(
        functools.partial(_topk_body, n_target=T),
        grid=(B, nb),
        in_specs=[
            pl.BlockSpec((1, CB, 3), lambda b, i: (b, i, 0)),
            pl.BlockSpec((1, 3, T), lambda b, i: (b, 0, 0)),
        ],
        out_specs=pl.BlockSpec((1, CB, K), lambda b, i: (b, i, 0)),
        out_shape=jax.ShapeDtypeStruct((B, C, K), jnp.int32),
    )(center_coords, target_t)


def _sc_gather(table, idx):
    N = idx.shape[0]
    info = plsc.get_sparse_core_info()
    nw = info.num_cores * info.num_subcores
    n_per = N // nw
    CH = 128
    nch = n_per // CH
    mesh = plsc.VectorSubcoreMesh(core_axis_name="c", subcore_axis_name="s")

    @functools.partial(
        pl.kernel,
        mesh=mesh,
        compiler_params=pltpu.CompilerParams(use_tc_tiling_on_sc=False),
        out_type=jax.ShapeDtypeStruct((N, 16), jnp.float32),
        scratch_types=[
            pltpu.VMEM((n_per,), jnp.int32),
            pltpu.VMEM((n_per, 16), jnp.float32),
            pltpu.SemaphoreType.DMA,
        ],
    )
    def gather_k(table_hbm, idx_hbm, out_hbm, idx_v, rows_v, sem):
        wid = lax.axis_index("s") * info.num_cores + lax.axis_index("c")
        base = wid * n_per
        pltpu.sync_copy(idx_hbm.at[pl.ds(base, n_per)], idx_v)
        copies = []
        for j in range(nch):
            copies.append(
                pltpu.async_copy(
                    table_hbm.at[idx_v.at[pl.ds(j * CH, CH)]],
                    rows_v.at[pl.ds(j * CH, CH)],
                    sem,
                )
            )
        for c in copies:
            c.wait()
        pltpu.sync_copy(rows_v, out_hbm.at[pl.ds(base, n_per)])

    return gather_k(table, idx)


def _local_body(gx_ref, gy_ref, gz_ref, tyT_ref, sx_ref, sy_ref, sz_ref, st_ref,
                o_ref, *, G, TN):
    gx = gx_ref[0]
    gy = gy_ref[0]
    gz = gz_ref[0]
    sx = sx_ref[0]
    sy = sy_ref[0]
    sz = sz_ref[0]
    sti = st_ref[0].astype(jnp.int32)
    iota_g = lax.broadcasted_iota(jnp.int32, gx.shape, 0)

    M = [tyT_ref[0, t] for t in range(TN)]
    mx = M[0]
    amax_t = jnp.zeros_like(iota_g)
    for t in range(1, TN):
        hi = M[t] > mx
        amax_t = jnp.where(hi, t, amax_t)
        mx = jnp.where(hi, M[t], mx)

    demd_gen = jnp.full(gx.shape, 3.4e38, jnp.float32)
    ks = jnp.zeros_like(iota_g)
    s_emd_tgt = jnp.float32(0.0)
    s_picked_tgt = jnp.float32(0.0)
    s_corr_tgt = jnp.float32(0.0)
    for k in range(K):
        dk = (gx - sx[k : k + 1]) ** 2
        dk = dk + (gy - sy[k : k + 1]) ** 2
        dk = dk + (gz - sz[k : k + 1]) ** 2
        lo = dk < demd_gen
        ks = jnp.where(lo, k, ks)
        demd_gen = jnp.where(lo, dk, demd_gen)
        mg = jnp.min(dk, axis=0, keepdims=True)
        s_emd_tgt = s_emd_tgt + jnp.sum(mg)
        gs_k = jnp.min(jnp.where(dk == mg, iota_g, G), axis=0, keepdims=True)
        ohg = iota_g == gs_k
        ttk = sti[k : k + 1]
        pick_cg = jnp.zeros_like(gx)
        for t in range(TN):
            pick_cg = pick_cg + jnp.where(ttk == t, M[t], 0.0)
        s_picked_tgt = s_picked_tgt + jnp.sum(jnp.where(ohg, pick_cg, 0.0))
        am_sel = jnp.sum(jnp.where(ohg, amax_t, 0), axis=0, keepdims=True)
        s_corr_tgt = s_corr_tgt + jnp.sum((am_sel == ttk).astype(jnp.float32))

    s_emd_gen = jnp.sum(demd_gen)
    tt_gen = jnp.zeros_like(iota_g)
    for k in range(K):
        tt_gen = tt_gen + jnp.where(ks == k, sti[k : k + 1], 0)
    picked_gen = jnp.zeros_like(gx)
    for t in range(TN):
        picked_gen = picked_gen + jnp.where(tt_gen == t, M[t], 0.0)
    s_picked_gen = jnp.sum(picked_gen)
    s_corr_gen = jnp.sum((amax_t == tt_gen).astype(jnp.float32))

    lane = lax.broadcasted_iota(jnp.int32, (1, 128), 1)
    vec = jnp.where(lane == 0, s_emd_gen, 0.0)
    vec = vec + jnp.where(lane == 1, s_emd_tgt, 0.0)
    vec = vec + jnp.where(lane == 2, s_picked_gen, 0.0)
    vec = vec + jnp.where(lane == 3, s_corr_gen, 0.0)
    vec = vec + jnp.where(lane == 4, s_picked_tgt, 0.0)
    vec = vec + jnp.where(lane == 5, s_corr_tgt, 0.0)
    o_ref[0] = vec


def _local_losses(gx, gy, gz, types_t, sx, sy, sz, st):
    B, G, C = gx.shape
    TN = types_t.shape[1]
    spec_g = pl.BlockSpec((1, G, C), lambda b: (b, 0, 0))
    spec_k = pl.BlockSpec((1, K, C), lambda b: (b, 0, 0))
    out = pl.pallas_call(
        functools.partial(_local_body, G=G, TN=TN),
        grid=(B,),
        in_specs=[
            spec_g, spec_g, spec_g,
            pl.BlockSpec((1, TN, G, C), lambda b: (b, 0, 0, 0)),
            spec_k, spec_k, spec_k, spec_k,
        ],
        out_specs=pl.BlockSpec((1, 1, 128), lambda b: (b, 0, 0)),
        out_shape=jax.ShapeDtypeStruct((B, 1, 128), jnp.float32),
    )(gx, gy, gz, types_t, sx, sy, sz, st)
    return jnp.sum(out, axis=(0, 1))


def kernel(center_coords, coords, types, target):
    B, C, _ = center_coords.shape
    G = coords.shape[2]
    T = target.shape[1]

    target_t = jnp.transpose(target, (0, 2, 1))[:, :3]
    idx = _topk_indices(center_coords, target_t)

    table = jnp.pad(target, ((0, 0), (0, 0), (0, 12))).reshape(B * T, 16)
    rows = _sc_gather(table, idx.reshape(-1))
    ge = rows.reshape(B, C, K, 16)
    sel = jnp.transpose(ge[..., :4], (0, 3, 2, 1))
    sx, sy, sz, st = sel[:, 0], sel[:, 1], sel[:, 2], sel[:, 3]

    gco = jnp.transpose(coords, (0, 3, 2, 1))
    gx, gy, gz = gco[:, 0], gco[:, 1], gco[:, 2]
    types_t = jnp.transpose(types, (0, 3, 2, 1))
    p = _local_losses(gx, gy, gz, types_t, sx, sy, sz, st)

    n_g = B * C * G
    n_k = B * C * K
    gen_type_loss = -p[2] / n_g
    target_type_loss = -p[4] / n_k
    emd_loss = p[0] / n_g + p[1] / n_k
    gen_type_correct = p[3] / n_g
    target_type_correct = p[5] / n_k
    loss = gen_type_loss + target_type_loss + emd_loss
    return (loss, gen_type_loss, target_type_loss, emd_loss,
            gen_type_correct, target_type_correct)

# --- scband reference (transcript-rebuilt; emitter-appended) ---
"""Pipeline reference for scband-get-loss-30760555774124 (READ-ONLY COPY).

The authoritative reference and input builder live on the scoring server;
editing this copy changes nothing except your own understanding.
"""

import jax, jax.numpy as jnp
import numpy as np

ATOM_NUM = 10


def square_distance(src, dst):
    # src: [..., N, C], dst: [..., M, C] -> [..., N, M]
    return jnp.sum((src[..., :, None, :] - dst[..., None, :, :]) ** 2, axis=-1)


def _nll_loss(log_probs, target):
    # intended semantics of F.nll_loss with class dim last, reduction='mean'
    picked = jnp.take_along_axis(log_probs, target[..., None], axis=-1)
    return -jnp.mean(picked)


def setup_inputs(seed: int = 0):
    key = jax.random.key(seed)
    k1, k2, k3, k4 = jax.random.split(key, 4)
    center_coords = jax.random.uniform(k1, (4, 1024, 3), dtype=jnp.float32)
    coords = jax.random.uniform(k2, (4, 1024, 16, 3), dtype=jnp.float32)
    types = jax.random.normal(k3, (4, 1024, 16, 16), dtype=jnp.float32)
    target = jax.random.uniform(k4, (4, 4096, 4), dtype=jnp.float32)
    return {"center_coords": center_coords, "coords": coords, "types": types, "target": target}


def reference(center_coords, coords, types, target):
    K = ATOM_NUM
    B = center_coords.shape[0]
    center_num = center_coords.shape[1]
    type_num = types.shape[-1]
    n_target = target.shape[1]

    dist = square_distance(center_coords, target[:, :, :-1])  # [B, center, n_target]
    inds = jnp.argsort(dist, axis=-1)
    inds_topN = inds[:, :, :K]  # [B, center, K]

    target_ex = jnp.broadcast_to(target[:, None, :, :], (B, center_num, n_target, target.shape[-1]))
    target_ex = jnp.take_along_axis(target_ex, inds_topN[..., None], axis=2)  # [B, center, K, 4]

    dist_local = square_distance(coords, target_ex[..., :-1])  # [B, center, G, K]
    inds_gen_local = jnp.argmin(dist_local, axis=-1, keepdims=True)      # [B, center, G, 1]
    inds_target_local = jnp.argmin(dist_local, axis=-2, keepdims=True)   # [B, center, 1, K]
    dist_emd_gen_local = jnp.take_along_axis(dist_local, inds_gen_local, axis=-1)
    dist_emd_target_local = jnp.take_along_axis(dist_local, inds_target_local, axis=-2)

    target_ex_type = target_ex[..., -1].astype(jnp.int32)  # [B, center, K]
    target_ex_type_for_gen = jnp.take_along_axis(target_ex_type, jnp.squeeze(inds_gen_local, -1), axis=-1)  # [B, center, G]

    gen_type_loss = _nll_loss(types, target_ex_type_for_gen)
    gen_type_correct = jnp.mean((jnp.argmax(types, -1) == target_ex_type_for_gen).astype(jnp.float32))

    inds_tl = jnp.squeeze(inds_target_local, -2)[..., None]  # [B, center, K, 1]
    gen_types_for_target = jnp.take_along_axis(types, inds_tl, axis=2)  # [B, center, K, type_num]
    target_type_loss = _nll_loss(gen_types_for_target, target_ex_type)
    target_type_correct = jnp.mean((jnp.argmax(gen_types_for_target, -1) == target_ex_type).astype(jnp.float32))

    emd_loss = jnp.mean(dist_emd_gen_local) + jnp.mean(dist_emd_target_local)
    loss = gen_type_loss + target_type_loss + emd_loss
    return (loss, gen_type_loss, target_type_loss, emd_loss, gen_type_correct, target_type_correct)

if __name__ == "__main__":
    import jax
    _d = setup_inputs()
    print(jax.jit(kernel)(*tuple(_d.values())))

</pallas_src>

<mosaic_0001>
#map = affine_map<(d0, d1) -> (0, 0)>
#map1 = affine_map<(d0, d1) -> (0)>
module attributes {stable_mosaic.version = 14 : i64} {
  func.func @gather_k(%arg0: i32, %arg1: i32, %arg2: memref<16384x16xf32, #tpu.memory_space<hbm>>, %arg3: memref<40960xi32, #tpu.memory_space<hbm>>, %arg4: memref<40960x16xf32, #tpu.memory_space<hbm>>, %arg5: memref<1280xi32, #tpu.memory_space<vmem>>, %arg6: memref<1280x16xf32, #tpu.memory_space<vmem>>, %arg7: memref<!tpu.dma_semaphore, #tpu.memory_space<semaphore_mem>>) attributes {dimension_semantics = [#tpu.dimension_semantics<core_parallel>, #tpu.dimension_semantics<subcore_parallel>], iteration_bounds = array<i64: 2, 16>, scalar_prefetch = 0 : i64, scratch_operands = 3 : i64, tpu.core_type = #tpu.core_type<sc_vector_subcore>, window_params = [{transform_indices = #map}, {transform_indices = #map1}, {transform_indices = #map}]} {
    %mul3A = arith.constant 2 : i32
    %mul3A_0 = arith.muli %arg1, %mul3A : i32
    %add3A = arith.addi %mul3A_0, %arg0 : i32
    %mul3A_1 = arith.constant 1280 : i32
    %mul3A_2 = arith.muli %add3A, %mul3A_1 : i32
    "tpu.region"() ({
      %run_scoped3A = tpu.sem_alloc : memref<!tpu.dma_semaphore, #tpu.memory_space<semaphore_mem>>
      %dma_start3A_161 = tpu.memref_slice %arg3[%mul3A_2] : memref<40960xi32, #tpu.memory_space<hbm>> -> memref<1280xi32, #tpu.memory_space<hbm>>
      %dma_start3A_162 = tpu.memref_slice %arg3[%mul3A_2] : memref<40960xi32, #tpu.memory_space<hbm>> -> memref<1280xi32, #tpu.memory_space<hbm>>
      tpu.enqueue_dma source(%dma_start3A_162 : memref<1280xi32, #tpu.memory_space<hbm>>) target(%arg5 : memref<1280xi32, #tpu.memory_space<vmem>>) target_semaphore(%run_scoped3A : memref<!tpu.dma_semaphore, #tpu.memory_space<semaphore_mem>>)
      %dma_wait3A_163 = tpu.memref_slice %arg3[%mul3A_2] : memref<40960xi32, #tpu.memory_space<hbm>> -> memref<1280xi32, #tpu.memory_space<hbm>>
      %dma_wait3A_164 = tpu.memref_slice %arg3[%mul3A_2] : memref<40960xi32, #tpu.memory_space<hbm>> -> memref<1280xi32, #tpu.memory_space<hbm>>
      tpu.wait_dma2 semaphore(%run_scoped3A : memref<!tpu.dma_semaphore, #tpu.memory_space<semaphore_mem>>) src(%dma_wait3A_164 : memref<1280xi32, #tpu.memory_space<hbm>>) dst(%arg5 : memref<1280xi32, #tpu.memory_space<vmem>>)
      tpu.yield
    }) : () -> ()
    %dma_start3A = arith.constant 0 : i32
    %dma_start3A_3 = arith.constant 0 : i32
    %dma_start3A_4 = tpu.memref_slice %arg6[%dma_start3A, %dma_start3A_3] : memref<1280x16xf32, #tpu.memory_space<vmem>> -> memref<128x16xf32, #tpu.memory_space<vmem>>
    %dma_start3A_5 = arith.constant 0 : i32
    %dma_start3A_6 = tpu.memref_slice %arg5[%dma_start3A_5] : memref<1280xi32, #tpu.memory_space<vmem>> -> memref<128xi32, #tpu.memory_space<vmem>>
    %dma_start3A_7 = arith.constant 0 : i32
    %dma_start3A_8 = arith.constant 0 : i32
    %dma_start3A_9 = tpu.memref_slice %arg2[%dma_start3A_7, %dma_start3A_8] : memref<16384x16xf32, #tpu.memory_space<hbm>> -> memref<16384x16xf32, #tpu.memory_space<hbm>>
    tpu.enqueue_indirect_dma source(%dma_start3A_9 : memref<16384x16xf32, #tpu.memory_space<hbm>>) target(%dma_start3A_4 : memref<128x16xf32, #tpu.memory_space<vmem>>) offsets(%dma_start3A_6 : memref<128xi32, #tpu.memory_space<vmem>>) semaphore(%arg7 : memref<!tpu.dma_semaphore, #tpu.memory_space<semaphore_mem>>)
    %dma_start3A_10 = arith.constant 128 : i32
    %dma_start3A_11 = arith.constant 0 : i32
    %dma_start3A_12 = tpu.memref_slice %arg6[%dma_start3A_10, %dma_start3A_11] : memref<1280x16xf32, #tpu.memory_space<vmem>> -> memref<128x16xf32, #tpu.memory_space<vmem>>
    %dma_start3A_13 = arith.constant 128 : i32
    %dma_start3A_14 = tpu.memref_slice %arg5[%dma_start3A_13] : memref<1280xi32, #tpu.memory_space<vmem>> -> memref<128xi32, #tpu.memory_space<vmem>>
    %dma_start3A_15 = arith.constant 0 : i32
    %dma_start3A_16 = arith.constant 0 : i32
    %dma_start3A_17 = tpu.memref_slice %arg2[%dma_start3A_15, %dma_start3A_16] : memref<16384x16xf32, #tpu.memory_space<hbm>> -> memref<16384x16xf32, #tpu.memory_space<hbm>>
    tpu.enqueue_indirect_dma source(%dma_start3A_17 : memref<16384x16xf32, #tpu.memory_space<hbm>>) target(%dma_start3A_12 : memref<128x16xf32, #tpu.memory_space<vmem>>) offsets(%dma_start3A_14 : memref<128xi32, #tpu.memory_space<vmem>>) semaphore(%arg7 : memref<!tpu.dma_semaphore, #tpu.memory_space<semaphore_mem>>)
    %dma_start3A_18 = arith.constant 256 : i32
    %dma_start3A_19 = arith.constant 0 : i32
    %dma_start3A_20 = tpu.memref_slice %arg6[%dma_start3A_18, %dma_start3A_19] : memref<1280x16xf32, #tpu.memory_space<vmem>> -> memref<128x16xf32, #tpu.memory_space<vmem>>
    %dma_start3A_21 = arith.constant 256 : i32
    %dma_start3A_22 = tpu.memref_slice %arg5[%dma_start3A_21] : memref<1280xi32, #tpu.memory_space<vmem>> -> memref<128xi32, #tpu.memory_space<vmem>>
    %dma_start3A_23 = arith.constant 0 : i32
    %dma_start3A_24 = arith.constant 0 : i32
    %dma_start3A_25 = tpu.memref_slice %arg2[%dma_start3A_23, %dma_start3A_24] : memref<16384x16xf32, #tpu.memory_space<hbm>> -> memref<16384x16xf32, #tpu.memory_space<hbm>>
    tpu.enqueue_indirect_dma source(%dma_start3A_25 : memref<16384x16xf32, #tpu.memory_space<hbm>>) target(%dma_start3A_20 : memref<128x16xf32, #tpu.memory_space<vmem>>) offsets(%dma_start3A_22 : memref<128xi32, #tpu.memory_space<vmem>>) semaphore(%arg7 : memref<!tpu.dma_semaphore, #tpu.memory_space<semaphore_mem>>)
    %dma_start3A_26 = arith.constant 384 : i32
    %dma_start3A_27 = arith.constant 0 : i32
    %dma_start3A_28 = tpu.memref_slice %arg6[%dma_start3A_26, %dma_start3A_27] : memref<1280x16xf32, #tpu.memory_space<vmem>> -> memref<128x16xf32, #tpu.memory_space<vmem>>
    %dma_start3A_29 = arith.constant 384 : i32
    %dma_start3A_30 = tpu.memref_slice %arg5[%dma_start3A_29] : memref<1280xi32, #tpu.memory_space<vmem>> -> memref<128xi32, #tpu.memory_space<vmem>>
    %dma_start3A_31 = arith.constant 0 : i32
    %dma_start3A_32 = arith.constant 0 : i32
    %dma_start3A_33 = tpu.memref_slice %arg2[%dma_start3A_31, %dma_start3A_32] : memref<16384x16xf32, #tpu.memory_space<hbm>> -> memref<16384x16xf32, #tpu.memory_space<hbm>>
    tpu.enqueue_indirect_dma source(%dma_start3A_33 : memref<16384x16xf32, #tpu.memory_space<hbm>>) target(%dma_start3A_28 : memref<128x16xf32, #tpu.memory_space<vmem>>) offsets(%dma_start3A_30 : memref<128xi32, #tpu.memory_space<vmem>>) semaphore(%arg7 : memref<!tpu.dma_semaphore, #tpu.memory_space<semaphore_mem>>)
    %dma_start3A_34 = arith.constant 512 : i32
    %dma_start3A_35 = arith.constant 0 : i32
    %dma_start3A_36 = tpu.memref_slice %arg6[%dma_start3A_34, %dma_start3A_35] : memref<1280x16xf32, #tpu.memory_space<vmem>> -> memref<128x16xf32, #tpu.memory_space<vmem>>
    %dma_start3A_37 = arith.constant 512 : i32
    %dma_start3A_38 = tpu.memref_slice %arg5[%dma_start3A_37] : memref<1280xi32, #tpu.memory_space<vmem>> -> memref<128xi32, #tpu.memory_space<vmem>>
    %dma_start3A_39 = arith.constant 0 : i32
    %dma_start3A_40 = arith.constant 0 : i32
    %dma_start3A_41 = tpu.memref_slice %arg2[%dma_start3A_39, %dma_start3A_40] : memref<16384x16xf32, #tpu.memory_space<hbm>> -> memref<16384x16xf32, #tpu.memory_space<hbm>>
    tpu.enqueue_indirect_dma source(%dma_start3A_41 : memref<16384x16xf32, #tpu.memory_space<hbm>>) target(%dma_start3A_36 : memref<128x16xf32, #tpu.memory_space<vmem>>) offsets(%dma_start3A_38 : memref<128xi32, #tpu.memory_space<vmem>>) semaphore(%arg7 : memref<!tpu.dma_semaphore, #tpu.memory_space<semaphore_mem>>)
    %dma_start3A_42 = arith.constant 640 : i32
    %dma_start3A_43 = arith.constant 0 : i32
    %dma_start3A_44 = tpu.memref_slice %arg6[%dma_start3A_42, %dma_start3A_43] : memref<1280x16xf32, #tpu.memory_space<vmem>> -> memref<128x16xf32, #tpu.memory_space<vmem>>
    %dma_start3A_45 = arith.constant 640 : i32
    %dma_start3A_46 = tpu.memref_slice %arg5[%dma_start3A_45] : memref<1280xi32, #tpu.memory_space<vmem>> -> memref<128xi32, #tpu.memory_space<vmem>>
    %dma_start3A_47 = arith.constant 0 : i32
    %dma_start3A_48 = arith.constant 0 : i32
    %dma_start3A_49 = tpu.memref_slice %arg2[%dma_start3A_47, %dma_start3A_48] : memref<16384x16xf32, #tpu.memory_space<hbm>> -> memref<16384x16xf32, #tpu.memory_space<hbm>>
    tpu.enqueue_indirect_dma source(%dma_start3A_49 : memref<16384x16xf32, #tpu.memory_space<hbm>>) target(%dma_start3A_44 : memref<128x16xf32, #tpu.memory_space<vmem>>) offsets(%dma_start3A_46 : memref<128xi32, #tpu.memory_space<vmem>>) semaphore(%arg7 : memref<!tpu.dma_semaphore, #tpu.memory_space<semaphore_mem>>)
    %dma_start3A_50 = arith.constant 768 : i32
    %dma_start3A_51 = arith.constant 0 : i32
    %dma_start3A_52 = tpu.memref_slice %arg6[%dma_start3A_50, %dma_start3A_51] : memref<1280x16xf32, #tpu.memory_space<vmem>> -> memref<128x16xf32, #tpu.memory_space<vmem>>
    %dma_start3A_53 = arith.constant 768 : i32
    %dma_start3A_54 = tpu.memref_slice %arg5[%dma_start3A_53] : memref<1280xi32, #tpu.memory_space<vmem>> -> memref<128xi32, #tpu.memory_space<vmem>>
    %dma_start3A_55 = arith.constant 0 : i32
    %dma_start3A_56 = arith.constant 0 : i32
    %dma_start3A_57 = tpu.memref_slice %arg2[%dma_start3A_55, %dma_start3A_56] : memref<16384x16xf32, #tpu.memory_space<hbm>> -> memref<16384x16xf32, #tpu.memory_space<hbm>>
    tpu.enqueue_indirect_dma source(%dma_start3A_57 : memref<16384x16xf32, #tpu.memory_space<hbm>>) target(%dma_start3A_52 : memref<128x16xf32, #tpu.memory_space<vmem>>) offsets(%dma_start3A_54 : memref<128xi32, #tpu.memory_space<vmem>>) semaphore(%arg7 : memref<!tpu.dma_semaphore, #tpu.memory_space<semaphore_mem>>)
    %dma_start3A_58 = arith.constant 896 : i32
    %dma_start3A_59 = arith.constant 0 : i32
    %dma_start3A_60 = tpu.memref_slice %arg6[%dma_start3A_58, %dma_start3A_59] : memref<1280x16xf32, #tpu.memory_space<vmem>> -> memref<128x16xf32, #tpu.memory_space<vmem>>
    %dma_start3A_61 = arith.constant 896 : i32
    %dma_start3A_62 = tpu.memref_slice %arg5[%dma_start3A_61] : memref<1280xi32, #tpu.memory_space<vmem>> -> memref<128xi32, #tpu.memory_space<vmem>>
    %dma_start3A_63 = arith.constant 0 : i32
    %dma_start3A_64 = arith.constant 0 : i32
    %dma_start3A_65 = tpu.memref_slice %arg2[%dma_start3A_63, %dma_start3A_64] : memref<16384x16xf32, #tpu.memory_space<hbm>> -> memref<16384x16xf32, #tpu.memory_space<hbm>>
    tpu.enqueue_indirect_dma source(%dma_start3A_65 : memref<16384x16xf32, #tpu.memory_space<hbm>>) target(%dma_start3A_60 : memref<128x16xf32, #tpu.memory_space<vmem>>) offsets(%dma_start3A_62 : memref<128xi32, #tpu.memory_space<vmem>>) semaphore(%arg7 : memref<!tpu.dma_semaphore, #tpu.memory_space<semaphore_mem>>)
    %dma_start3A_66 = arith.constant 1024 : i32
    %dma_start3A_67 = arith.constant 0 : i32
    %dma_start3A_68 = tpu.memref_slice %arg6[%dma_start3A_66, %dma_start3A_67] : memref<1280x16xf32, #tpu.memory_space<vmem>> -> memref<128x16xf32, #tpu.memory_space<vmem>>
    %dma_start3A_69 = arith.constant 1024 : i32
    %dma_start3A_70 = tpu.memref_slice %arg5[%dma_start3A_69] : memref<1280xi32, #tpu.memory_space<vmem>> -> memref<128xi32, #tpu.memory_space<vmem>>
    %dma_start3A_71 = arith.constant 0 : i32
    %dma_start3A_72 = arith.constant 0 : i32
    %dma_start3A_73 = tpu.memref_slice %arg2[%dma_start3A_71, %dma_start3A_72] : memref<16384x16xf32, #tpu.memory_space<hbm>> -> memref<16384x16xf32, #tpu.memory_space<hbm>>
    tpu.enqueue_indirect_dma source(%dma_start3A_73 : memref<16384x16xf32, #tpu.memory_space<hbm>>) target(%dma_start3A_68 : memref<128x16xf32, #tpu.memory_space<vmem>>) offsets(%dma_start3A_70 : memref<128xi32, #tpu.memory_space<vmem>>) semaphore(%arg7 : memref<!tpu.dma_semaphore, #tpu.memory_space<semaphore_mem>>)
    %dma_start3A_74 = arith.constant 1152 : i32
    %dma_start3A_75 = arith.constant 0 : i32
    %dma_start3A_76 = tpu.memref_slice %arg6[%dma_start3A_74, %dma_start3A_75] : memref<1280x16xf32, #tpu.memory_space<vmem>> -> memref<128x16xf32, #tpu.memory_space<vmem>>
    %dma_start3A_77 = arith.constant 1152 : i32
    %dma_start3A_78 = tpu.memref_slice %arg5[%dma_start3A_77] : memref<1280xi32, #tpu.memory_space<vmem>> -> memref<128xi32, #tpu.memory_space<vmem>>
    %dma_start3A_79 = arith.constant 0 : i32
    %dma_start3A_80 = arith.constant 0 : i32
    %dma_start3A_81 = tpu.memref_slice %arg2[%dma_start3A_79, %dma_start3A_80] : memref<16384x16xf32, #tpu.memory_space<hbm>> -> memref<16384x16xf32, #tpu.memory_space<hbm>>
    tpu.enqueue_indirect_dma source(%dma_start3A_81 : memref<16384x16xf32, #tpu.memory_space<hbm>>) target(%dma_start3A_76 : memref<128x16xf32, #tpu.memory_space<vmem>>) offsets(%dma_start3A_78 : memref<128xi32, #tpu.memory_space<vmem>>) semaphore(%arg7 : memref<!tpu.dma_semaphore, #tpu.memory_space<semaphore_mem>>)
    %dma_wait3A = arith.constant 0 : i32
    %dma_wait3A_82 = arith.constant 0 : i32
    %dma_wait3A_83 = tpu.memref_slice %arg6[%dma_wait3A, %dma_wait3A_82] : memref<1280x16xf32, #tpu.memory_space<vmem>> -> memref<128x16xf32, #tpu.memory_space<vmem>>
    %dma_wait3A_84 = arith.constant 0 : i32
    %dma_wait3A_85 = tpu.memref_slice %arg5[%dma_wait3A_84] : memref<1280xi32, #tpu.memory_space<vmem>> -> memref<128xi32, #tpu.memory_space<vmem>>
    %dma_wait3A_86 = arith.constant 0 : i32
    %dma_wait3A_87 = arith.constant 0 : i32
    %dma_wait3A_88 = tpu.memref_slice %arg2[%dma_wait3A_86, %dma_wait3A_87] : memref<16384x16xf32, #tpu.memory_space<hbm>> -> memref<16384x16xf32, #tpu.memory_space<hbm>>
    tpu.wait_indirect_dma semaphore(%arg7 : memref<!tpu.dma_semaphore, #tpu.memory_space<semaphore_mem>>) src(%dma_wait3A_88 : memref<16384x16xf32, #tpu.memory_space<hbm>>) dst(%dma_wait3A_83 : memref<128x16xf32, #tpu.memory_space<vmem>>)
    %dma_wait3A_89 = arith.constant 128 : i32
    %dma_wait3A_90 = arith.constant 0 : i32
    %dma_wait3A_91 = tpu.memref_slice %arg6[%dma_wait3A_89, %dma_wait3A_90] : memref<1280x16xf32, #tpu.memory_space<vmem>> -> memref<128x16xf32, #tpu.memory_space<vmem>>
    %dma_wait3A_92 = arith.constant 128 : i32
    %dma_wait3A_93 = tpu.memref_slice %arg5[%dma_wait3A_92] : memref<1280xi32, #tpu.memory_space<vmem>> -> memref<128xi32, #tpu.memory_space<vmem>>
    %dma_wait3A_94 = arith.constant 0 : i32
    %dma_wait3A_95 = arith.constant 0 : i32
    %dma_wait3A_96 = tpu.memref_slice %arg2[%dma_wait3A_94, %dma_wait3A_95] : memref<16384x16xf32, #tpu.memory_space<hbm>> -> memref<16384x16xf32, #tpu.memory_space<hbm>>
    tpu.wait_indirect_dma semaphore(%arg7 : memref<!tpu.dma_semaphore, #tpu.memory_space<semaphore_mem>>) src(%dma_wait3A_96 : memref<16384x16xf32, #tpu.memory_space<hbm>>) dst(%dma_wait3A_91 : memref<128x16xf32, #tpu.memory_space<vmem>>)
    %dma_wait3A_97 = arith.constant 256 : i32
    %dma_wait3A_98 = arith.constant 0 : i32
    %dma_wait3A_99 = tpu.memref_slice %arg6[%dma_wait3A_97, %dma_wait3A_98] : memref<1280x16xf32, #tpu.memory_space<vmem>> -> memref<128x16xf32, #tpu.memory_space<vmem>>
    %dma_wait3A_100 = arith.constant 256 : i32
    %dma_wait3A_101 = tpu.memref_slice %arg5[%dma_wait3A_100] : memref<1280xi32, #tpu.memory_space<vmem>> -> memref<128xi32, #tpu.memory_space<vmem>>
    %dma_wait3A_102 = arith.constant 0 : i32
    %dma_wait3A_103 = arith.constant 0 : i32
    %dma_wait3A_104 = tpu.memref_slice %arg2[%dma_wait3A_102, %dma_wait3A_103] : memref<16384x16xf32, #tpu.memory_space<hbm>> -> memref<16384x16xf32, #tpu.memory_space<hbm>>
    tpu.wait_indirect_dma semaphore(%arg7 : memref<!tpu.dma_semaphore, #tpu.memory_space<semaphore_mem>>) src(%dma_wait3A_104 : memref<16384x16xf32, #tpu.memory_space<hbm>>) dst(%dma_wait3A_99 : memref<128x16xf32, #tpu.memory_space<vmem>>)
    %dma_wait3A_105 = arith.constant 384 : i32
    %dma_wait3A_106 = arith.constant 0 : i32
    %dma_wait3A_107 = tpu.memref_slice %arg6[%dma_wait3A_105, %dma_wait3A_106] : memref<1280x16xf32, #tpu.memory_space<vmem>> -> memref<128x16xf32, #tpu.memory_space<vmem>>
    %dma_wait3A_108 = arith.constant 384 : i32
    %dma_wait3A_109 = tpu.memref_slice %arg5[%dma_wait3A_108] : memref<1280xi32, #tpu.memory_space<vmem>> -> memref<128xi32, #tpu.memory_space<vmem>>
    %dma_wait3A_110 = arith.constant 0 : i32
    %dma_wait3A_111 = arith.constant 0 : i32
    %dma_wait3A_112 = tpu.memref_slice %arg2[%dma_wait3A_110, %dma_wait3A_111] : memref<16384x16xf32, #tpu.memory_space<hbm>> -> memref<16384x16xf32, #tpu.memory_space<hbm>>
    tpu.wait_indirect_dma semaphore(%arg7 : memref<!tpu.dma_semaphore, #tpu.memory_space<semaphore_mem>>) src(%dma_wait3A_112 : memref<16384x16xf32, #tpu.memory_space<hbm>>) dst(%dma_wait3A_107 : memref<128x16xf32, #tpu.memory_space<vmem>>)
    %dma_wait3A_113 = arith.constant 512 : i32
    %dma_wait3A_114 = arith.constant 0 : i32
    %dma_wait3A_115 = tpu.memref_slice %arg6[%dma_wait3A_113, %dma_wait3A_114] : memref<1280x16xf32, #tpu.memory_space<vmem>> -> memref<128x16xf32, #tpu.memory_space<vmem>>
    %dma_wait3A_116 = arith.constant 512 : i32
    %dma_wait3A_117 = tpu.memref_slice %arg5[%dma_wait3A_116] : memref<1280xi32, #tpu.memory_space<vmem>> -> memref<128xi32, #tpu.memory_space<vmem>>
    %dma_wait3A_118 = arith.constant 0 : i32
    %dma_wait3A_119 = arith.constant 0 : i32
    %dma_wait3A_120 = tpu.memref_slice %arg2[%dma_wait3A_118, %dma_wait3A_119] : memref<16384x16xf32, #tpu.memory_space<hbm>> -> memref<16384x16xf32, #tpu.memory_space<hbm>>
    tpu.wait_indirect_dma semaphore(%arg7 : memref<!tpu.dma_semaphore, #tpu.memory_space<semaphore_mem>>) src(%dma_wait3A_120 : memref<16384x16xf32, #tpu.memory_space<hbm>>) dst(%dma_wait3A_115 : memref<128x16xf32, #tpu.memory_space<vmem>>)
    %dma_wait3A_121 = arith.constant 640 : i32
    %dma_wait3A_122 = arith.constant 0 : i32
    %dma_wait3A_123 = tpu.memref_slice %arg6[%dma_wait3A_121, %dma_wait3A_122] : memref<1280x16xf32, #tpu.memory_space<vmem>> -> memref<128x16xf32, #tpu.memory_space<vmem>>
    %dma_wait3A_124 = arith.constant 640 : i32
    %dma_wait3A_125 = tpu.memref_slice %arg5[%dma_wait3A_124] : memref<1280xi32, #tpu.memory_space<vmem>> -> memref<128xi32, #tpu.memory_space<vmem>>
    %dma_wait3A_126 = arith.constant 0 : i32
    %dma_wait3A_127 = arith.constant 0 : i32
    %dma_wait3A_128 = tpu.memref_slice %arg2[%dma_wait3A_126, %dma_wait3A_127] : memref<16384x16xf32, #tpu.memory_space<hbm>> -> memref<16384x16xf32, #tpu.memory_space<hbm>>
    tpu.wait_indirect_dma semaphore(%arg7 : memref<!tpu.dma_semaphore, #tpu.memory_space<semaphore_mem>>) src(%dma_wait3A_128 : memref<16384x16xf32, #tpu.memory_space<hbm>>) dst(%dma_wait3A_123 : memref<128x16xf32, #tpu.memory_space<vmem>>)
    %dma_wait3A_129 = arith.constant 768 : i32
    %dma_wait3A_130 = arith.constant 0 : i32
    %dma_wait3A_131 = tpu.memref_slice %arg6[%dma_wait3A_129, %dma_wait3A_130] : memref<1280x16xf32, #tpu.memory_space<vmem>> -> memref<128x16xf32, #tpu.memory_space<vmem>>
    %dma_wait3A_132 = arith.constant 768 : i32
    %dma_wait3A_133 = tpu.memref_slice %arg5[%dma_wait3A_132] : memref<1280xi32, #tpu.memory_space<vmem>> -> memref<128xi32, #tpu.memory_space<vmem>>
    %dma_wait3A_134 = arith.constant 0 : i32
    %dma_wait3A_135 = arith.constant 0 : i32
    %dma_wait3A_136 = tpu.memref_slice %arg2[%dma_wait3A_134, %dma_wait3A_135] : memref<16384x16xf32, #tpu.memory_space<hbm>> -> memref<16384x16xf32, #tpu.memory_space<hbm>>
    tpu.wait_indirect_dma semaphore(%arg7 : memref<!tpu.dma_semaphore, #tpu.memory_space<semaphore_mem>>) src(%dma_wait3A_136 : memref<16384x16xf32, #tpu.memory_space<hbm>>) dst(%dma_wait3A_131 : memref<128x16xf32, #tpu.memory_space<vmem>>)
    %dma_wait3A_137 = arith.constant 896 : i32
    %dma_wait3A_138 = arith.constant 0 : i32
    %dma_wait3A_139 = tpu.memref_slice %arg6[%dma_wait3A_137, %dma_wait3A_138] : memref<1280x16xf32, #tpu.memory_space<vmem>> -> memref<128x16xf32, #tpu.memory_space<vmem>>
    %dma_wait3A_140 = arith.constant 896 : i32
    %dma_wait3A_141 = tpu.memref_slice %arg5[%dma_wait3A_140] : memref<1280xi32, #tpu.memory_space<vmem>> -> memref<128xi32, #tpu.memory_space<vmem>>
    %dma_wait3A_142 = arith.constant 0 : i32
    %dma_wait3A_143 = arith.constant 0 : i32
    %dma_wait3A_144 = tpu.memref_slice %arg2[%dma_wait3A_142, %dma_wait3A_143] : memref<16384x16xf32, #tpu.memory_space<hbm>> -> memref<16384x16xf32, #tpu.memory_space<hbm>>
    tpu.wait_indirect_dma semaphore(%arg7 : memref<!tpu.dma_semaphore, #tpu.memory_space<semaphore_mem>>) src(%dma_wait3A_144 : memref<16384x16xf32, #tpu.memory_space<hbm>>) dst(%dma_wait3A_139 : memref<128x16xf32, #tpu.memory_space<vmem>>)
    %dma_wait3A_145 = arith.constant 1024 : i32
    %dma_wait3A_146 = arith.constant 0 : i32
    %dma_wait3A_147 = tpu.memref_slice %arg6[%dma_wait3A_145, %dma_wait3A_146] : memref<1280x16xf32, #tpu.memory_space<vmem>> -> memref<128x16xf32, #tpu.memory_space<vmem>>
    %dma_wait3A_148 = arith.constant 1024 : i32
    %dma_wait3A_149 = tpu.memref_slice %arg5[%dma_wait3A_148] : memref<1280xi32, #tpu.memory_space<vmem>> -> memref<128xi32, #tpu.memory_space<vmem>>
    %dma_wait3A_150 = arith.constant 0 : i32
    %dma_wait3A_151 = arith.constant 0 : i32
    %dma_wait3A_152 = tpu.memref_slice %arg2[%dma_wait3A_150, %dma_wait3A_151] : memref<16384x16xf32, #tpu.memory_space<hbm>> -> memref<16384x16xf32, #tpu.memory_space<hbm>>
    tpu.wait_indirect_dma semaphore(%arg7 : memref<!tpu.dma_semaphore, #tpu.memory_space<semaphore_mem>>) src(%dma_wait3A_152 : memref<16384x16xf32, #tpu.memory_space<hbm>>) dst(%dma_wait3A_147 : memref<128x16xf32, #tpu.memory_space<vmem>>)
    %dma_wait3A_153 = arith.constant 1152 : i32
    %dma_wait3A_154 = arith.constant 0 : i32
    %dma_wait3A_155 = tpu.memref_slice %arg6[%dma_wait3A_153, %dma_wait3A_154] : memref<1280x16xf32, #tpu.memory_space<vmem>> -> memref<128x16xf32, #tpu.memory_space<vmem>>
    %dma_wait3A_156 = arith.constant 1152 : i32
    %dma_wait3A_157 = tpu.memref_slice %arg5[%dma_wait3A_156] : memref<1280xi32, #tpu.memory_space<vmem>> -> memref<128xi32, #tpu.memory_space<vmem>>
    %dma_wait3A_158 = arith.constant 0 : i32
    %dma_wait3A_159 = arith.constant 0 : i32
    %dma_wait3A_160 = tpu.memref_slice %arg2[%dma_wait3A_158, %dma_wait3A_159] : memref<16384x16xf32, #tpu.memory_space<hbm>> -> memref<16384x16xf32, #tpu.memory_space<hbm>>
    tpu.wait_indirect_dma semaphore(%arg7 : memref<!tpu.dma_semaphore, #tpu.memory_space<semaphore_mem>>) src(%dma_wait3A_160 : memref<16384x16xf32, #tpu.memory_space<hbm>>) dst(%dma_wait3A_155 : memref<128x16xf32, #tpu.memory_space<vmem>>)
    "tpu.region"() ({
      %run_scoped3A = tpu.sem_alloc : memref<!tpu.dma_semaphore, #tpu.memory_space<semaphore_mem>>
      %dma_start3A_161 = arith.constant 0 : i32
      %dma_start3A_162 = tpu.memref_slice %arg4[%mul3A_2, %dma_start3A_161] : memref<40960x16xf32, #tpu.memory_space<hbm>> -> memref<1280x16xf32, #tpu.memory_space<hbm>>
      %dma_start3A_163 = arith.constant 0 : i32
      %dma_start3A_164 = tpu.memref_slice %arg4[%mul3A_2, %dma_start3A_163] : memref<40960x16xf32, #tpu.memory_space<hbm>> -> memref<1280x16xf32, #tpu.memory_space<hbm>>
      tpu.enqueue_dma source(%arg6 : memref<1280x16xf32, #tpu.memory_space<vmem>>) target(%dma_start3A_164 : memref<1280x16xf32, #tpu.memory_space<hbm>>) target_semaphore(%run_scoped3A : memref<!tpu.dma_semaphore, #tpu.memory_space<semaphore_mem>>)
      %dma_wait3A_165 = arith.constant 0 : i32
      %dma_wait3A_166 = tpu.memref_slice %arg4[%mul3A_2, %dma_wait3A_165] : memref<40960x16xf32, #tpu.memory_space<hbm>> -> memref<1280x16xf32, #tpu.memory_space<hbm>>
      %dma_wait3A_167 = arith.constant 0 : i32
      %dma_wait3A_168 = tpu.memref_slice %arg4[%mul3A_2, %dma_wait3A_167] : memref<40960x16xf32, #tpu.memory_space<hbm>> -> memref<1280x16xf32, #tpu.memory_space<hbm>>
      tpu.wait_dma2 semaphore(%run_scoped3A : memref<!tpu.dma_semaphore, #tpu.memory_space<semaphore_mem>>) src(%arg6 : memref<1280x16xf32, #tpu.memory_space<vmem>>) dst(%dma_wait3A_168 : memref<1280x16xf32, #tpu.memory_space<hbm>>)
      tpu.yield
    }) : () -> ()
    return
  }
}

module attributes {stable_mosaic.version = 14 : i64} {
  func.func @_topk_body(%arg0: i32, %arg1: i32, %arg2: memref<1x512x3xf32, #tpu.memory_space<vmem>>, %arg3: memref<1x3x4096xf32, #tpu.memory_space<vmem>>, %arg4: memref<1x512x10xi32, #tpu.memory_space<vmem>>) attributes {dimension_semantics = [#tpu.dimension_semantics<arbitrary>, #tpu.dimension_semantics<arbitrary>], iteration_bounds = array<i64: 4, 2>, scalar_prefetch = 0 : i64, scratch_operands = 0 : i64, tpu.core_type = #tpu.core_type<tc>, window_params = [{transform_indices = @transform_0, window_bounds = array<i64: 1, 512, 3>}, {transform_indices = @transform_1, window_bounds = array<i64: 1, 3, 4096>}, {transform_indices = @transform_2, window_bounds = array<i64: 1, 512, 10>}]} {
    %get3A = arith.constant 0 : index
    %get3A_0 = arith.constant 0 : index
    %get3A_1 = arith.constant 0 : index
    %get3A_2 = vector.load %arg2[%get3A, %get3A_0, %get3A_1] : memref<1x512x3xf32, #tpu.memory_space<vmem>>, vector<1x512x3xf32>
    %get3A_3 = vector.shape_cast %get3A_2 : vector<1x512x3xf32> to vector<512x3xf32>
    %get3A_4 = arith.constant 0 : index
    %get3A_5 = arith.constant 0 : index
    %get3A_6 = arith.constant 0 : index
    %get3A_7 = vector.load %arg3[%get3A_4, %get3A_5, %get3A_6] : memref<1x3x4096xf32, #tpu.memory_space<vmem>>, vector<1x3x4096xf32>
    %get3A_8 = vector.shape_cast %get3A_7 : vector<1x3x4096xf32> to vector<3x4096xf32>
    %slice3A = vector.extract_strided_slice %get3A_3 {offsets = [0, 0], sizes = [512, 1], strides = [1, 1]} : vector<512x3xf32> to vector<512x1xf32>
    %slice3A_9 = vector.extract_strided_slice %get3A_8 {offsets = [0, 0], sizes = [1, 4096], strides = [1, 1]} : vector<3x4096xf32> to vector<1x4096xf32>
    %sub3A = vector.broadcast %slice3A : vector<512x1xf32> to vector<512x4096xf32>
    %sub3A_10 = vector.broadcast %slice3A_9 : vector<1x4096xf32> to vector<512x4096xf32>
    %sub3A_11 = arith.subf %sub3A, %sub3A_10 : vector<512x4096xf32>
    %integer_pow3A = arith.mulf %sub3A_11, %sub3A_11 : vector<512x4096xf32>
    %slice3A_12 = vector.extract_strided_slice %get3A_3 {offsets = [0, 1], sizes = [512, 1], strides = [1, 1]} : vector<512x3xf32> to vector<512x1xf32>
    %slice3A_13 = vector.extract_strided_slice %get3A_8 {offsets = [1, 0], sizes = [1, 4096], strides = [1, 1]} : vector<3x4096xf32> to vector<1x4096xf32>
    %sub3A_14 = vector.broadcast %slice3A_12 : vector<512x1xf32> to vector<512x4096xf32>
    %sub3A_15 = vector.broadcast %slice3A_13 : vector<1x4096xf32> to vector<512x4096xf32>
    %sub3A_16 = arith.subf %sub3A_14, %sub3A_15 : vector<512x4096xf32>
    %integer_pow3A_17 = arith.mulf %sub3A_16, %sub3A_16 : vector<512x4096xf32>
    %add3A = arith.addf %integer_pow3A, %integer_pow3A_17 : vector<512x4096xf32>
    %slice3A_18 = vector.extract_strided_slice %get3A_3 {offsets = [0, 2], sizes = [512, 1], strides = [1, 1]} : vector<512x3xf32> to vector<512x1xf32>
    %slice3A_19 = vector.extract_strided_slice %get3A_8 {offsets = [2, 0], sizes = [1, 4096], strides = [1, 1]} : vector<3x4096xf32> to vector<1x4096xf32>
    %sub3A_20 = vector.broadcast %slice3A_18 : vector<512x1xf32> to vector<512x4096xf32>
    %sub3A_21 = vector.broadcast %slice3A_19 : vector<1x4096xf32> to vector<512x4096xf32>
    %sub3A_22 = arith.subf %sub3A_20, %sub3A_21 : vector<512x4096xf32>
    %integer_pow3A_23 = arith.mulf %sub3A_22, %sub3A_22 : vector<512x4096xf32>
    %add3A_24 = arith.addf %add3A, %integer_pow3A_23 : vector<512x4096xf32>
    %iota3A = tpu.iota {dimensions = array<i32: 1>} : vector<512x4096xi32>
    %mul3A = arith.constant 4096 : i32
    %mul3A_25 = arith.muli %arg0, %mul3A : i32
    %reduce_min3A = arith.constant dense<0x7F800000> : vector<512xf32>
    %reduce_min3A_26 = vector.multi_reduction <minimumf>, %add3A_24, %reduce_min3A [1] : vector<512x4096xf32> to vector<512xf32>
    %broadcast_in_dim3A = vector.shape_cast %reduce_min3A_26 : vector<512xf32> to vector<512x1xf32>
    %eq3A = vector.broadcast %broadcast_in_dim3A : vector<512x1xf32> to vector<512x4096xf32>
    %eq3A_27 = arith.cmpf oeq, %add3A_24, %eq3A : vector<512x4096xf32>
    %jit3A = arith.constant 4096 : i32
    %broadcast_in_dim3A_28 = vector.broadcast %jit3A : i32 to vector<512x4096xi32>
    %select_n3A = arith.select %eq3A_27, %iota3A, %broadcast_in_dim3A_28 : vector<512x4096xi1>, vector<512x4096xi32>
    %reduce_min3A_29 = arith.constant dense<2147483647> : vector<512xi32>
    %reduce_min3A_30 = vector.multi_reduction <minsi>, %select_n3A, %reduce_min3A_29 [1] : vector<512x4096xi32> to vector<512xi32>
    %broadcast_in_dim3A_31 = vector.shape_cast %reduce_min3A_30 : vector<512xi32> to vector<512x1xi32>
    %add3A_32 = vector.broadcast %mul3A_25 : i32 to vector<512x1xi32>
    %add3A_33 = arith.addi %broadcast_in_dim3A_31, %add3A_32 : vector<512x1xi32>
    %swap3A = arith.constant 0 : index
    %swap3A_34 = arith.constant 0 : index
    %swap3A_35 = arith.constant 0 : index
    %swap3A_36 = vector.load %arg4[%swap3A, %swap3A_34, %swap3A_35] : memref<1x512x10xi32, #tpu.memory_space<vmem>>, vector<1x512x1xi32>
    %swap3A_37 = vector.shape_cast %swap3A_36 : vector<1x512x1xi32> to vector<512x1xi32>
    %swap3A_38 = vector.shape_cast %add3A_33 : vector<512x1xi32> to vector<1x512x1xi32>
    tpu.vector_store %arg4[%swap3A, %swap3A_34, %swap3A_35], %swap3A_38 {strides = array<i32>} : memref<1x512x10xi32, #tpu.memory_space<vmem>>, vector<1x512x1xi32>,
    %eq3A_39 = vector.broadcast %broadcast_in_dim3A_31 : vector<512x1xi32> to vector<512x4096xi32>
    %eq3A_40 = arith.cmpi eq, %iota3A, %eq3A_39 : vector<512x4096xi32>
    %jit3A_41 = arith.constant 0x7F800000 : f32
    %broadcast_in_dim3A_42 = vector.broadcast %jit3A_41 : f32 to vector<512x4096xf32>
    %select_n3A_43 = arith.select %eq3A_40, %broadcast_in_dim3A_42, %add3A_24 : vector<512x4096xi1>, vector<512x4096xf32>
    %reduce_min3A_44 = arith.constant dense<0x7F800000> : vector<512xf32>
    %reduce_min3A_45 = vector.multi_reduction <minimumf>, %select_n3A_43, %reduce_min3A_44 [1] : vector<512x4096xf32> to vector<512xf32>
    %broadcast_in_dim3A_46 = vector.shape_cast %reduce_min3A_45 : vector<512xf32> to vector<512x1xf32>
    %eq3A_47 = vector.broadcast %broadcast_in_dim3A_46 : vector<512x1xf32> to vector<512x4096xf32>
    %eq3A_48 = arith.cmpf oeq, %select_n3A_43, %eq3A_47 : vector<512x4096xf32>
    %jit3A_49 = arith.constant 4096 : i32
    %broadcast_in_dim3A_50 = vector.broadcast %jit3A_49 : i32 to vector<512x4096xi32>
    %select_n3A_51 = arith.select %eq3A_48, %iota3A, %broadcast_in_dim3A_50 : vector<512x4096xi1>, vector<512x4096xi32>
    %reduce_min3A_52 = arith.constant dense<2147483647> : vector<512xi32>
    %reduce_min3A_53 = vector.multi_reduction <minsi>, %select_n3A_51, %reduce_min3A_52 [1] : vector<512x4096xi32> to vector<512xi32>
    %broadcast_in_dim3A_54 = vector.shape_cast %reduce_min3A_53 : vector<512xi32> to vector<512x1xi32>
    %add3A_55 = vector.broadcast %mul3A_25 : i32 to vector<512x1xi32>
    %add3A_56 = arith.addi %broadcast_in_dim3A_54, %add3A_55 : vector<512x1xi32>
    %swap3A_57 = arith.constant 0 : index
    %swap3A_58 = arith.constant 0 : index
    %swap3A_59 = arith.constant 1 : index
    %swap3A_60 = vector.load %arg4[%swap3A_57, %swap3A_58, %swap3A_59] : memref<1x512x10xi32, #tpu.memory_space<vmem>>, vector<1x512x1xi32>
    %swap3A_61 = vector.shape_cast %swap3A_60 : vector<1x512x1xi32> to vector<512x1xi32>
    %swap3A_62 = vector.shape_cast %add3A_56 : vector<512x1xi32> to vector<1x512x1xi32>
    tpu.vector_store %arg4[%swap3A_57, %swap3A_58, %swap3A_59], %swap3A_62 {strides = array<i32>} : memref<1x512x10xi32, #tpu.memory_space<vmem>>, vector<1x512x1xi32>,
    %eq3A_63 = vector.broadcast %broadcast_in_dim3A_54 : vector<512x1xi32> to vector<512x4096xi32>
    %eq3A_64 = arith.cmpi eq, %iota3A, %eq3A_63 : vector<512x4096xi32>
    %jit3A_65 = arith.constant 0x7F800000 : f32
    %broadcast_in_dim3A_66 = vector.broadcast %jit3A_65 : f32 to vector<512x4096xf32>
    %select_n3A_67 = arith.select %eq3A_64, %broadcast_in_dim3A_66, %select_n3A_43 : vector<512x4096xi1>, vector<512x4096xf32>
    %reduce_min3A_68 = arith.constant dense<0x7F800000> : vector<512xf32>
    %reduce_min3A_69 = vector.multi_reduction <minimumf>, %select_n3A_67, %reduce_min3A_68 [1] : vector<512x4096xf32> to vector<512xf32>
    %broadcast_in_dim3A_70 = vector.shape_cast %reduce_min3A_69 : vector<512xf32> to vector<512x1xf32>
    %eq3A_71 = vector.broadcast %broadcast_in_dim3A_70 : vector<512x1xf32> to vector<512x4096xf32>
    %eq3A_72 = arith.cmpf oeq, %select_n3A_67, %eq3A_71 : vector<512x4096xf32>
    %jit3A_73 = arith.constant 4096 : i32
    %broadcast_in_dim3A_74 = vector.broadcast %jit3A_73 : i32 to vector<512x4096xi32>
    %select_n3A_75 = arith.select %eq3A_72, %iota3A, %broadcast_in_dim3A_74 : vector<512x4096xi1>, vector<512x4096xi32>
    %reduce_min3A_76 = arith.constant dense<2147483647> : vector<512xi32>
    %reduce_min3A_77 = vector.multi_reduction <minsi>, %select_n3A_75, %reduce_min3A_76 [1] : vector<512x4096xi32> to vector<512xi32>
    %broadcast_in_dim3A_78 = vector.shape_cast %reduce_min3A_77 : vector<512xi32> to vector<512x1xi32>
    %add3A_79 = vector.broadcast %mul3A_25 : i32 to vector<512x1xi32>
    %add3A_80 = arith.addi %broadcast_in_dim3A_78, %add3A_79 : vector<512x1xi32>
    %swap3A_81 = arith.constant 0 : index
    %swap3A_82 = arith.constant 0 : index
    %swap3A_83 = arith.constant 2 : index
    %swap3A_84 = vector.load %arg4[%swap3A_81, %swap3A_82, %swap3A_83] : memref<1x512x10xi32, #tpu.memory_space<vmem>>, vector<1x512x1xi32>
    %swap3A_85 = vector.shape_cast %swap3A_84 : vector<1x512x1xi32> to vector<512x1xi32>
    %swap3A_86 = vector.shape_cast %add3A_80 : vector<512x1xi32> to vector<1x512x1xi32>
    tpu.vector_store %arg4[%swap3A_81, %swap3A_82, %swap3A_83], %swap3A_86 {strides = array<i32>} : memref<1x512x10xi32, #tpu.memory_space<vmem>>, vector<1x512x1xi32>,
    %eq3A_87 = vector.broadcast %broadcast_in_dim3A_78 : vector<512x1xi32> to vector<512x4096xi32>
    %eq3A_88 = arith.cmpi eq, %iota3A, %eq3A_87 : vector<512x4096xi32>
    %jit3A_89 = arith.constant 0x7F800000 : f32
    %broadcast_in_dim3A_90 = vector.broadcast %jit3A_89 : f32 to vector<512x4096xf32>
    %select_n3A_91 = arith.select %eq3A_88, %broadcast_in_dim3A_90, %select_n3A_67 : vector<512x4096xi1>, vector<512x4096xf32>
    %reduce_min3A_92 = arith.constant dense<0x7F800000> : vector<512xf32>
    %reduce_min3A_93 = vector.multi_reduction <minimumf>, %select_n3A_91, %reduce_min3A_92 [1] : vector<512x4096xf32> to vector<512xf32>
    %broadcast_in_dim3A_94 = vector.shape_cast %reduce_min3A_93 : vector<512xf32> to vector<512x1xf32>
    %eq3A_95 = vector.broadcast %broadcast_in_dim3A_94 : vector<512x1xf32> to vector<512x4096xf32>
    %eq3A_96 = arith.cmpf oeq, %select_n3A_91, %eq3A_95 : vector<512x4096xf32>
    %jit3A_97 = arith.constant 4096 : i32
    %broadcast_in_dim3A_98 = vector.broadcast %jit3A_97 : i32 to vector<512x4096xi32>
    %select_n3A_99 = arith.select %eq3A_96, %iota3A, %broadcast_in_dim3A_98 : vector<512x4096xi1>, vector<512x4096xi32>
    %reduce_min3A_100 = arith.constant dense<2147483647> : vector<512xi32>
    %reduce_min3A_101 = vector.multi_reduction <minsi>, %select_n3A_99, %reduce_min3A_100 [1] : vector<512x4096xi32> to vector<512xi32>
    %broadcast_in_dim3A_102 = vector.shape_cast %reduce_min3A_101 : vector<512xi32> to vector<512x1xi32>
    %add3A_103 = vector.broadcast %mul3A_25 : i32 to vector<512x1xi32>
    %add3A_104 = arith.addi %broadcast_in_dim3A_102, %add3A_103 : vector<512x1xi32>
    %swap3A_105 = arith.constant 0 : index
    %swap3A_106 = arith.constant 0 : index
    %swap3A_107 = arith.constant 3 : index
    %swap3A_108 = vector.load %arg4[%swap3A_105, %swap3A_106, %swap3A_107] : memref<1x512x10xi32, #tpu.memory_space<vmem>>, vector<1x512x1xi32>
    %swap3A_109 = vector.shape_cast %swap3A_108 : vector<1x512x1xi32> to vector<512x1xi32>
    %swap3A_110 = vector.shape_cast %add3A_104 : vector<512x1xi32> to vector<1x512x1xi32>
    tpu.vector_store %arg4[%swap3A_105, %swap3A_106, %swap3A_107], %swap3A_110 {strides = array<i32>} : memref<1x512x10xi32, #tpu.memory_space<vmem>>, vector<1x512x1xi32>,
    %eq3A_111 = vector.broadcast %broadcast_in_dim3A_102 : vector<512x1xi32> to vector<512x4096xi32>
    %eq3A_112 = arith.cmpi eq, %iota3A, %eq3A_111 : vector<512x4096xi32>
    %jit3A_113 = arith.constant 0x7F800000 : f32
    %broadcast_in_dim3A_114 = vector.broadcast %jit3A_113 : f32 to vector<512x4096xf32>
    %select_n3A_115 = arith.select %eq3A_112, %broadcast_in_dim3A_114, %select_n3A_91 : vector<512x4096xi1>, vector<512x4096xf32>
    %reduce_min3A_116 = arith.constant dense<0x7F800000> : vector<512xf32>
    %reduce_min3A_117 = vector.multi_reduction <minimumf>, %select_n3A_115, %reduce_min3A_116 [1] : vector<512x4096xf32> to vector<512xf32>
    %broadcast_in_dim3A_118 = vector.shape_cast %reduce_min3A_117 : vector<512xf32> to vector<512x1xf32>
    %eq3A_119 = vector.broadcast %broadcast_in_dim3A_118 : vector<512x1xf32> to vector<512x4096xf32>
    %eq3A_120 = arith.cmpf oeq, %select_n3A_115, %eq3A_119 : vector<512x4096xf32>
    %jit3A_121 = arith.constant 4096 : i32
    %broadcast_in_dim3A_122 = vector.broadcast %jit3A_121 : i32 to vector<512x4096xi32>
    %select_n3A_123 = arith.select %eq3A_120, %iota3A, %broadcast_in_dim3A_122 : vector<512x4096xi1>, vector<512x4096xi32>
    %reduce_min3A_124 = arith.constant dense<2147483647> : vector<512xi32>
    %reduce_min3A_125 = vector.multi_reduction <minsi>, %select_n3A_123, %reduce_min3A_124 [1] : vector<512x4096xi32> to vector<512xi32>
    %broadcast_in_dim3A_126 = vector.shape_cast %reduce_min3A_125 : vector<512xi32> to vector<512x1xi32>
    %add3A_127 = vector.broadcast %mul3A_25 : i32 to vector<512x1xi32>
    %add3A_128 = arith.addi %broadcast_in_dim3A_126, %add3A_127 : vector<512x1xi32>
    %swap3A_129 = arith.constant 0 : index
    %swap3A_130 = arith.constant 0 : index
    %swap3A_131 = arith.constant 4 : index
    %swap3A_132 = vector.load %arg4[%swap3A_129, %swap3A_130, %swap3A_131] : memref<1x512x10xi32, #tpu.memory_space<vmem>>, vector<1x512x1xi32>
    %swap3A_133 = vector.shape_cast %swap3A_132 : vector<1x512x1xi32> to vector<512x1xi32>
    %swap3A_134 = vector.shape_cast %add3A_128 : vector<512x1xi32> to vector<1x512x1xi32>
    tpu.vector_store %arg4[%swap3A_129, %swap3A_130, %swap3A_131], %swap3A_134 {strides = array<i32>} : memref<1x512x10xi32, #tpu.memory_space<vmem>>, vector<1x512x1xi32>,
    %eq3A_135 = vector.broadcast %broadcast_in_dim3A_126 : vector<512x1xi32> to vector<512x4096xi32>
    %eq3A_136 = arith.cmpi eq, %iota3A, %eq3A_135 : vector<512x4096xi32>
    %jit3A_137 = arith.constant 0x7F800000 : f32
    %broadcast_in_dim3A_138 = vector.broadcast %jit3A_137 : f32 to vector<512x4096xf32>
    %select_n3A_139 = arith.select %eq3A_136, %broadcast_in_dim3A_138, %select_n3A_115 : vector<512x4096xi1>, vector<512x4096xf32>
    %reduce_min3A_140 = arith.constant dense<0x7F800000> : vector<512xf32>
    %reduce_min3A_141 = vector.multi_reduction <minimumf>, %select_n3A_139, %reduce_min3A_140 [1] : vector<512x4096xf32> to vector<512xf32>
    %broadcast_in_dim3A_142 = vector.shape_cast %reduce_min3A_141 : vector<512xf32> to vector<512x1xf32>
    %eq3A_143 = vector.broadcast %broadcast_in_dim3A_142 : vector<512x1xf32> to vector<512x4096xf32>
    %eq3A_144 = arith.cmpf oeq, %select_n3A_139, %eq3A_143 : vector<512x4096xf32>
    %jit3A_145 = arith.constant 4096 : i32
    %broadcast_in_dim3A_146 = vector.broadcast %jit3A_145 : i32 to vector<512x4096xi32>
    %select_n3A_147 = arith.select %eq3A_144, %iota3A, %broadcast_in_dim3A_146 : vector<512x4096xi1>, vector<512x4096xi32>
    %reduce_min3A_148 = arith.constant dense<2147483647> : vector<512xi32>
    %reduce_min3A_149 = vector.multi_reduction <minsi>, %select_n3A_147, %reduce_min3A_148 [1] : vector<512x4096xi32> to vector<512xi32>
    %broadcast_in_dim3A_150 = vector.shape_cast %reduce_min3A_149 : vector<512xi32> to vector<512x1xi32>
    %add3A_151 = vector.broadcast %mul3A_25 : i32 to vector<512x1xi32>
    %add3A_152 = arith.addi %broadcast_in_dim3A_150, %add3A_151 : vector<512x1xi32>
    %swap3A_153 = arith.constant 0 : index
    %swap3A_154 = arith.constant 0 : index
    %swap3A_155 = arith.constant 5 : index
    %swap3A_156 = vector.load %arg4[%swap3A_153, %swap3A_154, %swap3A_155] : memref<1x512x10xi32, #tpu.memory_space<vmem>>, vector<1x512x1xi32>
    %swap3A_157 = vector.shape_cast %swap3A_156 : vector<1x512x1xi32> to vector<512x1xi32>
    %swap3A_158 = vector.shape_cast %add3A_152 : vector<512x1xi32> to vector<1x512x1xi32>
    tpu.vector_store %arg4[%swap3A_153, %swap3A_154, %swap3A_155], %swap3A_158 {strides = array<i32>} : memref<1x512x10xi32, #tpu.memory_space<vmem>>, vector<1x512x1xi32>,
    %eq3A_159 = vector.broadcast %broadcast_in_dim3A_150 : vector<512x1xi32> to vector<512x4096xi32>
    %eq3A_160 = arith.cmpi eq, %iota3A, %eq3A_159 : vector<512x4096xi32>
    %jit3A_161 = arith.constant 0x7F800000 : f32
    %broadcast_in_dim3A_162 = vector.broadcast %jit3A_161 : f32 to vector<512x4096xf32>
    %select_n3A_163 = arith.select %eq3A_160, %broadcast_in_dim3A_162, %select_n3A_139 : vector<512x4096xi1>, vector<512x4096xf32>
    %reduce_min3A_164 = arith.constant dense<0x7F800000> : vector<512xf32>
    %reduce_min3A_165 = vector.multi_reduction <minimumf>, %select_n3A_163, %reduce_min3A_164 [1] : vector<512x4096xf32> to vector<512xf32>
    %broadcast_in_dim3A_166 = vector.shape_cast %reduce_min3A_165 : vector<512xf32> to vector<512x1xf32>
    %eq3A_167 = vector.broadcast %broadcast_in_dim3A_166 : vector<512x1xf32> to vector<512x4096xf32>
    %eq3A_168 = arith.cmpf oeq, %select_n3A_163, %eq3A_167 : vector<512x4096xf32>
    %jit3A_169 = arith.constant 4096 : i32
    %broadcast_in_dim3A_170 = vector.broadcast %jit3A_169 : i32 to vector<512x4096xi32>
    %select_n3A_171 = arith.select %eq3A_168, %iota3A, %broadcast_in_dim3A_170 : vector<512x4096xi1>, vector<512x4096xi32>
    %reduce_min3A_172 = arith.constant dense<2147483647> : vector<512xi32>
    %reduce_min3A_173 = vector.multi_reduction <minsi>, %select_n3A_171, %reduce_min3A_172 [1] : vector<512x4096xi32> to vector<512xi32>
    %broadcast_in_dim3A_174 = vector.shape_cast %reduce_min3A_173 : vector<512xi32> to vector<512x1xi32>
    %add3A_175 = vector.broadcast %mul3A_25 : i32 to vector<512x1xi32>
    %add3A_176 = arith.addi %broadcast_in_dim3A_174, %add3A_175 : vector<512x1xi32>
    %swap3A_177 = arith.constant 0 : index
    %swap3A_178 = arith.constant 0 : index
    %swap3A_179 = arith.constant 6 : index
    %swap3A_180 = vector.load %arg4[%swap3A_177, %swap3A_178, %swap3A_179] : memref<1x512x10xi32, #tpu.memory_space<vmem>>, vector<1x512x1xi32>
    %swap3A_181 = vector.shape_cast %swap3A_180 : vector<1x512x1xi32> to vector<512x1xi32>
    %swap3A_182 = vector.shape_cast %add3A_176 : vector<512x1xi32> to vector<1x512x1xi32>
    tpu.vector_store %arg4[%swap3A_177, %swap3A_178, %swap3A_179], %swap3A_182 {strides = array<i32>} : memref<1x512x10xi32, #tpu.memory_space<vmem>>, vector<1x512x1xi32>,
    %eq3A_183 = vector.broadcast %broadcast_in_dim3A_174 : vector<512x1xi32> to vector<512x4096xi32>
    %eq3A_184 = arith.cmpi eq, %iota3A, %eq3A_183 : vector<512x4096xi32>
    %jit3A_185 = arith.constant 0x7F800000 : f32
    %broadcast_in_dim3A_186 = vector.broadcast %jit3A_185 : f32 to vector<512x4096xf32>
    %select_n3A_187 = arith.select %eq3A_184, %broadcast_in_dim3A_186, %select_n3A_163 : vector<512x4096xi1>, vector<512x4096xf32>
    %reduce_min3A_188 = arith.constant dense<0x7F800000> : vector<512xf32>
    %reduce_min3A_189 = vector.multi_reduction <minimumf>, %select_n3A_187, %reduce_min3A_188 [1] : vector<512x4096xf32> to vector<512xf32>
    %broadcast_in_dim3A_190 = vector.shape_cast %reduce_min3A_189 : vector<512xf32> to vector<512x1xf32>
    %eq3A_191 = vector.broadcast %broadcast_in_dim3A_190 : vector<512x1xf32> to vector<512x4096xf32>
    %eq3A_192 = arith.cmpf oeq, %select_n3A_187, %eq3A_191 : vector<512x4096xf32>
    %jit3A_193 = arith.constant 4096 : i32
    %broadcast_in_dim3A_194 = vector.broadcast %jit3A_193 : i32 to vector<512x4096xi32>
    %select_n3A_195 = arith.select %eq3A_192, %iota3A, %broadcast_in_dim3A_194 : vector<512x4096xi1>, vector<512x4096xi32>
    %reduce_min3A_196 = arith.constant dense<2147483647> : vector<512xi32>
    %reduce_min3A_197 = vector.multi_reduction <minsi>, %select_n3A_195, %reduce_min3A_196 [1] : vector<512x4096xi32> to vector<512xi32>
    %broadcast_in_dim3A_198 = vector.shape_cast %reduce_min3A_197 : vector<512xi32> to vector<512x1xi32>
    %add3A_199 = vector.broadcast %mul3A_25 : i32 to vector<512x1xi32>
    %add3A_200 = arith.addi %broadcast_in_dim3A_198, %add3A_199 : vector<512x1xi32>
    %swap3A_201 = arith.constant 0 : index
    %swap3A_202 = arith.constant 0 : index
    %swap3A_203 = arith.constant 7 : index
    %swap3A_204 = vector.load %arg4[%swap3A_201, %swap3A_202, %swap3A_203] : memref<1x512x10xi32, #tpu.memory_space<vmem>>, vector<1x512x1xi32>
    %swap3A_205 = vector.shape_cast %swap3A_204 : vector<1x512x1xi32> to vector<512x1xi32>
    %swap3A_206 = vector.shape_cast %add3A_200 : vector<512x1xi32> to vector<1x512x1xi32>
    tpu.vector_store %arg4[%swap3A_201, %swap3A_202, %swap3A_203], %swap3A_206 {strides = array<i32>} : memref<1x512x10xi32, #tpu.memory_space<vmem>>, vector<1x512x1xi32>,
    %eq3A_207 = vector.broadcast %broadcast_in_dim3A_198 : vector<512x1xi32> to vector<512x4096xi32>
    %eq3A_208 = arith.cmpi eq, %iota3A, %eq3A_207 : vector<512x4096xi32>
    %jit3A_209 = arith.constant 0x7F800000 : f32
    %broadcast_in_dim3A_210 = vector.broadcast %jit3A_209 : f32 to vector<512x4096xf32>
    %select_n3A_211 = arith.select %eq3A_208, %broadcast_in_dim3A_210, %select_n3A_187 : vector<512x4096xi1>, vector<512x4096xf32>
    %reduce_min3A_212 = arith.constant dense<0x7F800000> : vector<512xf32>
    %reduce_min3A_213 = vector.multi_reduction <minimumf>, %select_n3A_211, %reduce_min3A_212 [1] : vector<512x4096xf32> to vector<512xf32>
    %broadcast_in_dim3A_214 = vector.shape_cast %reduce_min3A_213 : vector<512xf32> to vector<512x1xf32>
    %eq3A_215 = vector.broadcast %broadcast_in_dim3A_214 : vector<512x1xf32> to vector<512x4096xf32>
    %eq3A_216 = arith.cmpf oeq, %select_n3A_211, %eq3A_215 : vector<512x4096xf32>
    %jit3A_217 = arith.constant 4096 : i32
    %broadcast_in_dim3A_218 = vector.broadcast %jit3A_217 : i32 to vector<512x4096xi32>
    %select_n3A_219 = arith.select %eq3A_216, %iota3A, %broadcast_in_dim3A_218 : vector<512x4096xi1>, vector<512x4096xi32>
    %reduce_min3A_220 = arith.constant dense<2147483647> : vector<512xi32>
    %reduce_min3A_221 = vector.multi_reduction <minsi>, %select_n3A_219, %reduce_min3A_220 [1] : vector<512x4096xi32> to vector<512xi32>
    %broadcast_in_dim3A_222 = vector.shape_cast %reduce_min3A_221 : vector<512xi32> to vector<512x1xi32>
    %add3A_223 = vector.broadcast %mul3A_25 : i32 to vector<512x1xi32>
    %add3A_224 = arith.addi %broadcast_in_dim3A_222, %add3A_223 : vector<512x1xi32>
    %swap3A_225 = arith.constant 0 : index
    %swap3A_226 = arith.constant 0 : index
    %swap3A_227 = arith.constant 8 : index
    %swap3A_228 = vector.load %arg4[%swap3A_225, %swap3A_226, %swap3A_227] : memref<1x512x10xi32, #tpu.memory_space<vmem>>, vector<1x512x1xi32>
    %swap3A_229 = vector.shape_cast %swap3A_228 : vector<1x512x1xi32> to vector<512x1xi32>
    %swap3A_230 = vector.shape_cast %add3A_224 : vector<512x1xi32> to vector<1x512x1xi32>
    tpu.vector_store %arg4[%swap3A_225, %swap3A_226, %swap3A_227], %swap3A_230 {strides = array<i32>} : memref<1x512x10xi32, #tpu.memory_space<vmem>>, vector<1x512x1xi32>,
    %eq3A_231 = vector.broadcast %broadcast_in_dim3A_222 : vector<512x1xi32> to vector<512x4096xi32>
    %eq3A_232 = arith.cmpi eq, %iota3A, %eq3A_231 : vector<512x4096xi32>
    %jit3A_233 = arith.constant 0x7F800000 : f32
    %broadcast_in_dim3A_234 = vector.broadcast %jit3A_233 : f32 to vector<512x4096xf32>
    %select_n3A_235 = arith.select %eq3A_232, %broadcast_in_dim3A_234, %select_n3A_211 : vector<512x4096xi1>, vector<512x4096xf32>
    %reduce_min3A_236 = arith.constant dense<0x7F800000> : vector<512xf32>
    %reduce_min3A_237 = vector.multi_reduction <minimumf>, %select_n3A_235, %reduce_min3A_236 [1] : vector<512x4096xf32> to vector<512xf32>
    %broadcast_in_dim3A_238 = vector.shape_cast %reduce_min3A_237 : vector<512xf32> to vector<512x1xf32>
    %eq3A_239 = vector.broadcast %broadcast_in_dim3A_238 : vector<512x1xf32> to vector<512x4096xf32>
    %eq3A_240 = arith.cmpf oeq, %select_n3A_235, %eq3A_239 : vector<512x4096xf32>
    %jit3A_241 = arith.constant 4096 : i32
    %broadcast_in_dim3A_242 = vector.broadcast %jit3A_241 : i32 to vector<512x4096xi32>
    %select_n3A_243 = arith.select %eq3A_240, %iota3A, %broadcast_in_dim3A_242 : vector<512x4096xi1>, vector<512x4096xi32>
    %reduce_min3A_244 = arith.constant dense<2147483647> : vector<512xi32>
    %reduce_min3A_245 = vector.multi_reduction <minsi>, %select_n3A_243, %reduce_min3A_244 [1] : vector<512x4096xi32> to vector<512xi32>
    %broadcast_in_dim3A_246 = vector.shape_cast %reduce_min3A_245 : vector<512xi32> to vector<512x1xi32>
    %add3A_247 = vector.broadcast %mul3A_25 : i32 to vector<512x1xi32>
    %add3A_248 = arith.addi %broadcast_in_dim3A_246, %add3A_247 : vector<512x1xi32>
    %swap3A_249 = arith.constant 0 : index
    %swap3A_250 = arith.constant 0 : index
    %swap3A_251 = arith.constant 9 : index
    %swap3A_252 = vector.load %arg4[%swap3A_249, %swap3A_250, %swap3A_251] : memref<1x512x10xi32, #tpu.memory_space<vmem>>, vector<1x512x1xi32>
    %swap3A_253 = vector.shape_cast %swap3A_252 : vector<1x512x1xi32> to vector<512x1xi32>
    %swap3A_254 = vector.shape_cast %add3A_248 : vector<512x1xi32> to vector<1x512x1xi32>
    tpu.vector_store %arg4[%swap3A_249, %swap3A_250, %swap3A_251], %swap3A_254 {strides = array<i32>} : memref<1x512x10xi32, #tpu.memory_space<vmem>>, vector<1x512x1xi32>,
    return
  }
  func.func @transform_0(%arg0: i32, %arg1: i32) -> (i32, i32, i32) {
    %c0_i32 = arith.constant 0 : i32
    %c0_i32_0 = arith.constant 0 : i32
    return %arg0, %arg1, %c0_i32 : i32, i32, i32
  }
  func.func @transform_1(%arg0: i32, %arg1: i32) -> (i32, i32, i32) {
    %c0_i32 = arith.constant 0 : i32
    %c0_i32_0 = arith.constant 0 : i32
    %c0_i32_1 = arith.constant 0 : i32
    return %arg0, %c0_i32, %c0_i32_0 : i32, i32, i32
  }
  func.func @transform_2(%arg0: i32, %arg1: i32) -> (i32, i32, i32) {
    %c0_i32 = arith.constant 0 : i32
    %c0_i32_0 = arith.constant 0 : i32
    return %arg0, %arg1, %c0_i32 : i32, i32, i32
  }
}

module attributes {stable_mosaic.version = 14 : i64} {
  func.func @_local_body(%arg0: i32, %arg1: memref<1x16x1024xf32, #tpu.memory_space<vmem>>, %arg2: memref<1x16x1024xf32, #tpu.memory_space<vmem>>, %arg3: memref<1x16x1024xf32, #tpu.memory_space<vmem>>, %arg4: memref<1x16x16x1024xf32, #tpu.memory_space<vmem>>, %arg5: memref<1x10x1024xf32, #tpu.memory_space<vmem>>, %arg6: memref<1x10x1024xf32, #tpu.memory_space<vmem>>, %arg7: memref<1x10x1024xf32, #tpu.memory_space<vmem>>, %arg8: memref<1x10x1024xf32, #tpu.memory_space<vmem>>, %arg9: memref<1x1x128xf32, #tpu.memory_space<vmem>>) attributes {dimension_semantics = [#tpu.dimension_semantics<arbitrary>], iteration_bounds = array<i64: 4>, scalar_prefetch = 0 : i64, scratch_operands = 0 : i64, tpu.core_type = #tpu.core_type<tc>, window_params = [{transform_indices = @transform_0, window_bounds = array<i64: 1, 16, 1024>}, {transform_indices = @transform_1, window_bounds = array<i64: 1, 16, 1024>}, {transform_indices = @transform_2, window_bounds = array<i64: 1, 16, 1024>}, {transform_indices = @transform_3, window_bounds = array<i64: 1, 16, 16, 1024>}, {transform_indices = @transform_4, window_bounds = array<i64: 1, 10, 1024>}, {transform_indices = @transform_5, window_bounds = array<i64: 1, 10, 1024>}, {transform_indices = @transform_6, window_bounds = array<i64: 1, 10, 1024>}, {transform_indices = @transform_7, window_bounds = array<i64: 1, 10, 1024>}, {transform_indices = @transform_8, window_bounds = array<i64: 1, 1, 128>}]} {
    %get3A = arith.constant 0 : index
    %get3A_0 = arith.constant 0 : index
    %get3A_1 = arith.constant 0 : index
    %get3A_2 = vector.load %arg1[%get3A, %get3A_0, %get3A_1] : memref<1x16x1024xf32, #tpu.memory_space<vmem>>, vector<1x16x1024xf32>
    %get3A_3 = vector.shape_cast %get3A_2 : vector<1x16x1024xf32> to vector<16x1024xf32>
    %get3A_4 = arith.constant 0 : index
    %get3A_5 = arith.constant 0 : index
    %get3A_6 = arith.constant 0 : index
    %get3A_7 = vector.load %arg2[%get3A_4, %get3A_5, %get3A_6] : memref<1x16x1024xf32, #tpu.memory_space<vmem>>, vector<1x16x1024xf32>
    %get3A_8 = vector.shape_cast %get3A_7 : vector<1x16x1024xf32> to vector<16x1024xf32>
    %get3A_9 = arith.constant 0 : index
    %get3A_10 = arith.constant 0 : index
    %get3A_11 = arith.constant 0 : index
    %get3A_12 = vector.load %arg3[%get3A_9, %get3A_10, %get3A_11] : memref<1x16x1024xf32, #tpu.memory_space<vmem>>, vector<1x16x1024xf32>
    %get3A_13 = vector.shape_cast %get3A_12 : vector<1x16x1024xf32> to vector<16x1024xf32>
    %get3A_14 = arith.constant 0 : index
    %get3A_15 = arith.constant 0 : index
    %get3A_16 = arith.constant 0 : index
    %get3A_17 = vector.load %arg5[%get3A_14, %get3A_15, %get3A_16] : memref<1x10x1024xf32, #tpu.memory_space<vmem>>, vector<1x10x1024xf32>
    %get3A_18 = vector.shape_cast %get3A_17 : vector<1x10x1024xf32> to vector<10x1024xf32>
    %get3A_19 = arith.constant 0 : index
    %get3A_20 = arith.constant 0 : index
    %get3A_21 = arith.constant 0 : index
    %get3A_22 = vector.load %arg6[%get3A_19, %get3A_20, %get3A_21] : memref<1x10x1024xf32, #tpu.memory_space<vmem>>, vector<1x10x1024xf32>
    %get3A_23 = vector.shape_cast %get3A_22 : vector<1x10x1024xf32> to vector<10x1024xf32>
    %get3A_24 = arith.constant 0 : index
    %get3A_25 = arith.constant 0 : index
    %get3A_26 = arith.constant 0 : index
    %get3A_27 = vector.load %arg7[%get3A_24, %get3A_25, %get3A_26] : memref<1x10x1024xf32, #tpu.memory_space<vmem>>, vector<1x10x1024xf32>
    %get3A_28 = vector.shape_cast %get3A_27 : vector<1x10x1024xf32> to vector<10x1024xf32>
    %get3A_29 = arith.constant 0 : index
    %get3A_30 = arith.constant 0 : index
    %get3A_31 = arith.constant 0 : index
    %get3A_32 = vector.load %arg8[%get3A_29, %get3A_30, %get3A_31] : memref<1x10x1024xf32, #tpu.memory_space<vmem>>, vector<1x10x1024xf32>
    %get3A_33 = vector.shape_cast %get3A_32 : vector<1x10x1024xf32> to vector<10x1024xf32>
    %convert_element_type3A = arith.fptosi %get3A_33 : vector<10x1024xf32> to vector<10x1024xi32>
    %iota3A = tpu.iota {dimensions = array<i32: 0>} : vector<16x1024xi32>
    %get3A_34 = arith.constant 0 : index
    %get3A_35 = arith.constant 0 : index
    %get3A_36 = arith.constant 0 : index
    %get3A_37 = arith.constant 0 : index
    %get3A_38 = vector.load %arg4[%get3A_34, %get3A_35, %get3A_36, %get3A_37] : memref<1x16x16x1024xf32, #tpu.memory_space<vmem>>, vector<1x1x16x1024xf32>
    %get3A_39 = vector.shape_cast %get3A_38 : vector<1x1x16x1024xf32> to vector<16x1024xf32>
    %get3A_40 = arith.constant 0 : index
    %get3A_41 = arith.constant 1 : index
    %get3A_42 = arith.constant 0 : index
    %get3A_43 = arith.constant 0 : index
    %get3A_44 = vector.load %arg4[%get3A_40, %get3A_41, %get3A_42, %get3A_43] : memref<1x16x16x1024xf32, #tpu.memory_space<vmem>>, vector<1x1x16x1024xf32>
    %get3A_45 = vector.shape_cast %get3A_44 : vector<1x1x16x1024xf32> to vector<16x1024xf32>
    %get3A_46 = arith.constant 0 : index
    %get3A_47 = arith.constant 2 : index
    %get3A_48 = arith.constant 0 : index
    %get3A_49 = arith.constant 0 : index
    %get3A_50 = vector.load %arg4[%get3A_46, %get3A_47, %get3A_48, %get3A_49] : memref<1x16x16x1024xf32, #tpu.memory_space<vmem>>, vector<1x1x16x1024xf32>
    %get3A_51 = vector.shape_cast %get3A_50 : vector<1x1x16x1024xf32> to vector<16x1024xf32>
    %get3A_52 = arith.constant 0 : index
    %get3A_53 = arith.constant 3 : index
    %get3A_54 = arith.constant 0 : index
    %get3A_55 = arith.constant 0 : index
    %get3A_56 = vector.load %arg4[%get3A_52, %get3A_53, %get3A_54, %get3A_55] : memref<1x16x16x1024xf32, #tpu.memory_space<vmem>>, vector<1x1x16x1024xf32>
    %get3A_57 = vector.shape_cast %get3A_56 : vector<1x1x16x1024xf32> to vector<16x1024xf32>
    %get3A_58 = arith.constant 0 : index
    %get3A_59 = arith.constant 4 : index
    %get3A_60 = arith.constant 0 : index
    %get3A_61 = arith.constant 0 : index
    %get3A_62 = vector.load %arg4[%get3A_58, %get3A_59, %get3A_60, %get3A_61] : memref<1x16x16x1024xf32, #tpu.memory_space<vmem>>, vector<1x1x16x1024xf32>
    %get3A_63 = vector.shape_cast %get3A_62 : vector<1x1x16x1024xf32> to vector<16x1024xf32>
    %get3A_64 = arith.constant 0 : index
    %get3A_65 = arith.constant 5 : index
    %get3A_66 = arith.constant 0 : index
    %get3A_67 = arith.constant 0 : index
    %get3A_68 = vector.load %arg4[%get3A_64, %get3A_65, %get3A_66, %get3A_67] : memref<1x16x16x1024xf32, #tpu.memory_space<vmem>>, vector<1x1x16x1024xf32>
    %get3A_69 = vector.shape_cast %get3A_68 : vector<1x1x16x1024xf32> to vector<16x1024xf32>
    %get3A_70 = arith.constant 0 : index
    %get3A_71 = arith.constant 6 : index
    %get3A_72 = arith.constant 0 : index
    %get3A_73 = arith.constant 0 : index
    %get3A_74 = vector.load %arg4[%get3A_70, %get3A_71, %get3A_72, %get3A_73] : memref<1x16x16x1024xf32, #tpu.memory_space<vmem>>, vector<1x1x16x1024xf32>
    %get3A_75 = vector.shape_cast %get3A_74 : vector<1x1x16x1024xf32> to vector<16x1024xf32>
    %get3A_76 = arith.constant 0 : index
    %get3A_77 = arith.constant 7 : index
    %get3A_78 = arith.constant 0 : index
    %get3A_79 = arith.constant 0 : index
    %get3A_80 = vector.load %arg4[%get3A_76, %get3A_77, %get3A_78, %get3A_79] : memref<1x16x16x1024xf32, #tpu.memory_space<vmem>>, vector<1x1x16x1024xf32>
    %get3A_81 = vector.shape_cast %get3A_80 : vector<1x1x16x1024xf32> to vector<16x1024xf32>
    %get3A_82 = arith.constant 0 : index
    %get3A_83 = arith.constant 8 : index
    %get3A_84 = arith.constant 0 : index
    %get3A_85 = arith.constant 0 : index
    %get3A_86 = vector.load %arg4[%get3A_82, %get3A_83, %get3A_84, %get3A_85] : memref<1x16x16x1024xf32, #tpu.memory_space<vmem>>, vector<1x1x16x1024xf32>
    %get3A_87 = vector.shape_cast %get3A_86 : vector<1x1x16x1024xf32> to vector<16x1024xf32>
    %get3A_88 = arith.constant 0 : index
    %get3A_89 = arith.constant 9 : index
    %get3A_90 = arith.constant 0 : index
    %get3A_91 = arith.constant 0 : index
    %get3A_92 = vector.load %arg4[%get3A_88, %get3A_89, %get3A_90, %get3A_91] : memref<1x16x16x1024xf32, #tpu.memory_space<vmem>>, vector<1x1x16x1024xf32>
    %get3A_93 = vector.shape_cast %get3A_92 : vector<1x1x16x1024xf32> to vector<16x1024xf32>
    %get3A_94 = arith.constant 0 : index
    %get3A_95 = arith.constant 10 : index
    %get3A_96 = arith.constant 0 : index
    %get3A_97 = arith.constant 0 : index
    %get3A_98 = vector.load %arg4[%get3A_94, %get3A_95, %get3A_96, %get3A_97] : memref<1x16x16x1024xf32, #tpu.memory_space<vmem>>, vector<1x1x16x1024xf32>
    %get3A_99 = vector.shape_cast %get3A_98 : vector<1x1x16x1024xf32> to vector<16x1024xf32>
    %get3A_100 = arith.constant 0 : index
    %get3A_101 = arith.constant 11 : index
    %get3A_102 = arith.constant 0 : index
    %get3A_103 = arith.constant 0 : index
    %get3A_104 = vector.load %arg4[%get3A_100, %get3A_101, %get3A_102, %get3A_103] : memref<1x16x16x1024xf32, #tpu.memory_space<vmem>>, vector<1x1x16x1024xf32>
    %get3A_105 = vector.shape_cast %get3A_104 : vector<1x1x16x1024xf32> to vector<16x1024xf32>
    %get3A_106 = arith.constant 0 : index
    %get3A_107 = arith.constant 12 : index
    %get3A_108 = arith.constant 0 : index
    %get3A_109 = arith.constant 0 : index
    %get3A_110 = vector.load %arg4[%get3A_106, %get3A_107, %get3A_108, %get3A_109] : memref<1x16x16x1024xf32, #tpu.memory_space<vmem>>, vector<1x1x16x1024xf32>
    %get3A_111 = vector.shape_cast %get3A_110 : vector<1x1x16x1024xf32> to vector<16x1024xf32>
    %get3A_112 = arith.constant 0 : index
    %get3A_113 = arith.constant 13 : index
    %get3A_114 = arith.constant 0 : index
    %get3A_115 = arith.constant 0 : index
    %get3A_116 = vector.load %arg4[%get3A_112, %get3A_113, %get3A_114, %get3A_115] : memref<1x16x16x1024xf32, #tpu.memory_space<vmem>>, vector<1x1x16x1024xf32>
    %get3A_117 = vector.shape_cast %get3A_116 : vector<1x1x16x1024xf32> to vector<16x1024xf32>
    %get3A_118 = arith.constant 0 : index
    %get3A_119 = arith.constant 14 : index
    %get3A_120 = arith.constant 0 : index
    %get3A_121 = arith.constant 0 : index
    %get3A_122 = vector.load %arg4[%get3A_118, %get3A_119, %get3A_120, %get3A_121] : memref<1x16x16x1024xf32, #tpu.memory_space<vmem>>, vector<1x1x16x1024xf32>
    %get3A_123 = vector.shape_cast %get3A_122 : vector<1x1x16x1024xf32> to vector<16x1024xf32>
    %get3A_124 = arith.constant 0 : index
    %get3A_125 = arith.constant 15 : index
    %get3A_126 = arith.constant 0 : index
    %get3A_127 = arith.constant 0 : index
    %get3A_128 = vector.load %arg4[%get3A_124, %get3A_125, %get3A_126, %get3A_127] : memref<1x16x16x1024xf32, #tpu.memory_space<vmem>>, vector<1x1x16x1024xf32>
    %get3A_129 = vector.shape_cast %get3A_128 : vector<1x1x16x1024xf32> to vector<16x1024xf32>
    %broadcast_in_dim3A = arith.constant 0 : i32
    %broadcast_in_dim3A_130 = vector.broadcast %broadcast_in_dim3A : i32 to vector<16x1024xi32>
    %gt3A = arith.cmpf ogt, %get3A_45, %get3A_39 : vector<16x1024xf32>
    %jit3A = arith.constant 1 : i32
    %broadcast_in_dim3A_131 = vector.broadcast %jit3A : i32 to vector<16x1024xi32>
    %select_n3A = arith.select %gt3A, %broadcast_in_dim3A_131, %broadcast_in_dim3A_130 : vector<16x1024xi1>, vector<16x1024xi32>
    %select_n3A_132 = arith.select %gt3A, %get3A_45, %get3A_39 : vector<16x1024xi1>, vector<16x1024xf32>
    %gt3A_133 = arith.cmpf ogt, %get3A_51, %select_n3A_132 : vector<16x1024xf32>
    %jit3A_134 = arith.constant 2 : i32
    %broadcast_in_dim3A_135 = vector.broadcast %jit3A_134 : i32 to vector<16x1024xi32>
    %select_n3A_136 = arith.select %gt3A_133, %broadcast_in_dim3A_135, %select_n3A : vector<16x1024xi1>, vector<16x1024xi32>
    %select_n3A_137 = arith.select %gt3A_133, %get3A_51, %select_n3A_132 : vector<16x1024xi1>, vector<16x1024xf32>
    %gt3A_138 = arith.cmpf ogt, %get3A_57, %select_n3A_137 : vector<16x1024xf32>
    %jit3A_139 = arith.constant 3 : i32
    %broadcast_in_dim3A_140 = vector.broadcast %jit3A_139 : i32 to vector<16x1024xi32>
    %select_n3A_141 = arith.select %gt3A_138, %broadcast_in_dim3A_140, %select_n3A_136 : vector<16x1024xi1>, vector<16x1024xi32>
    %select_n3A_142 = arith.select %gt3A_138, %get3A_57, %select_n3A_137 : vector<16x1024xi1>, vector<16x1024xf32>
    %gt3A_143 = arith.cmpf ogt, %get3A_63, %select_n3A_142 : vector<16x1024xf32>
    %jit3A_144 = arith.constant 4 : i32
    %broadcast_in_dim3A_145 = vector.broadcast %jit3A_144 : i32 to vector<16x1024xi32>
    %select_n3A_146 = arith.select %gt3A_143, %broadcast_in_dim3A_145, %select_n3A_141 : vector<16x1024xi1>, vector<16x1024xi32>
    %select_n3A_147 = arith.select %gt3A_143, %get3A_63, %select_n3A_142 : vector<16x1024xi1>, vector<16x1024xf32>
    %gt3A_148 = arith.cmpf ogt, %get3A_69, %select_n3A_147 : vector<16x1024xf32>
    %jit3A_149 = arith.constant 5 : i32
    %broadcast_in_dim3A_150 = vector.broadcast %jit3A_149 : i32 to vector<16x1024xi32>
    %select_n3A_151 = arith.select %gt3A_148, %broadcast_in_dim3A_150, %select_n3A_146 : vector<16x1024xi1>, vector<16x1024xi32>
    %select_n3A_152 = arith.select %gt3A_148, %get3A_69, %select_n3A_147 : vector<16x1024xi1>, vector<16x1024xf32>
    %gt3A_153 = arith.cmpf ogt, %get3A_75, %select_n3A_152 : vector<16x1024xf32>
    %jit3A_154 = arith.constant 6 : i32
    %broadcast_in_dim3A_155 = vector.broadcast %jit3A_154 : i32 to vector<16x1024xi32>
    %select_n3A_156 = arith.select %gt3A_153, %broadcast_in_dim3A_155, %select_n3A_151 : vector<16x1024xi1>, vector<16x1024xi32>
    %select_n3A_157 = arith.select %gt3A_153, %get3A_75, %select_n3A_152 : vector<16x1024xi1>, vector<16x1024xf32>
    %gt3A_158 = arith.cmpf ogt, %get3A_81, %select_n3A_157 : vector<16x1024xf32>
    %jit3A_159 = arith.constant 7 : i32
    %broadcast_in_dim3A_160 = vector.broadcast %jit3A_159 : i32 to vector<16x1024xi32>
    %select_n3A_161 = arith.select %gt3A_158, %broadcast_in_dim3A_160, %select_n3A_156 : vector<16x1024xi1>, vector<16x1024xi32>
    %select_n3A_162 = arith.select %gt3A_158, %get3A_81, %select_n3A_157 : vector<16x1024xi1>, vector<16x1024xf32>
    %gt3A_163 = arith.cmpf ogt, %get3A_87, %select_n3A_162 : vector<16x1024xf32>
    %jit3A_164 = arith.constant 8 : i32
    %broadcast_in_dim3A_165 = vector.broadcast %jit3A_164 : i32 to vector<16x1024xi32>
    %select_n3A_166 = arith.select %gt3A_163, %broadcast_in_dim3A_165, %select_n3A_161 : vector<16x1024xi1>, vector<16x1024xi32>
    %select_n3A_167 = arith.select %gt3A_163, %get3A_87, %select_n3A_162 : vector<16x1024xi1>, vector<16x1024xf32>
    %gt3A_168 = arith.cmpf ogt, %get3A_93, %select_n3A_167 : vector<16x1024xf32>
    %jit3A_169 = arith.constant 9 : i32
    %broadcast_in_dim3A_170 = vector.broadcast %jit3A_169 : i32 to vector<16x1024xi32>
    %select_n3A_171 = arith.select %gt3A_168, %broadcast_in_dim3A_170, %select_n3A_166 : vector<16x1024xi1>, vector<16x1024xi32>
    %select_n3A_172 = arith.select %gt3A_168, %get3A_93, %select_n3A_167 : vector<16x1024xi1>, vector<16x1024xf32>
    %gt3A_173 = arith.cmpf ogt, %get3A_99, %select_n3A_172 : vector<16x1024xf32>
    %jit3A_174 = arith.constant 10 : i32
    %broadcast_in_dim3A_175 = vector.broadcast %jit3A_174 : i32 to vector<16x1024xi32>
    %select_n3A_176 = arith.select %gt3A_173, %broadcast_in_dim3A_175, %select_n3A_171 : vector<16x1024xi1>, vector<16x1024xi32>
    %select_n3A_177 = arith.select %gt3A_173, %get3A_99, %select_n3A_172 : vector<16x1024xi1>, vector<16x1024xf32>
    %gt3A_178 = arith.cmpf ogt, %get3A_105, %select_n3A_177 : vector<16x1024xf32>
    %jit3A_179 = arith.constant 11 : i32
    %broadcast_in_dim3A_180 = vector.broadcast %jit3A_179 : i32 to vector<16x1024xi32>
    %select_n3A_181 = arith.select %gt3A_178, %broadcast_in_dim3A_180, %select_n3A_176 : vector<16x1024xi1>, vector<16x1024xi32>
    %select_n3A_182 = arith.select %gt3A_178, %get3A_105, %select_n3A_177 : vector<16x1024xi1>, vector<16x1024xf32>
    %gt3A_183 = arith.cmpf ogt, %get3A_111, %select_n3A_182 : vector<16x1024xf32>
    %jit3A_184 = arith.constant 12 : i32
    %broadcast_in_dim3A_185 = vector.broadcast %jit3A_184 : i32 to vector<16x1024xi32>
    %select_n3A_186 = arith.select %gt3A_183, %broadcast_in_dim3A_185, %select_n3A_181 : vector<16x1024xi1>, vector<16x1024xi32>
    %select_n3A_187 = arith.select %gt3A_183, %get3A_111, %select_n3A_182 : vector<16x1024xi1>, vector<16x1024xf32>
    %gt3A_188 = arith.cmpf ogt, %get3A_117, %select_n3A_187 : vector<16x1024xf32>
    %jit3A_189 = arith.constant 13 : i32
    %broadcast_in_dim3A_190 = vector.broadcast %jit3A_189 : i32 to vector<16x1024xi32>
    %select_n3A_191 = arith.select %gt3A_188, %broadcast_in_dim3A_190, %select_n3A_186 : vector<16x1024xi1>, vector<16x1024xi32>
    %select_n3A_192 = arith.select %gt3A_188, %get3A_117, %select_n3A_187 : vector<16x1024xi1>, vector<16x1024xf32>
    %gt3A_193 = arith.cmpf ogt, %get3A_123, %select_n3A_192 : vector<16x1024xf32>
    %jit3A_194 = arith.constant 14 : i32
    %broadcast_in_dim3A_195 = vector.broadcast %jit3A_194 : i32 to vector<16x1024xi32>
    %select_n3A_196 = arith.select %gt3A_193, %broadcast_in_dim3A_195, %select_n3A_191 : vector<16x1024xi1>, vector<16x1024xi32>
    %select_n3A_197 = arith.select %gt3A_193, %get3A_123, %select_n3A_192 : vector<16x1024xi1>, vector<16x1024xf32>
    %gt3A_198 = arith.cmpf ogt, %get3A_129, %select_n3A_197 : vector<16x1024xf32>
    %jit3A_199 = arith.constant 15 : i32
    %broadcast_in_dim3A_200 = vector.broadcast %jit3A_199 : i32 to vector<16x1024xi32>
    %select_n3A_201 = arith.select %gt3A_198, %broadcast_in_dim3A_200, %select_n3A_196 : vector<16x1024xi1>, vector<16x1024xi32>
    %broadcast_in_dim3A_202 = arith.constant 3.400000e+38 : f32
    %broadcast_in_dim3A_203 = vector.broadcast %broadcast_in_dim3A_202 : f32 to vector<16x1024xf32>
    %broadcast_in_dim3A_204 = arith.constant 0 : i32
    %broadcast_in_dim3A_205 = vector.broadcast %broadcast_in_dim3A_204 : i32 to vector<16x1024xi32>
    %slice3A = vector.extract_strided_slice %get3A_18 {offsets = [0, 0], sizes = [1, 1024], strides = [1, 1]} : vector<10x1024xf32> to vector<1x1024xf32>
    %sub3A = vector.broadcast %slice3A : vector<1x1024xf32> to vector<16x1024xf32>
    %sub3A_206 = arith.subf %get3A_3, %sub3A : vector<16x1024xf32>
    %integer_pow3A = arith.mulf %sub3A_206, %sub3A_206 : vector<16x1024xf32>
    %slice3A_207 = vector.extract_strided_slice %get3A_23 {offsets = [0, 0], sizes = [1, 1024], strides = [1, 1]} : vector<10x1024xf32> to vector<1x1024xf32>
    %sub3A_208 = vector.broadcast %slice3A_207 : vector<1x1024xf32> to vector<16x1024xf32>
    %sub3A_209 = arith.subf %get3A_8, %sub3A_208 : vector<16x1024xf32>
    %integer_pow3A_210 = arith.mulf %sub3A_209, %sub3A_209 : vector<16x1024xf32>
    %add3A = arith.addf %integer_pow3A, %integer_pow3A_210 : vector<16x1024xf32>
    %slice3A_211 = vector.extract_strided_slice %get3A_28 {offsets = [0, 0], sizes = [1, 1024], strides = [1, 1]} : vector<10x1024xf32> to vector<1x1024xf32>
    %sub3A_212 = vector.broadcast %slice3A_211 : vector<1x1024xf32> to vector<16x1024xf32>
    %sub3A_213 = arith.subf %get3A_13, %sub3A_212 : vector<16x1024xf32>
    %integer_pow3A_214 = arith.mulf %sub3A_213, %sub3A_213 : vector<16x1024xf32>
    %add3A_215 = arith.addf %add3A, %integer_pow3A_214 : vector<16x1024xf32>
    %lt3A = arith.cmpf olt, %add3A_215, %broadcast_in_dim3A_203 : vector<16x1024xf32>
    %jit3A_216 = arith.constant 0 : i32
    %broadcast_in_dim3A_217 = vector.broadcast %jit3A_216 : i32 to vector<16x1024xi32>
    %select_n3A_218 = arith.select %lt3A, %broadcast_in_dim3A_217, %broadcast_in_dim3A_205 : vector<16x1024xi1>, vector<16x1024xi32>
    %select_n3A_219 = arith.select %lt3A, %add3A_215, %broadcast_in_dim3A_203 : vector<16x1024xi1>, vector<16x1024xf32>
    %reduce_min3A = arith.constant dense<0x7F800000> : vector<1024xf32>
    %reduce_min3A_220 = vector.multi_reduction <minimumf>, %add3A_215, %reduce_min3A [0] : vector<16x1024xf32> to vector<1024xf32>
    %broadcast_in_dim3A_221 = vector.shape_cast %reduce_min3A_220 : vector<1024xf32> to vector<1x1024xf32>
    %reduce_sum3A = vector.shape_cast %broadcast_in_dim3A_221 : vector<1x1024xf32> to vector<1x1x1024xf32>
    %reduce_sum3A_222 = arith.constant dense<0.000000e+00> : vector<1xf32>
    %reduce_sum3A_223 = vector.multi_reduction <add>, %reduce_sum3A, %reduce_sum3A_222 [1, 2] : vector<1x1x1024xf32> to vector<1xf32>
    %reduce_sum3A_224 = vector.shape_cast %reduce_sum3A_223 : vector<1xf32> to vector<1x1x1xf32>
    %reduce_sum3A_225 = vector.extract %reduce_sum3A_224[0, 0, 0] : f32 from vector<1x1x1xf32>
    %add3A_226 = arith.constant 0.000000e+00 : f32
    %add3A_227 = arith.addf %add3A_226, %reduce_sum3A_225 : f32
    %eq3A = vector.broadcast %broadcast_in_dim3A_221 : vector<1x1024xf32> to vector<16x1024xf32>
    %eq3A_228 = arith.cmpf oeq, %add3A_215, %eq3A : vector<16x1024xf32>
    %jit3A_229 = arith.constant 16 : i32
    %broadcast_in_dim3A_230 = vector.broadcast %jit3A_229 : i32 to vector<16x1024xi32>
    %select_n3A_231 = arith.select %eq3A_228, %iota3A, %broadcast_in_dim3A_230 : vector<16x1024xi1>, vector<16x1024xi32>
    %reduce_min3A_232 = arith.constant dense<2147483647> : vector<1024xi32>
    %reduce_min3A_233 = vector.multi_reduction <minsi>, %select_n3A_231, %reduce_min3A_232 [0] : vector<16x1024xi32> to vector<1024xi32>
    %broadcast_in_dim3A_234 = vector.shape_cast %reduce_min3A_233 : vector<1024xi32> to vector<1x1024xi32>
    %eq3A_235 = vector.broadcast %broadcast_in_dim3A_234 : vector<1x1024xi32> to vector<16x1024xi32>
    %eq3A_236 = arith.cmpi eq, %iota3A, %eq3A_235 : vector<16x1024xi32>
    %slice3A_237 = vector.extract_strided_slice %convert_element_type3A {offsets = [0, 0], sizes = [1, 1024], strides = [1, 1]} : vector<10x1024xi32> to vector<1x1024xi32>
    %broadcast_in_dim3A_238 = arith.constant 0.000000e+00 : f32
    %broadcast_in_dim3A_239 = vector.broadcast %broadcast_in_dim3A_238 : f32 to vector<16x1024xf32>
    %eq3A_240 = arith.constant 0 : i32
    %eq3A_241 = vector.broadcast %eq3A_240 : i32 to vector<1x1024xi32>
    %eq3A_242 = arith.cmpi eq, %slice3A_237, %eq3A_241 : vector<1x1024xi32>
    %jit3A_243 = arith.constant 0.000000e+00 : f32
    %broadcast_in_dim3A_244 = vector.shape_cast %eq3A_242 : vector<1x1024xi1> to vector<1x1024xi1>
    %broadcast_in_dim3A_245 = vector.broadcast %broadcast_in_dim3A_244 : vector<1x1024xi1> to vector<16x1024xi1>
    %broadcast_in_dim3A_246 = vector.broadcast %jit3A_243 : f32 to vector<16x1024xf32>
    %select_n3A_247 = arith.select %broadcast_in_dim3A_245, %get3A_39, %broadcast_in_dim3A_246 : vector<16x1024xi1>, vector<16x1024xf32>
    %add3A_248 = arith.addf %broadcast_in_dim3A_239, %select_n3A_247 : vector<16x1024xf32>
    %eq3A_249 = arith.constant 1 : i32
    %eq3A_250 = vector.broadcast %eq3A_249 : i32 to vector<1x1024xi32>
    %eq3A_251 = arith.cmpi eq, %slice3A_237, %eq3A_250 : vector<1x1024xi32>
    %jit3A_252 = arith.constant 0.000000e+00 : f32
    %broadcast_in_dim3A_253 = vector.shape_cast %eq3A_251 : vector<1x1024xi1> to vector<1x1024xi1>
    %broadcast_in_dim3A_254 = vector.broadcast %broadcast_in_dim3A_253 : vector<1x1024xi1> to vector<16x1024xi1>
    %broadcast_in_dim3A_255 = vector.broadcast %jit3A_252 : f32 to vector<16x1024xf32>
    %select_n3A_256 = arith.select %broadcast_in_dim3A_254, %get3A_45, %broadcast_in_dim3A_255 : vector<16x1024xi1>, vector<16x1024xf32>
    %add3A_257 = arith.addf %add3A_248, %select_n3A_256 : vector<16x1024xf32>
    %eq3A_258 = arith.constant 2 : i32
    %eq3A_259 = vector.broadcast %eq3A_258 : i32 to vector<1x1024xi32>
    %eq3A_260 = arith.cmpi eq, %slice3A_237, %eq3A_259 : vector<1x1024xi32>
    %jit3A_261 = arith.constant 0.000000e+00 : f32
    %broadcast_in_dim3A_262 = vector.shape_cast %eq3A_260 : vector<1x1024xi1> to vector<1x1024xi1>
    %broadcast_in_dim3A_263 = vector.broadcast %broadcast_in_dim3A_262 : vector<1x1024xi1> to vector<16x1024xi1>
    %broadcast_in_dim3A_264 = vector.broadcast %jit3A_261 : f32 to vector<16x1024xf32>
    %select_n3A_265 = arith.select %broadcast_in_dim3A_263, %get3A_51, %broadcast_in_dim3A_264 : vector<16x1024xi1>, vector<16x1024xf32>
    %add3A_266 = arith.addf %add3A_257, %select_n3A_265 : vector<16x1024xf32>
    %eq3A_267 = arith.constant 3 : i32
    %eq3A_268 = vector.broadcast %eq3A_267 : i32 to vector<1x1024xi32>
    %eq3A_269 = arith.cmpi eq, %slice3A_237, %eq3A_268 : vector<1x1024xi32>
    %jit3A_270 = arith.constant 0.000000e+00 : f32
    %broadcast_in_dim3A_271 = vector.shape_cast %eq3A_269 : vector<1x1024xi1> to vector<1x1024xi1>
    %broadcast_in_dim3A_272 = vector.broadcast %broadcast_in_dim3A_271 : vector<1x1024xi1> to vector<16x1024xi1>
    %broadcast_in_dim3A_273 = vector.broadcast %jit3A_270 : f32 to vector<16x1024xf32>
    %select_n3A_274 = arith.select %broadcast_in_dim3A_272, %get3A_57, %broadcast_in_dim3A_273 : vector<16x1024xi1>, vector<16x1024xf32>
    %add3A_275 = arith.addf %add3A_266, %select_n3A_274 : vector<16x1024xf32>
    %eq3A_276 = arith.constant 4 : i32
    %eq3A_277 = vector.broadcast %eq3A_276 : i32 to vector<1x1024xi32>
    %eq3A_278 = arith.cmpi eq, %slice3A_237, %eq3A_277 : vector<1x1024xi32>
    %jit3A_279 = arith.constant 0.000000e+00 : f32
    %broadcast_in_dim3A_280 = vector.shape_cast %eq3A_278 : vector<1x1024xi1> to vector<1x1024xi1>
    %broadcast_in_dim3A_281 = vector.broadcast %broadcast_in_dim3A_280 : vector<1x1024xi1> to vector<16x1024xi1>
    %broadcast_in_dim3A_282 = vector.broadcast %jit3A_279 : f32 to vector<16x1024xf32>
    %select_n3A_283 = arith.select %broadcast_in_dim3A_281, %get3A_63, %broadcast_in_dim3A_282 : vector<16x1024xi1>, vector<16x1024xf32>
    %add3A_284 = arith.addf %add3A_275, %select_n3A_283 : vector<16x1024xf32>
    %eq3A_285 = arith.constant 5 : i32
    %eq3A_286 = vector.broadcast %eq3A_285 : i32 to vector<1x1024xi32>
    %eq3A_287 = arith.cmpi eq, %slice3A_237, %eq3A_286 : vector<1x1024xi32>
    %jit3A_288 = arith.constant 0.000000e+00 : f32
    %broadcast_in_dim3A_289 = vector.shape_cast %eq3A_287 : vector<1x1024xi1> to vector<1x1024xi1>
    %broadcast_in_dim3A_290 = vector.broadcast %broadcast_in_dim3A_289 : vector<1x1024xi1> to vector<16x1024xi1>
    %broadcast_in_dim3A_291 = vector.broadcast %jit3A_288 : f32 to vector<16x1024xf32>
    %select_n3A_292 = arith.select %broadcast_in_dim3A_290, %get3A_69, %broadcast_in_dim3A_291 : vector<16x1024xi1>, vector<16x1024xf32>
    %add3A_293 = arith.addf %add3A_284, %select_n3A_292 : vector<16x1024xf32>
    %eq3A_294 = arith.constant 6 : i32
    %eq3A_295 = vector.broadcast %eq3A_294 : i32 to vector<1x1024xi32>
    %eq3A_296 = arith.cmpi eq, %slice3A_237, %eq3A_295 : vector<1x1024xi32>
    %jit3A_297 = arith.constant 0.000000e+00 : f32
    %broadcast_in_dim3A_298 = vector.shape_cast %eq3A_296 : vector<1x1024xi1> to vector<1x1024xi1>
    %broadcast_in_dim3A_299 = vector.broadcast %broadcast_in_dim3A_298 : vector<1x1024xi1> to vector<16x1024xi1>
    %broadcast_in_dim3A_300 = vector.broadcast %jit3A_297 : f32 to vector<16x1024xf32>
    %select_n3A_301 = arith.select %broadcast_in_dim3A_299, %get3A_75, %broadcast_in_dim3A_300 : vector<16x1024xi1>, vector<16x1024xf32>
    %add3A_302 = arith.addf %add3A_293, %select_n3A_301 : vector<16x1024xf32>
    %eq3A_303 = arith.constant 7 : i32
    %eq3A_304 = vector.broadcast %eq3A_303 : i32 to vector<1x1024xi32>
    %eq3A_305 = arith.cmpi eq, %slice3A_237, %eq3A_304 : vector<1x1024xi32>
    %jit3A_306 = arith.constant 0.000000e+00 : f32
    %broadcast_in_dim3A_307 = vector.shape_cast %eq3A_305 : vector<1x1024xi1> to vector<1x1024xi1>
    %broadcast_in_dim3A_308 = vector.broadcast %broadcast_in_dim3A_307 : vector<1x1024xi1> to vector<16x1024xi1>
    %broadcast_in_dim3A_309 = vector.broadcast %jit3A_306 : f32 to vector<16x1024xf32>
    %select_n3A_310 = arith.select %broadcast_in_dim3A_308, %get3A_81, %broadcast_in_dim3A_309 : vector<16x1024xi1>, vector<16x1024xf32>
    %add3A_311 = arith.addf %add3A_302, %select_n3A_310 : vector<16x1024xf32>
    %eq3A_312 = arith.constant 8 : i32
    %eq3A_313 = vector.broadcast %eq3A_312 : i32 to vector<1x1024xi32>
    %eq3A_314 = arith.cmpi eq, %slice3A_237, %eq3A_313 : vector<1x1024xi32>
    %jit3A_315 = arith.constant 0.000000e+00 : f32
    %broadcast_in_dim3A_316 = vector.shape_cast %eq3A_314 : vector<1x1024xi1> to vector<1x1024xi1>
    %broadcast_in_dim3A_317 = vector.broadcast %broadcast_in_dim3A_316 : vector<1x1024xi1> to vector<16x1024xi1>
    %broadcast_in_dim3A_318 = vector.broadcast %jit3A_315 : f32 to vector<16x1024xf32>
    %select_n3A_319 = arith.select %broadcast_in_dim3A_317, %get3A_87, %broadcast_in_dim3A_318 : vector<16x1024xi1>, vector<16x1024xf32>
    %add3A_320 = arith.addf %add3A_311, %select_n3A_319 : vector<16x1024xf32>
    %eq3A_321 = arith.constant 9 : i32
    %eq3A_322 = vector.broadcast %eq3A_321 : i32 to vector<1x1024xi32>
    %eq3A_323 = arith.cmpi eq, %slice3A_237, %eq3A_322 : vector<1x1024xi32>
    %jit3A_324 = arith.constant 0.000000e+00 : f32
    %broadcast_in_dim3A_325 = vector.shape_cast %eq3A_323 : vector<1x1024xi1> to vector<1x1024xi1>
    %broadcast_in_dim3A_326 = vector.broadcast %broadcast_in_dim3A_325 : vector<1x1024xi1> to vector<16x1024xi1>
    %broadcast_in_dim3A_327 = vector.broadcast %jit3A_324 : f32 to vector<16x1024xf32>
    %select_n3A_328 = arith.select %broadcast_in_dim3A_326, %get3A_93, %broadcast_in_dim3A_327 : vector<16x1024xi1>, vector<16x1024xf32>
    %add3A_329 = arith.addf %add3A_320, %select_n3A_328 : vector<16x1024xf32>
    %eq3A_330 = arith.constant 10 : i32
    %eq3A_331 = vector.broadcast %eq3A_330 : i32 to vector<1x1024xi32>
    %eq3A_332 = arith.cmpi eq, %slice3A_237, %eq3A_331 : vector<1x1024xi32>
    %jit3A_333 = arith.constant 0.000000e+00 : f32
    %broadcast_in_dim3A_334 = vector.shape_cast %eq3A_332 : vector<1x1024xi1> to vector<1x1024xi1>
    %broadcast_in_dim3A_335 = vector.broadcast %broadcast_in_dim3A_334 : vector<1x1024xi1> to vector<16x1024xi1>
    %broadcast_in_dim3A_336 = vector.broadcast %jit3A_333 : f32 to vector<16x1024xf32>
    %select_n3A_337 = arith.select %broadcast_in_dim3A_335, %get3A_99, %broadcast_in_dim3A_336 : vector<16x1024xi1>, vector<16x1024xf32>
    %add3A_338 = arith.addf %add3A_329, %select_n3A_337 : vector<16x1024xf32>
    %eq3A_339 = arith.constant 11 : i32
    %eq3A_340 = vector.broadcast %eq3A_339 : i32 to vector<1x1024xi32>
    %eq3A_341 = arith.cmpi eq, %slice3A_237, %eq3A_340 : vector<1x1024xi32>
    %jit3A_342 = arith.constant 0.000000e+00 : f32
    %broadcast_in_dim3A_343 = vector.shape_cast %eq3A_341 : vector<1x1024xi1> to vector<1x1024xi1>
    %broadcast_in_dim3A_344 = vector.broadcast %broadcast_in_dim3A_343 : vector<1x1024xi1> to vector<16x1024xi1>
    %broadcast_in_dim3A_345 = vector.broadcast %jit3A_342 : f32 to vector<16x1024xf32>
    %select_n3A_346 = arith.select %broadcast_in_dim3A_344, %get3A_105, %broadcast_in_dim3A_345 : vector<16x1024xi1>, vector<16x1024xf32>
    %add3A_347 = arith.addf %add3A_338, %select_n3A_346 : vector<16x1024xf32>
    %eq3A_348 = arith.constant 12 : i32
    %eq3A_349 = vector.broadcast %eq3A_348 : i32 to vector<1x1024xi32>
    %eq3A_350 = arith.cmpi eq, %slice3A_237, %eq3A_349 : vector<1x1024xi32>
    %jit3A_351 = arith.constant 0.000000e+00 : f32
    %broadcast_in_dim3A_352 = vector.shape_cast %eq3A_350 : vector<1x1024xi1> to vector<1x1024xi1>
    %broadcast_in_dim3A_353 = vector.broadcast %broadcast_in_dim3A_352 : vector<1x1024xi1> to vector<16x1024xi1>
    %broadcast_in_dim3A_354 = vector.broadcast %jit3A_351 : f32 to vector<16x1024xf32>
    %select_n3A_355 = arith.select %broadcast_in_dim3A_353, %get3A_111, %broadcast_in_dim3A_354 : vector<16x1024xi1>, vector<16x1024xf32>
    %add3A_356 = arith.addf %add3A_347, %select_n3A_355 : vector<16x1024xf32>
    %eq3A_357 = arith.constant 13 : i32
    %eq3A_358 = vector.broadcast %eq3A_357 : i32 to vector<1x1024xi32>
    %eq3A_359 = arith.cmpi eq, %slice3A_237, %eq3A_358 : vector<1x1024xi32>
    %jit3A_360 = arith.constant 0.000000e+00 : f32
    %broadcast_in_dim3A_361 = vector.shape_cast %eq3A_359 : vector<1x1024xi1> to vector<1x1024xi1>
    %broadcast_in_dim3A_362 = vector.broadcast %broadcast_in_dim3A_361 : vector<1x1024xi1> to vector<16x1024xi1>
    %broadcast_in_dim3A_363 = vector.broadcast %jit3A_360 : f32 to vector<16x1024xf32>
    %select_n3A_364 = arith.select %broadcast_in_dim3A_362, %get3A_117, %broadcast_in_dim3A_363 : vector<16x1024xi1>, vector<16x1024xf32>
    %add3A_365 = arith.addf %add3A_356, %select_n3A_364 : vector<16x1024xf32>
    %eq3A_366 = arith.constant 14 : i32
    %eq3A_367 = vector.broadcast %eq3A_366 : i32 to vector<1x1024xi32>
    %eq3A_368 = arith.cmpi eq, %slice3A_237, %eq3A_367 : vector<1x1024xi32>
    %jit3A_369 = arith.constant 0.000000e+00 : f32
    %broadcast_in_dim3A_370 = vector.shape_cast %eq3A_368 : vector<1x1024xi1> to vector<1x1024xi1>
    %broadcast_in_dim3A_371 = vector.broadcast %broadcast_in_dim3A_370 : vector<1x1024xi1> to vector<16x1024xi1>
    %broadcast_in_dim3A_372 = vector.broadcast %jit3A_369 : f32 to vector<16x1024xf32>
    %select_n3A_373 = arith.select %broadcast_in_dim3A_371, %get3A_123, %broadcast_in_dim3A_372 : vector<16x1024xi1>, vector<16x1024xf32>
    %add3A_374 = arith.addf %add3A_365, %select_n3A_373 : vector<16x1024xf32>
    %eq3A_375 = arith.constant 15 : i32
    %eq3A_376 = vector.broadcast %eq3A_375 : i32 to vector<1x1024xi32>
    %eq3A_377 = arith.cmpi eq, %slice3A_237, %eq3A_376 : vector<1x1024xi32>
    %jit3A_378 = arith.constant 0.000000e+00 : f32
    %broadcast_in_dim3A_379 = vector.shape_cast %eq3A_377 : vector<1x1024xi1> to vector<1x1024xi1>
    %broadcast_in_dim3A_380 = vector.broadcast %broadcast_in_dim3A_379 : vector<1x1024xi1> to vector<16x1024xi1>
    %broadcast_in_dim3A_381 = vector.broadcast %jit3A_378 : f32 to vector<16x1024xf32>
    %select_n3A_382 = arith.select %broadcast_in_dim3A_380, %get3A_129, %broadcast_in_dim3A_381 : vector<16x1024xi1>, vector<16x1024xf32>
    %add3A_383 = arith.addf %add3A_374, %select_n3A_382 : vector<16x1024xf32>
    %jit3A_384 = arith.constant 0.000000e+00 : f32
    %broadcast_in_dim3A_385 = vector.broadcast %jit3A_384 : f32 to vector<16x1024xf32>
    %select_n3A_386 = arith.select %eq3A_236, %add3A_383, %broadcast_in_dim3A_385 : vector<16x1024xi1>, vector<16x1024xf32>
    %reduce_sum3A_387 = vector.shape_cast %select_n3A_386 : vector<16x1024xf32> to vector<1x16x1024xf32>
    %reduce_sum3A_388 = arith.constant dense<0.000000e+00> : vector<1xf32>
    %reduce_sum3A_389 = vector.multi_reduction <add>, %reduce_sum3A_387, %reduce_sum3A_388 [1, 2] : vector<1x16x1024xf32> to vector<1xf32>
    %reduce_sum3A_390 = vector.shape_cast %reduce_sum3A_389 : vector<1xf32> to vector<1x1x1xf32>
    %reduce_sum3A_391 = vector.extract %reduce_sum3A_390[0, 0, 0] : f32 from vector<1x1x1xf32>
    %add3A_392 = arith.constant 0.000000e+00 : f32
    %add3A_393 = arith.addf %add3A_392, %reduce_sum3A_391 : f32
    %jit3A_394 = arith.constant 0 : i32
    %broadcast_in_dim3A_395 = vector.broadcast %jit3A_394 : i32 to vector<16x1024xi32>
    %select_n3A_396 = arith.select %eq3A_236, %select_n3A_201, %broadcast_in_dim3A_395 : vector<16x1024xi1>, vector<16x1024xi32>
    %reduce_sum3A_397 = arith.constant dense<0> : vector<1024xi32>
    %reduce_sum3A_398 = vector.multi_reduction <add>, %select_n3A_396, %reduce_sum3A_397 [0] : vector<16x1024xi32> to vector<1024xi32>
    %broadcast_in_dim3A_399 = vector.shape_cast %reduce_sum3A_398 : vector<1024xi32> to vector<1x1024xi32>
    %eq3A_400 = arith.cmpi eq, %broadcast_in_dim3A_399, %slice3A_237 : vector<1x1024xi32>
    %convert_element_type3A_401 = arith.extui %eq3A_400 : vector<1x1024xi1> to vector<1x1024xi32>
    %convert_element_type3A_402 = arith.sitofp %convert_element_type3A_401 : vector<1x1024xi32> to vector<1x1024xf32>
    %reduce_sum3A_403 = vector.shape_cast %convert_element_type3A_402 : vector<1x1024xf32> to vector<1x1x1024xf32>
    %reduce_sum3A_404 = arith.constant dense<0.000000e+00> : vector<1xf32>
    %reduce_sum3A_405 = vector.multi_reduction <add>, %reduce_sum3A_403, %reduce_sum3A_404 [1, 2] : vector<1x1x1024xf32> to vector<1xf32>
    %reduce_sum3A_406 = vector.shape_cast %reduce_sum3A_405 : vector<1xf32> to vector<1x1x1xf32>
    %reduce_sum3A_407 = vector.extract %reduce_sum3A_406[0, 0, 0] : f32 from vector<1x1x1xf32>
    %add3A_408 = arith.constant 0.000000e+00 : f32
    %add3A_409 = arith.addf %add3A_408, %reduce_sum3A_407 : f32
    %slice3A_410 = vector.extract_strided_slice %get3A_18 {offsets = [1, 0], sizes = [1, 1024], strides = [1, 1]} : vector<10x1024xf32> to vector<1x1024xf32>
    %sub3A_411 = vector.broadcast %slice3A_410 : vector<1x1024xf32> to vector<16x1024xf32>
    %sub3A_412 = arith.subf %get3A_3, %sub3A_411 : vector<16x1024xf32>
    %integer_pow3A_413 = arith.mulf %sub3A_412, %sub3A_412 : vector<16x1024xf32>
    %slice3A_414 = vector.extract_strided_slice %get3A_23 {offsets = [1, 0], sizes = [1, 1024], strides = [1, 1]} : vector<10x1024xf32> to vector<1x1024xf32>
    %sub3A_415 = vector.broadcast %slice3A_414 : vector<1x1024xf32> to vector<16x1024xf32>
    %sub3A_416 = arith.subf %get3A_8, %sub3A_415 : vector<16x1024xf32>
    %integer_pow3A_417 = arith.mulf %sub3A_416, %sub3A_416 : vector<16x1024xf32>
    %add3A_418 = arith.addf %integer_pow3A_413, %integer_pow3A_417 : vector<16x1024xf32>
    %slice3A_419 = vector.extract_strided_slice %get3A_28 {offsets = [1, 0], sizes = [1, 1024], strides = [1, 1]} : vector<10x1024xf32> to vector<1x1024xf32>
    %sub3A_420 = vector.broadcast %slice3A_419 : vector<1x1024xf32> to vector<16x1024xf32>
    %sub3A_421 = arith.subf %get3A_13, %sub3A_420 : vector<16x1024xf32>
    %integer_pow3A_422 = arith.mulf %sub3A_421, %sub3A_421 : vector<16x1024xf32>
    %add3A_423 = arith.addf %add3A_418, %integer_pow3A_422 : vector<16x1024xf32>
    %lt3A_424 = arith.cmpf olt, %add3A_423, %select_n3A_219 : vector<16x1024xf32>
    %jit3A_425 = arith.constant 1 : i32
    %broadcast_in_dim3A_426 = vector.broadcast %jit3A_425 : i32 to vector<16x1024xi32>
    %select_n3A_427 = arith.select %lt3A_424, %broadcast_in_dim3A_426, %select_n3A_218 : vector<16x1024xi1>, vector<16x1024xi32>
    %select_n3A_428 = arith.select %lt3A_424, %add3A_423, %select_n3A_219 : vector<16x1024xi1>, vector<16x1024xf32>
    %reduce_min3A_429 = arith.constant dense<0x7F800000> : vector<1024xf32>
    %reduce_min3A_430 = vector.multi_reduction <minimumf>, %add3A_423, %reduce_min3A_429 [0] : vector<16x1024xf32> to vector<1024xf32>
    %broadcast_in_dim3A_431 = vector.shape_cast %reduce_min3A_430 : vector<1024xf32> to vector<1x1024xf32>
    %reduce_sum3A_432 = vector.shape_cast %broadcast_in_dim3A_431 : vector<1x1024xf32> to vector<1x1x1024xf32>
    %reduce_sum3A_433 = arith.constant dense<0.000000e+00> : vector<1xf32>
    %reduce_sum3A_434 = vector.multi_reduction <add>, %reduce_sum3A_432, %reduce_sum3A_433 [1, 2] : vector<1x1x1024xf32> to vector<1xf32>
    %reduce_sum3A_435 = vector.shape_cast %reduce_sum3A_434 : vector<1xf32> to vector<1x1x1xf32>
    %reduce_sum3A_436 = vector.extract %reduce_sum3A_435[0, 0, 0] : f32 from vector<1x1x1xf32>
    %add3A_437 = arith.addf %add3A_227, %reduce_sum3A_436 : f32
    %eq3A_438 = vector.broadcast %broadcast_in_dim3A_431 : vector<1x1024xf32> to vector<16x1024xf32>
    %eq3A_439 = arith.cmpf oeq, %add3A_423, %eq3A_438 : vector<16x1024xf32>
    %jit3A_440 = arith.constant 16 : i32
    %broadcast_in_dim3A_441 = vector.broadcast %jit3A_440 : i32 to vector<16x1024xi32>
    %select_n3A_442 = arith.select %eq3A_439, %iota3A, %broadcast_in_dim3A_441 : vector<16x1024xi1>, vector<16x1024xi32>
    %reduce_min3A_443 = arith.constant dense<2147483647> : vector<1024xi32>
    %reduce_min3A_444 = vector.multi_reduction <minsi>, %select_n3A_442, %reduce_min3A_443 [0] : vector<16x1024xi32> to vector<1024xi32>
    %broadcast_in_dim3A_445 = vector.shape_cast %reduce_min3A_444 : vector<1024xi32> to vector<1x1024xi32>
    %eq3A_446 = vector.broadcast %broadcast_in_dim3A_445 : vector<1x1024xi32> to vector<16x1024xi32>
    %eq3A_447 = arith.cmpi eq, %iota3A, %eq3A_446 : vector<16x1024xi32>
    %slice3A_448 = vector.extract_strided_slice %convert_element_type3A {offsets = [1, 0], sizes = [1, 1024], strides = [1, 1]} : vector<10x1024xi32> to vector<1x1024xi32>
    %broadcast_in_dim3A_449 = arith.constant 0.000000e+00 : f32
    %broadcast_in_dim3A_450 = vector.broadcast %broadcast_in_dim3A_449 : f32 to vector<16x1024xf32>
    %eq3A_451 = arith.constant 0 : i32
    %eq3A_452 = vector.broadcast %eq3A_451 : i32 to vector<1x1024xi32>
    %eq3A_453 = arith.cmpi eq, %slice3A_448, %eq3A_452 : vector<1x1024xi32>
    %jit3A_454 = arith.constant 0.000000e+00 : f32
    %broadcast_in_dim3A_455 = vector.shape_cast %eq3A_453 : vector<1x1024xi1> to vector<1x1024xi1>
    %broadcast_in_dim3A_456 = vector.broadcast %broadcast_in_dim3A_455 : vector<1x1024xi1> to vector<16x1024xi1>
    %broadcast_in_dim3A_457 = vector.broadcast %jit3A_454 : f32 to vector<16x1024xf32>
    %select_n3A_458 = arith.select %broadcast_in_dim3A_456, %get3A_39, %broadcast_in_dim3A_457 : vector<16x1024xi1>, vector<16x1024xf32>
    %add3A_459 = arith.addf %broadcast_in_dim3A_450, %select_n3A_458 : vector<16x1024xf32>
    %eq3A_460 = arith.constant 1 : i32
    %eq3A_461 = vector.broadcast %eq3A_460 : i32 to vector<1x1024xi32>
    %eq3A_462 = arith.cmpi eq, %slice3A_448, %eq3A_461 : vector<1x1024xi32>
    %jit3A_463 = arith.constant 0.000000e+00 : f32
    %broadcast_in_dim3A_464 = vector.shape_cast %eq3A_462 : vector<1x1024xi1> to vector<1x1024xi1>
    %broadcast_in_dim3A_465 = vector.broadcast %broadcast_in_dim3A_464 : vector<1x1024xi1> to vector<16x1024xi1>
    %broadcast_in_dim3A_466 = vector.broadcast %jit3A_463 : f32 to vector<16x1024xf32>
    %select_n3A_467 = arith.select %broadcast_in_dim3A_465, %get3A_45, %broadcast_in_dim3A_466 : vector<16x1024xi1>, vector<16x1024xf32>
    %add3A_468 = arith.addf %add3A_459, %select_n3A_467 : vector<16x1024xf32>
    %eq3A_469 = arith.constant 2 : i32
    %eq3A_470 = vector.broadcast %eq3A_469 : i32 to vector<1x1024xi32>
    %eq3A_471 = arith.cmpi eq, %slice3A_448, %eq3A_470 : vector<1x1024xi32>
    %jit3A_472 = arith.constant 0.000000e+00 : f32
    %broadcast_in_dim3A_473 = vector.shape_cast %eq3A_471 : vector<1x1024xi1> to vector<1x1024xi1>
    %broadcast_in_dim3A_474 = vector.broadcast %broadcast_in_dim3A_473 : vector<1x1024xi1> to vector<16x1024xi1>
    %broadcast_in_dim3A_475 = vector.broadcast %jit3A_472 : f32 to vector<16x1024xf32>
    %select_n3A_476 = arith.select %broadcast_in_dim3A_474, %get3A_51, %broadcast_in_dim3A_475 : vector<16x1024xi1>, vector<16x1024xf32>
    %add3A_477 = arith.addf %add3A_468, %select_n3A_476 : vector<16x1024xf32>
    %eq3A_478 = arith.constant 3 : i32
    %eq3A_479 = vector.broadcast %eq3A_478 : i32 to vector<1x1024xi32>
    %eq3A_480 = arith.cmpi eq, %slice3A_448, %eq3A_479 : vector<1x1024xi32>
    %jit3A_481 = arith.constant 0.000000e+00 : f32
    %broadcast_in_dim3A_482 = vector.shape_cast %eq3A_480 : vector<1x1024xi1> to vector<1x1024xi1>
    %broadcast_in_dim3A_483 = vector.broadcast %broadcast_in_dim3A_482 : vector<1x1024xi1> to vector<16x1024xi1>
    %broadcast_in_dim3A_484 = vector.broadcast %jit3A_481 : f32 to vector<16x1024xf32>
    %select_n3A_485 = arith.select %broadcast_in_dim3A_483, %get3A_57, %broadcast_in_dim3A_484 : vector<16x1024xi1>, vector<16x1024xf32>
    %add3A_486 = arith.addf %add3A_477, %select_n3A_485 : vector<16x1024xf32>
    %eq3A_487 = arith.constant 4 : i32
    %eq3A_488 = vector.broadcast %eq3A_487 : i32 to vector<1x1024xi32>
    %eq3A_489 = arith.cmpi eq, %slice3A_448, %eq3A_488 : vector<1x1024xi32>
    %jit3A_490 = arith.constant 0.000000e+00 : f32
    %broadcast_in_dim3A_491 = vector.shape_cast %eq3A_489 : vector<1x1024xi1> to vector<1x1024xi1>
    %broadcast_in_dim3A_492 = vector.broadcast %broadcast_in_dim3A_491 : vector<1x1024xi1> to vector<16x1024xi1>
    %broadcast_in_dim3A_493 = vector.broadcast %jit3A_490 : f32 to vector<16x1024xf32>
    %select_n3A_494 = arith.select %broadcast_in_dim3A_492, %get3A_63, %broadcast_in_dim3A_493 : vector<16x1024xi1>, vector<16x1024xf32>
    %add3A_495 = arith.addf %add3A_486, %select_n3A_494 : vector<16x1024xf32>
    %eq3A_496 = arith.constant 5 : i32
    %eq3A_497 = vector.broadcast %eq3A_496 : i32 to vector<1x1024xi32>
    %eq3A_498 = arith.cmpi eq, %slice3A_448, %eq3A_497 : vector<1x1024xi32>
    %jit3A_499 = arith.constant 0.000000e+00 : f32
    %broadcast_in_dim3A_500 = vector.shape_cast %eq3A_498 : vector<1x1024xi1> to vector<1x1024xi1>
    %broadcast_in_dim3A_501 = vector.broadcast %broadcast_in_dim3A_500 : vector<1x1024xi1> to vector<16x1024xi1>
    %broadcast_in_dim3A_502 = vector.broadcast %jit3A_499 : f32 to vector<16x1024xf32>
    %select_n3A_503 = arith.select %broadcast_in_dim3A_501, %get3A_69, %broadcast_in_dim3A_502 : vector<16x1024xi1>, vector<16x1024xf32>
    %add3A_504 = arith.addf %add3A_495, %select_n3A_503 : vector<16x1024xf32>
    %eq3A_505 = arith.constant 6 : i32
    %eq3A_506 = vector.broadcast %eq3A_505 : i32 to vector<1x1024xi32>
    %eq3A_507 = arith.cmpi eq, %slice3A_448, %eq3A_506 : vector<1x1024xi32>
    %jit3A_508 = arith.constant 0.000000e+00 : f32
    %broadcast_in_dim3A_509 = vector.shape_cast %eq3A_507 : vector<1x1024xi1> to vector<1x1024xi1>
    %broadcast_in_dim3A_510 = vector.broadcast %broadcast_in_dim3A_509 : vector<1x1024xi1> to vector<16x1024xi1>
    %broadcast_in_dim3A_511 = vector.broadcast %jit3A_508 : f32 to vector<16x1024xf32>
    %select_n3A_512 = arith.select %broadcast_in_dim3A_510, %get3A_75, %broadcast_in_dim3A_511 : vector<16x1024xi1>, vector<16x1024xf32>
    %add3A_513 = arith.addf %add3A_504, %select_n3A_512 : vector<16x1024xf32>
    %eq3A_514 = arith.constant 7 : i32
    %eq3A_515 = vector.broadcast %eq3A_514 : i32 to vector<1x1024xi32>
    %eq3A_516 = arith.cmpi eq, %slice3A_448, %eq3A_515 : vector<1x1024xi32>
    %jit3A_517 = arith.constant 0.000000e+00 : f32
    %broadcast_in_dim3A_518 = vector.shape_cast %eq3A_516 : vector<1x1024xi1> to vector<1x1024xi1>
    %broadcast_in_dim3A_519 = vector.broadcast %broadcast_in_dim3A_518 : vector<1x1024xi1> to vector<16x1024xi1>
    %broadcast_in_dim3A_520 = vector.broadcast %jit3A_517 : f32 to vector<16x1024xf32>
    %select_n3A_521 = arith.select %broadcast_in_dim3A_519, %get3A_81, %broadcast_in_dim3A_520 : vector<16x1024xi1>, vector<16x1024xf32>
    %add3A_522 = arith.addf %add3A_513, %select_n3A_521 : vector<16x1024xf32>
    %eq3A_523 = arith.constant 8 : i32
    %eq3A_524 = vector.broadcast %eq3A_523 : i32 to vector<1x1024xi32>
    %eq3A_525 = arith.cmpi eq, %slice3A_448, %eq3A_524 : vector<1x1024xi32>
    %jit3A_526 = arith.constant 0.000000e+00 : f32
    %broadcast_in_dim3A_527 = vector.shape_cast %eq3A_525 : vector<1x1024xi1> to vector<1x1024xi1>
    %broadcast_in_dim3A_528 = vector.broadcast %broadcast_in_dim3A_527 : vector<1x1024xi1> to vector<16x1024xi1>
    %broadcast_in_dim3A_529 = vector.broadcast %jit3A_526 : f32 to vector<16x1024xf32>
    %select_n3A_530 = arith.select %broadcast_in_dim3A_528, %get3A_87, %broadcast_in_dim3A_529 : vector<16x1024xi1>, vector<16x1024xf32>
    %add3A_531 = arith.addf %add3A_522, %select_n3A_530 : vector<16x1024xf32>
    %eq3A_532 = arith.constant 9 : i32
    %eq3A_533 = vector.broadcast %eq3A_532 : i32 to vector<1x1024xi32>
    %eq3A_534 = arith.cmpi eq, %slice3A_448, %eq3A_533 : vector<1x1024xi32>
    %jit3A_535 = arith.constant 0.000000e+00 : f32
    %broadcast_in_dim3A_536 = vector.shape_cast %eq3A_534 : vector<1x1024xi1> to vector<1x1024xi1>
    %broadcast_in_dim3A_537 = vector.broadcast %broadcast_in_dim3A_536 : vector<1x1024xi1> to vector<16x1024xi1>
    %broadcast_in_dim3A_538 = vector.broadcast %jit3A_535 : f32 to vector<16x1024xf32>
    %select_n3A_539 = arith.select %broadcast_in_dim3A_537, %get3A_93, %broadcast_in_dim3A_538 : vector<16x1024xi1>, vector<16x1024xf32>
    %add3A_540 = arith.addf %add3A_531, %select_n3A_539 : vector<16x1024xf32>
    %eq3A_541 = arith.constant 10 : i32
    %eq3A_542 = vector.broadcast %eq3A_541 : i32 to vector<1x1024xi32>
    %eq3A_543 = arith.cmpi eq, %slice3A_448, %eq3A_542 : vector<1x1024xi32>
    %jit3A_544 = arith.constant 0.000000e+00 : f32
    %broadcast_in_dim3A_545 = vector.shape_cast %eq3A_543 : vector<1x1024xi1> to vector<1x1024xi1>
    %broadcast_in_dim3A_546 = vector.broadcast %broadcast_in_dim3A_545 : vector<1x1024xi1> to vector<16x1024xi1>
    %broadcast_in_dim3A_547 = vector.broadcast %jit3A_544 : f32 to vector<16x1024xf32>
    %select_n3A_548 = arith.select %broadcast_in_dim3A_546, %get3A_99, %broadcast_in_dim3A_547 : vector<16x1024xi1>, vector<16x1024xf32>
    %add3A_549 = arith.addf %add3A_540, %select_n3A_548 : vector<16x1024xf32>
    %eq3A_550 = arith.constant 11 : i32
    %eq3A_551 = vector.broadcast %eq3A_550 : i32 to vector<1x1024xi32>
    %eq3A_552 = arith.cmpi eq, %slice3A_448, %eq3A_551 : vector<1x1024xi32>
    %jit3A_553 = arith.constant 0.000000e+00 : f32
    %broadcast_in_dim3A_554 = vector.shape_cast %eq3A_552 : vector<1x1024xi1> to vector<1x1024xi1>
    %broadcast_in_dim3A_555 = vector.broadcast %broadcast_in_dim3A_554 : vector<1x1024xi1> to vector<16x1024xi1>
    %broadcast_in_dim3A_556 = vector.broadcast %jit3A_553 : f32 to vector<16x1024xf32>
    %select_n3A_557 = arith.select %broadcast_in_dim3A_555, %get3A_105, %broadcast_in_dim3A_556 : vector<16x1024xi1>, vector<16x1024xf32>
    %add3A_558 = arith.addf %add3A_549, %select_n3A_557 : vector<16x1024xf32>
    %eq3A_559 = arith.constant 12 : i32
    %eq3A_560 = vector.broadcast %eq3A_559 : i32 to vector<1x1024xi32>
    %eq3A_561 = arith.cmpi eq, %slice3A_448, %eq3A_560 : vector<1x1024xi32>
    %jit3A_562 = arith.constant 0.000000e+00 : f32
    %broadcast_in_dim3A_563 = vector.shape_cast %eq3A_561 : vector<1x1024xi1> to vector<1x1024xi1>
    %broadcast_in_dim3A_564 = vector.broadcast %broadcast_in_dim3A_563 : vector<1x1024xi1> to vector<16x1024xi1>
    %broadcast_in_dim3A_565 = vector.broadcast %jit3A_562 : f32 to vector<16x1024xf32>
    %select_n3A_566 = arith.select %broadcast_in_dim3A_564, %get3A_111, %broadcast_in_dim3A_565 : vector<16x1024xi1>, vector<16x1024xf32>
    %add3A_567 = arith.addf %add3A_558, %select_n3A_566 : vector<16x1024xf32>
    %eq3A_568 = arith.constant 13 : i32
    %eq3A_569 = vector.broadcast %eq3A_568 : i32 to vector<1x1024xi32>
    %eq3A_570 = arith.cmpi eq, %slice3A_448, %eq3A_569 : vector<1x1024xi32>
    %jit3A_571 = arith.constant 0.000000e+00 : f32
    %broadcast_in_dim3A_572 = vector.shape_cast %eq3A_570 : vector<1x1024xi1> to vector<1x1024xi1>
    %broadcast_in_dim3A_573 = vector.broadcast %broadcast_in_dim3A_572 : vector<1x1024xi1> to vector<16x1024xi1>
    %broadcast_in_dim3A_574 = vector.broadcast %jit3A_571 : f32 to vector<16x1024xf32>
    %select_n3A_575 = arith.select %broadcast_in_dim3A_573, %get3A_117, %broadcast_in_dim3A_574 : vector<16x1024xi1>, vector<16x1024xf32>
    %add3A_576 = arith.addf %add3A_567, %select_n3A_575 : vector<16x1024xf32>
    %eq3A_577 = arith.constant 14 : i32
    %eq3A_578 = vector.broadcast %eq3A_577 : i32 to vector<1x1024xi32>
    %eq3A_579 = arith.cmpi eq, %slice3A_448, %eq3A_578 : vector<1x1024xi32>
    %jit3A_580 = arith.constant 0.000000e+00 : f32
    %broadcast_in_dim3A_581 = vector.shape_cast %eq3A_579 : vector<1x1024xi1> to vector<1x1024xi1>
    %broadcast_in_dim3A_582 = vector.broadcast %broadcast_in_dim3A_581 : vector<1x1024xi1> to vector<16x1024xi1>
    %broadcast_in_dim3A_583 = vector.broadcast %jit3A_580 : f32 to vector<16x1024xf32>
    %select_n3A_584 = arith.select %broadcast_in_dim3A_582, %get3A_123, %broadcast_in_dim3A_583 : vector<16x1024xi1>, vector<16x1024xf32>
    %add3A_585 = arith.addf %add3A_576, %select_n3A_584 : vector<16x1024xf32>
    %eq3A_586 = arith.constant 15 : i32
    %eq3A_587 = vector.broadcast %eq3A_586 : i32 to vector<1x1024xi32>
    %eq3A_588 = arith.cmpi eq, %slice3A_448, %eq3A_587 : vector<1x1024xi32>
    %jit3A_589 = arith.constant 0.000000e+00 : f32
    %broadcast_in_dim3A_590 = vector.shape_cast %eq3A_588 : vector<1x1024xi1> to vector<1x1024xi1>
    %broadcast_in_dim3A_591 = vector.broadcast %broadcast_in_dim3A_590 : vector<1x1024xi1> to vector<16x1024xi1>
    %broadcast_in_dim3A_592 = vector.broadcast %jit3A_589 : f32 to vector<16x1024xf32>
    %select_n3A_593 = arith.select %broadcast_in_dim3A_591, %get3A_129, %broadcast_in_dim3A_592 : vector<16x1024xi1>, vector<16x1024xf32>
    %add3A_594 = arith.addf %add3A_585, %select_n3A_593 : vector<16x1024xf32>
    %jit3A_595 = arith.constant 0.000000e+00 : f32
    %broadcast_in_dim3A_596 = vector.broadcast %jit3A_595 : f32 to vector<16x1024xf32>
    %select_n3A_597 = arith.select %eq3A_447, %add3A_594, %broadcast_in_dim3A_596 : vector<16x1024xi1>, vector<16x1024xf32>
    %reduce_sum3A_598 = vector.shape_cast %select_n3A_597 : vector<16x1024xf32> to vector<1x16x1024xf32>
    %reduce_sum3A_599 = arith.constant dense<0.000000e+00> : vector<1xf32>
    %reduce_sum3A_600 = vector.multi_reduction <add>, %reduce_sum3A_598, %reduce_sum3A_599 [1, 2] : vector<1x16x1024xf32> to vector<1xf32>
    %reduce_sum3A_601 = vector.shape_cast %reduce_sum3A_600 : vector<1xf32> to vector<1x1x1xf32>
    %reduce_sum3A_602 = vector.extract %reduce_sum3A_601[0, 0, 0] : f32 from vector<1x1x1xf32>
    %add3A_603 = arith.addf %add3A_393, %reduce_sum3A_602 : f32
    %jit3A_604 = arith.constant 0 : i32
    %broadcast_in_dim3A_605 = vector.broadcast %jit3A_604 : i32 to vector<16x1024xi32>
    %select_n3A_606 = arith.select %eq3A_447, %select_n3A_201, %broadcast_in_dim3A_605 : vector<16x1024xi1>, vector<16x1024xi32>
    %reduce_sum3A_607 = arith.constant dense<0> : vector<1024xi32>
    %reduce_sum3A_608 = vector.multi_reduction <add>, %select_n3A_606, %reduce_sum3A_607 [0] : vector<16x1024xi32> to vector<1024xi32>
    %broadcast_in_dim3A_609 = vector.shape_cast %reduce_sum3A_608 : vector<1024xi32> to vector<1x1024xi32>
    %eq3A_610 = arith.cmpi eq, %broadcast_in_dim3A_609, %slice3A_448 : vector<1x1024xi32>
    %convert_element_type3A_611 = arith.extui %eq3A_610 : vector<1x1024xi1> to vector<1x1024xi32>
    %convert_element_type3A_612 = arith.sitofp %convert_element_type3A_611 : vector<1x1024xi32> to vector<1x1024xf32>
    %reduce_sum3A_613 = vector.shape_cast %convert_element_type3A_612 : vector<1x1024xf32> to vector<1x1x1024xf32>
    %reduce_sum3A_614 = arith.constant dense<0.000000e+00> : vector<1xf32>
    %reduce_sum3A_615 = vector.multi_reduction <add>, %reduce_sum3A_613, %reduce_sum3A_614 [1, 2] : vector<1x1x1024xf32> to vector<1xf32>
    %reduce_sum3A_616 = vector.shape_cast %reduce_sum3A_615 : vector<1xf32> to vector<1x1x1xf32>
    %reduce_sum3A_617 = vector.extract %reduce_sum3A_616[0, 0, 0] : f32 from vector<1x1x1xf32>
    %add3A_618 = arith.addf %add3A_409, %reduce_sum3A_617 : f32
    %slice3A_619 = vector.extract_strided_slice %get3A_18 {offsets = [2, 0], sizes = [1, 1024], strides = [1, 1]} : vector<10x1024xf32> to vector<1x1024xf32>
    %sub3A_620 = vector.broadcast %slice3A_619 : vector<1x1024xf32> to vector<16x1024xf32>
    %sub3A_621 = arith.subf %get3A_3, %sub3A_620 : vector<16x1024xf32>
    %integer_pow3A_622 = arith.mulf %sub3A_621, %sub3A_621 : vector<16x1024xf32>
    %slice3A_623 = vector.extract_strided_slice %get3A_23 {offsets = [2, 0], sizes = [1, 1024], strides = [1, 1]} : vector<10x1024xf32> to vector<1x1024xf32>
    %sub3A_624 = vector.broadcast %slice3A_623 : vector<1x1024xf32> to vector<16x1024xf32>
    %sub3A_625 = arith.subf %get3A_8, %sub3A_624 : vector<16x1024xf32>
    %integer_pow3A_626 = arith.mulf %sub3A_625, %sub3A_625 : vector<16x1024xf32>
    %add3A_627 = arith.addf %integer_pow3A_622, %integer_pow3A_626 : vector<16x1024xf32>
    %slice3A_628 = vector.extract_strided_slice %get3A_28 {offsets = [2, 0], sizes = [1, 1024], strides = [1, 1]} : vector<10x1024xf32> to vector<1x1024xf32>
    %sub3A_629 = vector.broadcast %slice3A_628 : vector<1x1024xf32> to vector<16x1024xf32>
    %sub3A_630 = arith.subf %get3A_13, %sub3A_629 : vector<16x1024xf32>
    %integer_pow3A_631 = arith.mulf %sub3A_630, %sub3A_630 : vector<16x1024xf32>
    %add3A_632 = arith.addf %add3A_627, %integer_pow3A_631 : vector<16x1024xf32>
    %lt3A_633 = arith.cmpf olt, %add3A_632, %select_n3A_428 : vector<16x1024xf32>
    %jit3A_634 = arith.constant 2 : i32
    %broadcast_in_dim3A_635 = vector.broadcast %jit3A_634 : i32 to vector<16x1024xi32>
    %select_n3A_636 = arith.select %lt3A_633, %broadcast_in_dim3A_635, %select_n3A_427 : vector<16x1024xi1>, vector<16x1024xi32>
    %select_n3A_637 = arith.select %lt3A_633, %add3A_632, %select_n3A_428 : vector<16x1024xi1>, vector<16x1024xf32>
    %reduce_min3A_638 = arith.constant dense<0x7F800000> : vector<1024xf32>
    %reduce_min3A_639 = vector.multi_reduction <minimumf>, %add3A_632, %reduce_min3A_638 [0] : vector<16x1024xf32> to vector<1024xf32>
    %broadcast_in_dim3A_640 = vector.shape_cast %reduce_min3A_639 : vector<1024xf32> to vector<1x1024xf32>
    %reduce_sum3A_641 = vector.shape_cast %broadcast_in_dim3A_640 : vector<1x1024xf32> to vector<1x1x1024xf32>
    %reduce_sum3A_642 = arith.constant dense<0.000000e+00> : vector<1xf32>
    %reduce_sum3A_643 = vector.multi_reduction <add>, %reduce_sum3A_641, %reduce_sum3A_642 [1, 2] : vector<1x1x1024xf32> to vector<1xf32>
    %reduce_sum3A_644 = vector.shape_cast %reduce_sum3A_643 : vector<1xf32> to vector<1x1x1xf32>
    %reduce_sum3A_645 = vector.extract %reduce_sum3A_644[0, 0, 0] : f32 from vector<1x1x1xf32>
    %add3A_646 = arith.addf %add3A_437, %reduce_sum3A_645 : f32
    %eq3A_647 = vector.broadcast %broadcast_in_dim3A_640 : vector<1x1024xf32> to vector<16x1024xf32>
    %eq3A_648 = arith.cmpf oeq, %add3A_632, %eq3A_647 : vector<16x1024xf32>
    %jit3A_649 = arith.constant 16 : i32
    %broadcast_in_dim3A_650 = vector.broadcast %jit3A_649 : i32 to vector<16x1024xi32>
    %select_n3A_651 = arith.select %eq3A_648, %iota3A, %broadcast_in_dim3A_650 : vector<16x1024xi1>, vector<16x1024xi32>
    %reduce_min3A_652 = arith.constant dense<2147483647> : vector<1024xi32>
    %reduce_min3A_653 = vector.multi_reduction <minsi>, %select_n3A_651, %reduce_min3A_652 [0] : vector<16x1024xi32> to vector<1024xi32>
    %broadcast_in_dim3A_654 = vector.shape_cast %reduce_min3A_653 : vector<1024xi32> to vector<1x1024xi32>
    %eq3A_655 = vector.broadcast %broadcast_in_dim3A_654 : vector<1x1024xi32> to vector<16x1024xi32>
    %eq3A_656 = arith.cmpi eq, %iota3A, %eq3A_655 : vector<16x1024xi32>
    %slice3A_657 = vector.extract_strided_slice %convert_element_type3A {offsets = [2, 0], sizes = [1, 1024], strides = [1, 1]} : vector<10x1024xi32> to vector<1x1024xi32>
    %broadcast_in_dim3A_658 = arith.constant 0.000000e+00 : f32
    %broadcast_in_dim3A_659 = vector.broadcast %broadcast_in_dim3A_658 : f32 to vector<16x1024xf32>
    %eq3A_660 = arith.constant 0 : i32
    %eq3A_661 = vector.broadcast %eq3A_660 : i32 to vector<1x1024xi32>
    %eq3A_662 = arith.cmpi eq, %slice3A_657, %eq3A_661 : vector<1x1024xi32>
    %jit3A_663 = arith.constant 0.000000e+00 : f32
    %broadcast_in_dim3A_664 = vector.shape_cast %eq3A_662 : vector<1x1024xi1> to vector<1x1024xi1>
    %broadcast_in_dim3A_665 = vector.broadcast %broadcast_in_dim3A_664 : vector<1x1024xi1> to vector<16x1024xi1>
    %broadcast_in_dim3A_666 = vector.broadcast %jit3A_663 : f32 to vector<16x1024xf32>
    %select_n3A_667 = arith.select %broadcast_in_dim3A_665, %get3A_39, %broadcast_in_dim3A_666 : vector<16x1024xi1>, vector<16x1024xf32>
    %add3A_668 = arith.addf %broadcast_in_dim3A_659, %select_n3A_667 : vector<16x1024xf32>
    %eq3A_669 = arith.constant 1 : i32
    %eq3A_670 = vector.broadcast %eq3A_669 : i32 to vector<1x1024xi32>
    %eq3A_671 = arith.cmpi eq, %slice3A_657, %eq3A_670 : vector<1x1024xi32>
    %jit3A_672 = arith.constant 0.000000e+00 : f32
    %broadcast_in_dim3A_673 = vector.shape_cast %eq3A_671 : vector<1x1024xi1> to vector<1x1024xi1>
    %broadcast_in_dim3A_674 = vector.broadcast %broadcast_in_dim3A_673 : vector<1x1024xi1> to vector<16x1024xi1>
    %broadcast_in_dim3A_675 = vector.broadcast %jit3A_672 : f32 to vector<16x1024xf32>
    %select_n3A_676 = arith.select %broadcast_in_dim3A_674, %get3A_45, %broadcast_in_dim3A_675 : vector<16x1024xi1>, vector<16x1024xf32>
    %add3A_677 = arith.addf %add3A_668, %select_n3A_676 : vector<16x1024xf32>
    %eq3A_678 = arith.constant 2 : i32
    %eq3A_679 = vector.broadcast %eq3A_678 : i32 to vector<1x1024xi32>
    %eq3A_680 = arith.cmpi eq, %slice3A_657, %eq3A_679 : vector<1x1024xi32>
    %jit3A_681 = arith.constant 0.000000e+00 : f32
    %broadcast_in_dim3A_682 = vector.shape_cast %eq3A_680 : vector<1x1024xi1> to vector<1x1024xi1>
    %broadcast_in_dim3A_683 = vector.broadcast %broadcast_in_dim3A_682 : vector<1x1024xi1> to vector<16x1024xi1>
    %broadcast_in_dim3A_684 = vector.broadcast %jit3A_681 : f32 to vector<16x1024xf32>
    %select_n3A_685 = arith.select %broadcast_in_dim3A_683, %get3A_51, %broadcast_in_dim3A_684 : vector<16x1024xi1>, vector<16x1024xf32>
    %add3A_686 = arith.addf %add3A_677, %select_n3A_685 : vector<16x1024xf32>
    %eq3A_687 = arith.constant 3 : i32
    %eq3A_688 = vector.broadcast %eq3A_687 : i32 to vector<1x1024xi32>
    %eq3A_689 = arith.cmpi eq, %slice3A_657, %eq3A_688 : vector<1x1024xi32>
    %jit3A_690 = arith.constant 0.000000e+00 : f32
    %broadcast_in_dim3A_691 = vector.shape_cast %eq3A_689 : vector<1x1024xi1> to vector<1x1024xi1>
    %broadcast_in_dim3A_692 = vector.broadcast %broadcast_in_dim3A_691 : vector<1x1024xi1> to vector<16x1024xi1>
    %broadcast_in_dim3A_693 = vector.broadcast %jit3A_690 : f32 to vector<16x1024xf32>
    %select_n3A_694 = arith.select %broadcast_in_dim3A_692, %get3A_57, %broadcast_in_dim3A_693 : vector<16x1024xi1>, vector<16x1024xf32>
    %add3A_695 = arith.addf %add3A_686, %select_n3A_694 : vector<16x1024xf32>
    %eq3A_696 = arith.constant 4 : i32
    %eq3A_697 = vector.broadcast %eq3A_696 : i32 to vector<1x1024xi32>
    %eq3A_698 = arith.cmpi eq, %slice3A_657, %eq3A_697 : vector<1x1024xi32>
    %jit3A_699 = arith.constant 0.000000e+00 : f32
    %broadcast_in_dim3A_700 = vector.shape_cast %eq3A_698 : vector<1x1024xi1> to vector<1x1024xi1>
    %broadcast_in_dim3A_701 = vector.broadcast %broadcast_in_dim3A_700 : vector<1x1024xi1> to vector<16x1024xi1>
    %broadcast_in_dim3A_702 = vector.broadcast %jit3A_699 : f32 to vector<16x1024xf32>
    %select_n3A_703 = arith.select %broadcast_in_dim3A_701, %get3A_63, %broadcast_in_dim3A_702 : vector<16x1024xi1>, vector<16x1024xf32>
    %add3A_704 = arith.addf %add3A_695, %select_n3A_703 : vector<16x1024xf32>
    %eq3A_705 = arith.constant 5 : i32
    %eq3A_706 = vector.broadcast %eq3A_705 : i32 to vector<1x1024xi32>
    %eq3A_707 = arith.cmpi eq, %slice3A_657, %eq3A_706 : vector<1x1024xi32>
    %jit3A_708 = arith.constant 0.000000e+00 : f32
    %broadcast_in_dim3A_709 = vector.shape_cast %eq3A_707 : vector<1x1024xi1> to vector<1x1024xi1>
    %broadcast_in_dim3A_710 = vector.broadcast %broadcast_in_dim3A_709 : vector<1x1024xi1> to vector<16x1024xi1>
    %broadcast_in_dim3A_711 = vector.broadcast %jit3A_708 : f32 to vector<16x1024xf32>
    %select_n3A_712 = arith.select %broadcast_in_dim3A_710, %get3A_69, %broadcast_in_dim3A_711 : vector<16x1024xi1>, vector<16x1024xf32>
    %add3A_713 = arith.addf %add3A_704, %select_n3A_712 : vector<16x1024xf32>
    %eq3A_714 = arith.constant 6 : i32
    %eq3A_715 = vector.broadcast %eq3A_714 : i32 to vector<1x1024xi32>
    %eq3A_716 = arith.cmpi eq, %slice3A_657, %eq3A_715 : vector<1x1024xi32>
    %jit3A_717 = arith.constant 0.000000e+00 : f32
    %broadcast_in_dim3A_718 = vector.shape_cast %eq3A_716 : vector<1x1024xi1> to vector<1x1024xi1>
    %broadcast_in_dim3A_719 = vector.broadcast %broadcast_in_dim3A_718 : vector<1x1024xi1> to vector<16x1024xi1>
    %broadcast_in_dim3A_720 = vector.broadcast %jit3A_717 : f32 to vector<16x1024xf32>
    %select_n3A_721 = arith.select %broadcast_in_dim3A_719, %get3A_75, %broadcast_in_dim3A_720 : vector<16x1024xi1>, vector<16x1024xf32>
    %add3A_722 = arith.addf %add3A_713, %select_n3A_721 : vector<16x1024xf32>
    %eq3A_723 = arith.constant 7 : i32
    %eq3A_724 = vector.broadcast %eq3A_723 : i32 to vector<1x1024xi32>
    %eq3A_725 = arith.cmpi eq, %slice3A_657, %eq3A_724 : vector<1x1024xi32>
    %jit3A_726 = arith.constant 0.000000e+00 : f32
    %broadcast_in_dim3A_727 = vector.shape_cast %eq3A_725 : vector<1x1024xi1> to vector<1x1024xi1>
    %broadcast_in_dim3A_728 = vector.broadcast %broadcast_in_dim3A_727 : vector<1x1024xi1> to vector<16x1024xi1>
    %broadcast_in_dim3A_729 = vector.broadcast %jit3A_726 : f32 to vector<16x1024xf32>
    %select_n3A_730 = arith.select %broadcast_in_dim3A_728, %get3A_81, %broadcast_in_dim3A_729 : vector<16x1024xi1>, vector<16x1024xf32>
    %add3A_731 = arith.addf %add3A_722, %select_n3A_730 : vector<16x1024xf32>
    %eq3A_732 = arith.constant 8 : i32
    %eq3A_733 = vector.broadcast %eq3A_732 : i32 to vector<1x1024xi32>
    %eq3A_734 = arith.cmpi eq, %slice3A_657, %eq3A_733 : vector<1x1024xi32>
    %jit3A_735 = arith.constant 0.000000e+00 : f32
    %broadcast_in_dim3A_736 = vector.shape_cast %eq3A_734 : vector<1x1024xi1> to vector<1x1024xi1>
    %broadcast_in_dim3A_737 = vector.broadcast %broadcast_in_dim3A_736 : vector<1x1024xi1> to vector<16x1024xi1>
    %broadcast_in_dim3A_738 = vector.broadcast %jit3A_735 : f32 to vector<16x1024xf32>
    %select_n3A_739 = arith.select %broadcast_in_dim3A_737, %get3A_87, %broadcast_in_dim3A_738 : vector<16x1024xi1>, vector<16x1024xf32>
    %add3A_740 = arith.addf %add3A_731, %select_n3A_739 : vector<16x1024xf32>
    %eq3A_741 = arith.constant 9 : i32
    %eq3A_742 = vector.broadcast %eq3A_741 : i32 to vector<1x1024xi32>
    %eq3A_743 = arith.cmpi eq, %slice3A_657, %eq3A_742 : vector<1x1024xi32>
    %jit3A_744 = arith.constant 0.000000e+00 : f32
    %broadcast_in_dim3A_745 = vector.shape_cast %eq3A_743 : vector<1x1024xi1> to vector<1x1024xi1>
    %broadcast_in_dim3A_746 = vector.broadcast %broadcast_in_dim3A_745 : vector<1x1024xi1> to vector<16x1024xi1>
    %broadcast_in_dim3A_747 = vector.broadcast %jit3A_744 : f32 to vector<16x1024xf32>
    %select_n3A_748 = arith.select %broadcast_in_dim3A_746, %get3A_93, %broadcast_in_dim3A_747 : vector<16x1024xi1>, vector<16x1024xf32>
    %add3A_749 = arith.addf %add3A_740, %select_n3A_748 : vector<16x1024xf32>
    %eq3A_750 = arith.constant 10 : i32
    %eq3A_751 = vector.broadcast %eq3A_750 : i32 to vector<1x1024xi32>
    %eq3A_752 = arith.cmpi eq, %slice3A_657, %eq3A_751 : vector<1x1024xi32>
    %jit3A_753 = arith.constant 0.000000e+00 : f32
    %broadcast_in_dim3A_754 = vector.shape_cast %eq3A_752 : vector<1x1024xi1> to vector<1x1024xi1>
    %broadcast_in_dim3A_755 = vector.broadcast %broadcast_in_dim3A_754 : vector<1x1024xi1> to vector<16x1024xi1>
    %broadcast_in_dim3A_756 = vector.broadcast %jit3A_753 : f32 to vector<16x1024xf32>
    %select_n3A_757 = arith.select %broadcast_in_dim3A_755, %get3A_99, %broadcast_in_dim3A_756 : vector<16x1024xi1>, vector<16x1024xf32>
    %add3A_758 = arith.addf %add3A_749, %select_n3A_757 : vector<16x1024xf32>
    %eq3A_759 = arith.constant 11 : i32
    %eq3A_760 = vector.broadcast %eq3A_759 : i32 to vector<1x1024xi32>
    %eq3A_761 = arith.cmpi eq, %slice3A_657, %eq3A_760 : vector<1x1024xi32>
    %jit3A_762 = arith.constant 0.000000e+00 : f32
    %broadcast_in_dim3A_763 = vector.shape_cast %eq3A_761 : vector<1x1024xi1> to vector<1x1024xi1>
    %broadcast_in_dim3A_764 = vector.broadcast %broadcast_in_dim3A_763 : vector<1x1024xi1> to vector<16x1024xi1>
    %broadcast_in_dim3A_765 = vector.broadcast %jit3A_762 : f32 to vector<16x1024xf32>
    %select_n3A_766 = arith.select %broadcast_in_dim3A_764, %get3A_105, %broadcast_in_dim3A_765 : vector<16x1024xi1>, vector<16x1024xf32>
    %add3A_767 = arith.addf %add3A_758, %select_n3A_766 : vector<16x1024xf32>
    %eq3A_768 = arith.constant 12 : i32
    %eq3A_769 = vector.broadcast %eq3A_768 : i32 to vector<1x1024xi32>
    %eq3A_770 = arith.cmpi eq, %slice3A_657, %eq3A_769 : vector<1x1024xi32>
    %jit3A_771 = arith.constant 0.000000e+00 : f32
    %broadcast_in_dim3A_772 = vector.shape_cast %eq3A_770 : vector<1x1024xi1> to vector<1x1024xi1>
    %broadcast_in_dim3A_773 = vector.broadcast %broadcast_in_dim3A_772 : vector<1x1024xi1> to vector<16x1024xi1>
    %broadcast_in_dim3A_774 = vector.broadcast %jit3A_771 : f32 to vector<16x1024xf32>
    %select_n3A_775 = arith.select %broadcast_in_dim3A_773, %get3A_111, %broadcast_in_dim3A_774 : vector<16x1024xi1>, vector<16x1024xf32>
    %add3A_776 = arith.addf %add3A_767, %select_n3A_775 : vector<16x1024xf32>
    %eq3A_777 = arith.constant 13 : i32
    %eq3A_778 = vector.broadcast %eq3A_777 : i32 to vector<1x1024xi32>
    %eq3A_779 = arith.cmpi eq, %slice3A_657, %eq3A_778 : vector<1x1024xi32>
    %jit3A_780 = arith.constant 0.000000e+00 : f32
    %broadcast_in_dim3A_781 = vector.shape_cast %eq3A_779 : vector<1x1024xi1> to vector<1x1024xi1>
    %broadcast_in_dim3A_782 = vector.broadcast %broadcast_in_dim3A_781 : vector<1x1024xi1> to vector<16x1024xi1>
    %broadcast_in_dim3A_783 = vector.broadcast %jit3A_780 : f32 to vector<16x1024xf32>
    %select_n3A_784 = arith.select %broadcast_in_dim3A_782, %get3A_117, %broadcast_in_dim3A_783 : vector<16x1024xi1>, vector<16x1024xf32>
    %add3A_785 = arith.addf %add3A_776, %select_n3A_784 : vector<16x1024xf32>
    %eq3A_786 = arith.constant 14 : i32
    %eq3A_787 = vector.broadcast %eq3A_786 : i32 to vector<1x1024xi32>
    %eq3A_788 = arith.cmpi eq, %slice3A_657, %eq3A_787 : vector<1x1024xi32>
    %jit3A_789 = arith.constant 0.000000e+00 : f32
    %broadcast_in_dim3A_790 = vector.shape_cast %eq3A_788 : vector<1x1024xi1> to vector<1x1024xi1>
    %broadcast_in_dim3A_791 = vector.broadcast %broadcast_in_dim3A_790 : vector<1x1024xi1> to vector<16x1024xi1>
    %broadcast_in_dim3A_792 = vector.broadcast %jit3A_789 : f32 to vector<16x1024xf32>
    %select_n3A_793 = arith.select %broadcast_in_dim3A_791, %get3A_123, %broadcast_in_dim3A_792 : vector<16x1024xi1>, vector<16x1024xf32>
    %add3A_794 = arith.addf %add3A_785, %select_n3A_793 : vector<16x1024xf32>
    %eq3A_795 = arith.constant 15 : i32
    %eq3A_796 = vector.broadcast %eq3A_795 : i32 to vector<1x1024xi32>
    %eq3A_797 = arith.cmpi eq, %slice3A_657, %eq3A_796 : vector<1x1024xi32>
    %jit3A_798 = arith.constant 0.000000e+00 : f32
    %broadcast_in_dim3A_799 = vector.shape_cast %eq3A_797 : vector<1x1024xi1> to vector<1x1024xi1>
    %broadcast_in_dim3A_800 = vector.broadcast %broadcast_in_dim3A_799 : vector<1x1024xi1> to vector<16x1024xi1>
    %broadcast_in_dim3A_801 = vector.broadcast %jit3A_798 : f32 to vector<16x1024xf32>
    %select_n3A_802 = arith.select %broadcast_in_dim3A_800, %get3A_129, %broadcast_in_dim3A_801 : vector<16x1024xi1>, vector<16x1024xf32>
    %add3A_803 = arith.addf %add3A_794, %select_n3A_802 : vector<16x1024xf32>
    %jit3A_804 = arith.constant 0.000000e+00 : f32
    %broadcast_in_dim3A_805 = vector.broadcast %jit3A_804 : f32 to vector<16x1024xf32>
    %select_n3A_806 = arith.select %eq3A_656, %add3A_803, %broadcast_in_dim3A_805 : vector<16x1024xi1>, vector<16x1024xf32>
    %reduce_sum3A_807 = vector.shape_cast %select_n3A_806 : vector<16x1024xf32> to vector<1x16x1024xf32>
    %reduce_sum3A_808 = arith.constant dense<0.000000e+00> : vector<1xf32>
    %reduce_sum3A_809 = vector.multi_reduction <add>, %reduce_sum3A_807, %reduce_sum3A_808 [1, 2] : vector<1x16x1024xf32> to vector<1xf32>
    %reduce_sum3A_810 = vector.shape_cast %reduce_sum3A_809 : vector<1xf32> to vector<1x1x1xf32>
    %reduce_sum3A_811 = vector.extract %reduce_sum3A_810[0, 0, 0] : f32 from vector<1x1x1xf32>
    %add3A_812 = arith.addf %add3A_603, %reduce_sum3A_811 : f32
    %jit3A_813 = arith.constant 0 : i32
    %broadcast_in_dim3A_814 = vector.broadcast %jit3A_813 : i32 to vector<16x1024xi32>
    %select_n3A_815 = arith.select %eq3A_656, %select_n3A_201, %broadcast_in_dim3A_814 : vector<16x1024xi1>, vector<16x1024xi32>
    %reduce_sum3A_816 = arith.constant dense<0> : vector<1024xi32>
    %reduce_sum3A_817 = vector.multi_reduction <add>, %select_n3A_815, %reduce_sum3A_816 [0] : vector<16x1024xi32> to vector<1024xi32>
    %broadcast_in_dim3A_818 = vector.shape_cast %reduce_sum3A_817 : vector<1024xi32> to vector<1x1024xi32>
    %eq3A_819 = arith.cmpi eq, %broadcast_in_dim3A_818, %slice3A_657 : vector<1x1024xi32>
    %convert_element_type3A_820 = arith.extui %eq3A_819 : vector<1x1024xi1> to vector<1x1024xi32>
    %convert_element_type3A_821 = arith.sitofp %convert_element_type3A_820 : vector<1x1024xi32> to vector<1x1024xf32>
    %reduce_sum3A_822 = vector.shape_cast %convert_element_type3A_821 : vector<1x1024xf32> to vector<1x1x1024xf32>
    %reduce_sum3A_823 = arith.constant dense<0.000000e+00> : vector<1xf32>
    %reduce_sum3A_824 = vector.multi_reduction <add>, %reduce_sum3A_822, %reduce_sum3A_823 [1, 2] : vector<1x1x1024xf32> to vector<1xf32>
    %reduce_sum3A_825 = vector.shape_cast %reduce_sum3A_824 : vector<1xf32> to vector<1x1x1xf32>
    %reduce_sum3A_826 = vector.extract %reduce_sum3A_825[0, 0, 0] : f32 from vector<1x1x1xf32>
    %add3A_827 = arith.addf %add3A_618, %reduce_sum3A_826 : f32
    %slice3A_828 = vector.extract_strided_slice %get3A_18 {offsets = [3, 0], sizes = [1, 1024], strides = [1, 1]} : vector<10x1024xf32> to vector<1x1024xf32>
    %sub3A_829 = vector.broadcast %slice3A_828 : vector<1x1024xf32> to vector<16x1024xf32>
    %sub3A_830 = arith.subf %get3A_3, %sub3A_829 : vector<16x1024xf32>
    %integer_pow3A_831 = arith.mulf %sub3A_830, %sub3A_830 : vector<16x1024xf32>
    %slice3A_832 = vector.extract_strided_slice %get3A_23 {offsets = [3, 0], sizes = [1, 1024], strides = [1, 1]} : vector<10x1024xf32> to vector<1x1024xf32>
    %sub3A_833 = vector.broadcast %slice3A_832 : vector<1x1024xf32> to vector<16x1024xf32>
    %sub3A_834 = arith.subf %get3A_8, %sub3A_833 : vector<16x1024xf32>
    %integer_pow3A_835 = arith.mulf %sub3A_834, %sub3A_834 : vector<16x1024xf32>
    %add3A_836 = arith.addf %integer_pow3A_831, %integer_pow3A_835 : vector<16x1024xf32>
    %slice3A_837 = vector.extract_strided_slice %get3A_28 {offsets = [3, 0], sizes = [1, 1024], strides = [1, 1]} : vector<10x1024xf32> to vector<1x1024xf32>
    %sub3A_838 = vector.broadcast %slice3A_837 : vector<1x1024xf32> to vector<16x1024xf32>
    %sub3A_839 = arith.subf %get3A_13, %sub3A_838 : vector<16x1024xf32>
    %integer_pow3A_840 = arith.mulf %sub3A_839, %sub3A_839 : vector<16x1024xf32>
    %add3A_841 = arith.addf %add3A_836, %integer_pow3A_840 : vector<16x1024xf32>
    %lt3A_842 = arith.cmpf olt, %add3A_841, %select_n3A_637 : vector<16x1024xf32>
    %jit3A_843 = arith.constant 3 : i32
    %broadcast_in_dim3A_844 = vector.broadcast %jit3A_843 : i32 to vector<16x1024xi32>
    %select_n3A_845 = arith.select %lt3A_842, %broadcast_in_dim3A_844, %select_n3A_636 : vector<16x1024xi1>, vector<16x1024xi32>
    %select_n3A_846 = arith.select %lt3A_842, %add3A_841, %select_n3A_637 : vector<16x1024xi1>, vector<16x1024xf32>
    %reduce_min3A_847 = arith.constant dense<0x7F800000> : vector<1024xf32>
    %reduce_min3A_848 = vector.multi_reduction <minimumf>, %add3A_841, %reduce_min3A_847 [0] : vector<16x1024xf32> to vector<1024xf32>
    %broadcast_in_dim3A_849 = vector.shape_cast %reduce_min3A_848 : vector<1024xf32> to vector<1x1024xf32>
    %reduce_sum3A_850 = vector.shape_cast %broadcast_in_dim3A_849 : vector<1x1024xf32> to vector<1x1x1024xf32>
    %reduce_sum3A_851 = arith.constant dense<0.000000e+00> : vector<1xf32>
    %reduce_sum3A_852 = vector.multi_reduction <add>, %reduce_sum3A_850, %reduce_sum3A_851 [1, 2] : vector<1x1x1024xf32> to vector<1xf32>
    %reduce_sum3A_853 = vector.shape_cast %reduce_sum3A_852 : vector<1xf32> to vector<1x1x1xf32>
    %reduce_sum3A_854 = vector.extract %reduce_sum3A_853[0, 0, 0] : f32 from vector<1x1x1xf32>
    %add3A_855 = arith.addf %add3A_646, %reduce_sum3A_854 : f32
    %eq3A_856 = vector.broadcast %broadcast_in_dim3A_849 : vector<1x1024xf32> to vector<16x1024xf32>
    %eq3A_857 = arith.cmpf oeq, %add3A_841, %eq3A_856 : vector<16x1024xf32>
    %jit3A_858 = arith.constant 16 : i32
    %broadcast_in_dim3A_859 = vector.broadcast %jit3A_858 : i32 to vector<16x1024xi32>
    %select_n3A_860 = arith.select %eq3A_857, %iota3A, %broadcast_in_dim3A_859 : vector<16x1024xi1>, vector<16x1024xi32>
    %reduce_min3A_861 = arith.constant dense<2147483647> : vector<1024xi32>
    %reduce_min3A_862 = vector.multi_reduction <minsi>, %select_n3A_860, %reduce_min3A_861 [0] : vector<16x1024xi32> to vector<1024xi32>
    %broadcast_in_dim3A_863 = vector.shape_cast %reduce_min3A_862 : vector<1024xi32> to vector<1x1024xi32>
    %eq3A_864 = vector.broadcast %broadcast_in_dim3A_863 : vector<1x1024xi32> to vector<16x1024xi32>
    %eq3A_865 = arith.cmpi eq, %iota3A, %eq3A_864 : vector<16x1024xi32>
    %slice3A_866 = vector.extract_strided_slice %convert_element_type3A {offsets = [3, 0], sizes = [1, 1024], strides = [1, 1]} : vector<10x1024xi32> to vector<1x1024xi32>
    %broadcast_in_dim3A_867 = arith.constant 0.000000e+00 : f32
    %broadcast_in_dim3A_868 = vector.broadcast %broadcast_in_dim3A_867 : f32 to vector<16x1024xf32>
    %eq3A_869 = arith.constant 0 : i32
    %eq3A_870 = vector.broadcast %eq3A_869 : i32 to vector<1x1024xi32>
    %eq3A_871 = arith.cmpi eq, %slice3A_866, %eq3A_870 : vector<1x1024xi32>
    %jit3A_872 = arith.constant 0.000000e+00 : f32
    %broadcast_in_dim3A_873 = vector.shape_cast %eq3A_871 : vector<1x1024xi1> to vector<1x1024xi1>
    %broadcast_in_dim3A_874 = vector.broadcast %broadcast_in_dim3A_873 : vector<1x1024xi1> to vector<16x1024xi1>
    %broadcast_in_dim3A_875 = vector.broadcast %jit3A_872 : f32 to vector<16x1024xf32>
    %select_n3A_876 = arith.select %broadcast_in_dim3A_874, %get3A_39, %broadcast_in_dim3A_875 : vector<16x1024xi1>, vector<16x1024xf32>
    %add3A_877 = arith.addf %broadcast_in_dim3A_868, %select_n3A_876 : vector<16x1024xf32>
    %eq3A_878 = arith.constant 1 : i32
    %eq3A_879 = vector.broadcast %eq3A_878 : i32 to vector<1x1024xi32>
    %eq3A_880 = arith.cmpi eq, %slice3A_866, %eq3A_879 : vector<1x1024xi32>
    %jit3A_881 = arith.constant 0.000000e+00 : f32
    %broadcast_in_dim3A_882 = vector.shape_cast %eq3A_880 : vector<1x1024xi1> to vector<1x1024xi1>
    %broadcast_in_dim3A_883 = vector.broadcast %broadcast_in_dim3A_882 : vector<1x1024xi1> to vector<16x1024xi1>
    %broadcast_in_dim3A_884 = vector.broadcast %jit3A_881 : f32 to vector<16x1024xf32>
    %select_n3A_885 = arith.select %broadcast_in_dim3A_883, %get3A_45, %broadcast_in_dim3A_884 : vector<16x1024xi1>, vector<16x1024xf32>
    %add3A_886 = arith.addf %add3A_877, %select_n3A_885 : vector<16x1024xf32>
    %eq3A_887 = arith.constant 2 : i32
    %eq3A_888 = vector.broadcast %eq3A_887 : i32 to vector<1x1024xi32>
    %eq3A_889 = arith.cmpi eq, %slice3A_866, %eq3A_888 : vector<1x1024xi32>
    %jit3A_890 = arith.constant 0.000000e+00 : f32
    %broadcast_in_dim3A_891 = vector.shape_cast %eq3A_889 : vector<1x1024xi1> to vector<1x1024xi1>
    %broadcast_in_dim3A_892 = vector.broadcast %broadcast_in_dim3A_891 : vector<1x1024xi1> to vector<16x1024xi1>
    %broadcast_in_dim3A_893 = vector.broadcast %jit3A_890 : f32 to vector<16x1024xf32>
    %select_n3A_894 = arith.select %broadcast_in_dim3A_892, %get3A_51, %broadcast_in_dim3A_893 : vector<16x1024xi1>, vector<16x1024xf32>
    %add3A_895 = arith.addf %add3A_886, %select_n3A_894 : vector<16x1024xf32>
    %eq3A_896 = arith.constant 3 : i32
    %eq3A_897 = vector.broadcast %eq3A_896 : i32 to vector<1x1024xi32>
    %eq3A_898 = arith.cmpi eq, %slice3A_866, %eq3A_897 : vector<1x1024xi32>
    %jit3A_899 = arith.constant 0.000000e+00 : f32
    %broadcast_in_dim3A_900 = vector.shape_cast %eq3A_898 : vector<1x1024xi1> to vector<1x1024xi1>
    %broadcast_in_dim3A_901 = vector.broadcast %broadcast_in_dim3A_900 : vector<1x1024xi1> to vector<16x1024xi1>
    %broadcast_in_dim3A_902 = vector.broadcast %jit3A_899 : f32 to vector<16x1024xf32>
    %select_n3A_903 = arith.select %broadcast_in_dim3A_901, %get3A_57, %broadcast_in_dim3A_902 : vector<16x1024xi1>, vector<16x1024xf32>
    %add3A_904 = arith.addf %add3A_895, %select_n3A_903 : vector<16x1024xf32>
    %eq3A_905 = arith.constant 4 : i32
    %eq3A_906 = vector.broadcast %eq3A_905 : i32 to vector<1x1024xi32>
    %eq3A_907 = arith.cmpi eq, %slice3A_866, %eq3A_906 : vector<1x1024xi32>
    %jit3A_908 = arith.constant 0.000000e+00 : f32
    %broadcast_in_dim3A_909 = vector.shape_cast %eq3A_907 : vector<1x1024xi1> to vector<1x1024xi1>
    %broadcast_in_dim3A_910 = vector.broadcast %broadcast_in_dim3A_909 : vector<1x1024xi1> to vector<16x1024xi1>
    %broadcast_in_dim3A_911 = vector.broadcast %jit3A_908 : f32 to vector<16x1024xf32>
    %select_n3A_912 = arith.select %broadcast_in_dim3A_910, %get3A_63, %broadcast_in_dim3A_911 : vector<16x1024xi1>, vector<16x1024xf32>
    %add3A_913 = arith.addf %add3A_904, %select_n3A_912 : vector<16x1024xf32>
    %eq3A_914 = arith.constant 5 : i32
    %eq3A_915 = vector.broadcast %eq3A_914 : i32 to vector<1x1024xi32>
    %eq3A_916 = arith.cmpi eq, %slice3A_866, %eq3A_915 : vector<1x1024xi32>
    %jit3A_917 = arith.constant 0.000000e+00 : f32
    %broadcast_in_dim3A_918 = vector.shape_cast %eq3A_916 : vector<1x1024xi1> to vector<1x1024xi1>
    %broadcast_in_dim3A_919 = vector.broadcast %broadcast_in_dim3A_918 : vector<1x1024xi1> to vector<16x1024xi1>
    %broadcast_in_dim3A_920 = vector.broadcast %jit3A_917 : f32 to vector<16x1024xf32>
    %select_n3A_921 = arith.select %broadcast_in_dim3A_919, %get3A_69, %broadcast_in_dim3A_920 : vector<16x1024xi1>, vector<16x1024xf32>
    %add3A_922 = arith.addf %add3A_913, %select_n3A_921 : vector<16x1024xf32>
    %eq3A_923 = arith.constant 6 : i32
    %eq3A_924 = vector.broadcast %eq3A_923 : i32 to vector<1x1024xi32>
    %eq3A_925 = arith.cmpi eq, %slice3A_866, %eq3A_924 : vector<1x1024xi32>
    %jit3A_926 = arith.constant 0.000000e+00 : f32
    %broadcast_in_dim3A_927 = vector.shape_cast %eq3A_925 : vector<1x1024xi1> to vector<1x1024xi1>
    %broadcast_in_dim3A_928 = vector.broadcast %broadcast_in_dim3A_927 : vector<1x1024xi1> to vector<16x1024xi1>
    %broadcast_in_dim3A_929 = vector.broadcast %jit3A_926 : f32 to vector<16x1024xf32>
    %select_n3A_930 = arith.select %broadcast_in_dim3A_928, %get3A_75, %broadcast_in_dim3A_929 : vector<16x1024xi1>, vector<16x1024xf32>
    %add3A_931 = arith.addf %add3A_922, %select_n3A_930 : vector<16x1024xf32>
    %eq3A_932 = arith.constant 7 : i32
    %eq3A_933 = vector.broadcast %eq3A_932 : i32 to vector<1x1024xi32>
    %eq3A_934 = arith.cmpi eq, %slice3A_866, %eq3A_933 : vector<1x1024xi32>
    %jit3A_935 = arith.constant 0.000000e+00 : f32
    %broadcast_in_dim3A_936 = vector.shape_cast %eq3A_934 : vector<1x1024xi1> to vector<1x1024xi1>
    %broadcast_in_dim3A_937 = vector.broadcast %broadcast_in_dim3A_936 : vector<1x1024xi1> to vector<16x1024xi1>
    %broadcast_in_dim3A_938 = vector.broadcast %jit3A_935 : f32 to vector<16x1024xf32>
    %select_n3A_939 = arith.select %broadcast_in_dim3A_937, %get3A_81, %broadcast_in_dim3A_938 : vector<16x1024xi1>, vector<16x1024xf32>
    %add3A_940 = arith.addf %add3A_931, %select_n3A_939 : vector<16x1024xf32>
    %eq3A_941 = arith.constant 8 : i32
    %eq3A_942 = vector.broadcast %eq3A_941 : i32 to vector<1x1024xi32>
    %eq3A_943 = arith.cmpi eq, %slice3A_866, %eq3A_942 : vector<1x1024xi32>
    %jit3A_944 = arith.constant 0.000000e+00 : f32
    %broadcast_in_dim3A_945 = vector.shape_cast %eq3A_943 : vector<1x1024xi1> to vector<1x1024xi1>
    %broadcast_in_dim3A_946 = vector.broadcast %broadcast_in_dim3A_945 : vector<1x1024xi1> to vector<16x1024xi1>
    %broadcast_in_dim3A_947 = vector.broadcast %jit3A_944 : f32 to vector<16x1024xf32>
    %select_n3A_948 = arith.select %broadcast_in_dim3A_946, %get3A_87, %broadcast_in_dim3A_947 : vector<16x1024xi1>, vector<16x1024xf32>
    %add3A_949 = arith.addf %add3A_940, %select_n3A_948 : vector<16x1024xf32>
    %eq3A_950 = arith.constant 9 : i32
    %eq3A_951 = vector.broadcast %eq3A_950 : i32 to vector<1x1024xi32>
    %eq3A_952 = arith.cmpi eq, %slice3A_866, %eq3A_951 : vector<1x1024xi32>
    %jit3A_953 = arith.constant 0.000000e+00 : f32
    %broadcast_in_dim3A_954 = vector.shape_cast %eq3A_952 : vector<1x1024xi1> to vector<1x1024xi1>
    %broadcast_in_dim3A_955 = vector.broadcast %broadcast_in_dim3A_954 : vector<1x1024xi1> to vector<16x1024xi1>
    %broadcast_in_dim3A_956 = vector.broadcast %jit3A_953 : f32 to vector<16x1024xf32>
    %select_n3A_957 = arith.select %broadcast_in_dim3A_955, %get3A_93, %broadcast_in_dim3A_956 : vector<16x1024xi1>, vector<16x1024xf32>
    %add3A_958 = arith.addf %add3A_949, %select_n3A_957 : vector<16x1024xf32>
    %eq3A_959 = arith.constant 10 : i32
    %eq3A_960 = vector.broadcast %eq3A_959 : i32 to vector<1x1024xi32>
    %eq3A_961 = arith.cmpi eq, %slice3A_866, %eq3A_960 : vector<1x1024xi32>
    %jit3A_962 = arith.constant 0.000000e+00 : f32
    %broadcast_in_dim3A_963 = vector.shape_cast %eq3A_961 : vector<1x1024xi1> to vector<1x1024xi1>
    %broadcast_in_dim3A_964 = vector.broadcast %broadcast_in_dim3A_963 : vector<1x1024xi1> to vector<16x1024xi1>
    %broadcast_in_dim3A_965 = vector.broadcast %jit3A_962 : f32 to vector<16x1024xf32>
    %select_n3A_966 = arith.select %broadcast_in_dim3A_964, %get3A_99, %broadcast_in_dim3A_965 : vector<16x1024xi1>, vector<16x1024xf32>
    %add3A_967 = arith.addf %add3A_958, %select_n3A_966 : vector<16x1024xf32>
    %eq3A_968 = arith.constant 11 : i32
    %eq3A_969 = vector.broadcast %eq3A_968 : i32 to vector<1x1024xi32>
    %eq3A_970 = arith.cmpi eq, %slice3A_866, %eq3A_969 : vector<1x1024xi32>
    %jit3A_971 = arith.constant 0.000000e+00 : f32
    %broadcast_in_dim3A_972 = vector.shape_cast %eq3A_970 : vector<1x1024xi1> to vector<1x1024xi1>
    %broadcast_in_dim3A_973 = vector.broadcast %broadcast_in_dim3A_972 : vector<1x1024xi1> to vector<16x1024xi1>
    %broadcast_in_dim3A_974 = vector.broadcast %jit3A_971 : f32 to vector<16x1024xf32>
    %select_n3A_975 = arith.select %broadcast_in_dim3A_973, %get3A_105, %broadcast_in_dim3A_974 : vector<16x1024xi1>, vector<16x1024xf32>
    %add3A_976 = arith.addf %add3A_967, %select_n3A_975 : vector<16x1024xf32>
    %eq3A_977 = arith.constant 12 : i32
    %eq3A_978 = vector.broadcast %eq3A_977 : i32 to vector<1x1024xi32>
    %eq3A_979 = arith.cmpi eq, %slice3A_866, %eq3A_978 : vector<1x1024xi32>
    %jit3A_980 = arith.constant 0.000000e+00 : f32
    %broadcast_in_dim3A_981 = vector.shape_cast %eq3A_979 : vector<1x1024xi1> to vector<1x1024xi1>
    %broadcast_in_dim3A_982 = vector.broadcast %broadcast_in_dim3A_981 : vector<1x1024xi1> to vector<16x1024xi1>
    %broadcast_in_dim3A_983 = vector.broadcast %jit3A_980 : f32 to vector<16x1024xf32>
    %select_n3A_984 = arith.select %broadcast_in_dim3A_982, %get3A_111, %broadcast_in_dim3A_983 : vector<16x1024xi1>, vector<16x1024xf32>
    %add3A_985 = arith.addf %add3A_976, %select_n3A_984 : vector<16x1024xf32>
    %eq3A_986 = arith.constant 13 : i32
    %eq3A_987 = vector.broadcast %eq3A_986 : i32 to vector<1x1024xi32>
    %eq3A_988 = arith.cmpi eq, %slice3A_866, %eq3A_987 : vector<1x1024xi32>
    %jit3A_989 = arith.constant 0.000000e+00 : f32
    %broadcast_in_dim3A_990 = vector.shape_cast %eq3A_988 : vector<1x1024xi1> to vector<1x1024xi1>
    %broadcast_in_dim3A_991 = vector.broadcast %broadcast_in_dim3A_990 : vector<1x1024xi1> to vector<16x1024xi1>
    %broadcast_in_dim3A_992 = vector.broadcast %jit3A_989 : f32 to vector<16x1024xf32>
    %select_n3A_993 = arith.select %broadcast_in_dim3A_991, %get3A_117, %broadcast_in_dim3A_992 : vector<16x1024xi1>, vector<16x1024xf32>
    %add3A_994 = arith.addf %add3A_985, %select_n3A_993 : vector<16x1024xf32>
    %eq3A_995 = arith.constant 14 : i32
    %eq3A_996 = vector.broadcast %eq3A_995 : i32 to vector<1x1024xi32>
    %eq3A_997 = arith.cmpi eq, %slice3A_866, %eq3A_996 : vector<1x1024xi32>
    %jit3A_998 = arith.constant 0.000000e+00 : f32
    %broadcast_in_dim3A_999 = vector.shape_cast %eq3A_997 : vector<1x1024xi1> to vector<1x1024xi1>
    %broadcast_in_dim3A_1000 = vector.broadcast %broadcast_in_dim3A_999 : vector<1x1024xi1> to vector<16x1024xi1>
    %broadcast_in_dim3A_1001 = vector.broadcast %jit3A_998 : f32 to vector<16x1024xf32>
    %select_n3A_1002 = arith.select %broadcast_in_dim3A_1000, %get3A_123, %broadcast_in_dim3A_1001 : vector<16x1024xi1>, vector<16x1024xf32>
    %add3A_1003 = arith.addf %add3A_994, %select_n3A_1002 : vector<16x1024xf32>
    %eq3A_1004 = arith.constant 15 : i32
    %eq3A_1005 = vector.broadcast %eq3A_1004 : i32 to vector<1x1024xi32>
    %eq3A_1006 = arith.cmpi eq, %slice3A_866, %eq3A_1005 : vector<1x1024xi32>
    %jit3A_1007 = arith.constant 0.000000e+00 : f32
    %broadcast_in_dim3A_1008 = vector.shape_cast %eq3A_1006 : vector<1x1024xi1> to vector<1x1024xi1>
    %broadcast_in_dim3A_1009 = vector.broadcast %broadcast_in_dim3A_1008 : vector<1x1024xi1> to vector<16x1024xi1>
    %broadcast_in_dim3A_1010 = vector.broadcast %jit3A_1007 : f32 to vector<16x1024xf32>
    %select_n3A_1011 = arith.select %broadcast_in_dim3A_1009, %get3A_129, %broadcast_in_dim3A_1010 : vector<16x1024xi1>, vector<16x1024xf32>
    %add3A_1012 = arith.addf %add3A_1003, %select_n3A_1011 : vector<16x1024xf32>
    %jit3A_1013 = arith.constant 0.000000e+00 : f32
    %broadcast_in_dim3A_1014 = vector.broadcast %jit3A_1013 : f32 to vector<16x1024xf32>
    %select_n3A_1015 = arith.select %eq3A_865, %add3A_1012, %broadcast_in_dim3A_1014 : vector<16x1024xi1>, vector<16x1024xf32>
    %reduce_sum3A_1016 = vector.shape_cast %select_n3A_1015 : vector<16x1024xf32> to vector<1x16x1024xf32>
    %reduce_sum3A_1017 = arith.constant dense<0.000000e+00> : vector<1xf32>
    %reduce_sum3A_1018 = vector.multi_reduction <add>, %reduce_sum3A_1016, %reduce_sum3A_1017 [1, 2] : vector<1x16x1024xf32> to vector<1xf32>
    %reduce_sum3A_1019 = vector.shape_cast %reduce_sum3A_1018 : vector<1xf32> to vector<1x1x1xf32>
    %reduce_sum3A_1020 = vector.extract %reduce_sum3A_1019[0, 0, 0] : f32 from vector<1x1x1xf32>
    %add3A_1021 = arith.addf %add3A_812, %reduce_sum3A_1020 : f32
    %jit3A_1022 = arith.constant 0 : i32
    %broadcast_in_dim3A_1023 = vector.broadcast %jit3A_1022 : i32 to vector<16x1024xi32>
    %select_n3A_1024 = arith.select %eq3A_865, %select_n3A_201, %broadcast_in_dim3A_1023 : vector<16x1024xi1>, vector<16x1024xi32>
    %reduce_sum3A_1025 = arith.constant dense<0> : vector<1024xi32>
    %reduce_sum3A_1026 = vector.multi_reduction <add>, %select_n3A_1024, %reduce_sum3A_1025 [0] : vector<16x1024xi32> to vector<1024xi32>
    %broadcast_in_dim3A_1027 = vector.shape_cast %reduce_sum3A_1026 : vector<1024xi32> to vector<1x1024xi32>
    %eq3A_1028 = arith.cmpi eq, %broadcast_in_dim3A_1027, %slice3A_866 : vector<1x1024xi32>
    %convert_element_type3A_1029 = arith.extui %eq3A_1028 : vector<1x1024xi1> to vector<1x1024xi32>
    %convert_element_type3A_1030 = arith.sitofp %convert_element_type3A_1029 : vector<1x1024xi32> to vector<1x1024xf32>
    %reduce_sum3A_1031 = vector.shape_cast %convert_element_type3A_1030 : vector<1x1024xf32> to vector<1x1x1024xf32>
    %reduce_sum3A_1032 = arith.constant dense<0.000000e+00> : vector<1xf32>
    %reduce_sum3A_1033 = vector.multi_reduction <add>, %reduce_sum3A_1031, %reduce_sum3A_1032 [1, 2] : vector<1x1x1024xf32> to vector<1xf32>
    %reduce_sum3A_1034 = vector.shape_cast %reduce_sum3A_1033 : vector<1xf32> to vector<1x1x1xf32>
    %reduce_sum3A_1035 = vector.extract %reduce_sum3A_1034[0, 0, 0] : f32 from vector<1x1x1xf32>
    %add3A_1036 = arith.addf %add3A_827, %reduce_sum3A_1035 : f32
    %slice3A_1037 = vector.extract_strided_slice %get3A_18 {offsets = [4, 0], sizes = [1, 1024], strides = [1, 1]} : vector<10x1024xf32> to vector<1x1024xf32>
    %sub3A_1038 = vector.broadcast %slice3A_1037 : vector<1x1024xf32> to vector<16x1024xf32>
    %sub3A_1039 = arith.subf %get3A_3, %sub3A_1038 : vector<16x1024xf32>
    %integer_pow3A_1040 = arith.mulf %sub3A_1039, %sub3A_1039 : vector<16x1024xf32>
    %slice3A_1041 = vector.extract_strided_slice %get3A_23 {offsets = [4, 0], sizes = [1, 1024], strides = [1, 1]} : vector<10x1024xf32> to vector<1x1024xf32>
    %sub3A_1042 = vector.broadcast %slice3A_1041 : vector<1x1024xf32> to vector<16x1024xf32>
    %sub3A_1043 = arith.subf %get3A_8, %sub3A_1042 : vector<16x1024xf32>
    %integer_pow3A_1044 = arith.mulf %sub3A_1043, %sub3A_1043 : vector<16x1024xf32>
    %add3A_1045 = arith.addf %integer_pow3A_1040, %integer_pow3A_1044 : vector<16x1024xf32>
    %slice3A_1046 = vector.extract_strided_slice %get3A_28 {offsets = [4, 0], sizes = [1, 1024], strides = [1, 1]} : vector<10x1024xf32> to vector<1x1024xf32>
    %sub3A_1047 = vector.broadcast %slice3A_1046 : vector<1x1024xf32> to vector<16x1024xf32>
    %sub3A_1048 = arith.subf %get3A_13, %sub3A_1047 : vector<16x1024xf32>
    %integer_pow3A_1049 = arith.mulf %sub3A_1048, %sub3A_1048 : vector<16x1024xf32>
    %add3A_1050 = arith.addf %add3A_1045, %integer_pow3A_1049 : vector<16x1024xf32>
    %lt3A_1051 = arith.cmpf olt, %add3A_1050, %select_n3A_846 : vector<16x1024xf32>
    %jit3A_1052 = arith.constant 4 : i32
    %broadcast_in_dim3A_1053 = vector.broadcast %jit3A_1052 : i32 to vector<16x1024xi32>
    %select_n3A_1054 = arith.select %lt3A_1051, %broadcast_in_dim3A_1053, %select_n3A_845 : vector<16x1024xi1>, vector<16x1024xi32>
    %select_n3A_1055 = arith.select %lt3A_1051, %add3A_1050, %select_n3A_846 : vector<16x1024xi1>, vector<16x1024xf32>
    %reduce_min3A_1056 = arith.constant dense<0x7F800000> : vector<1024xf32>
    %reduce_min3A_1057 = vector.multi_reduction <minimumf>, %add3A_1050, %reduce_min3A_1056 [0] : vector<16x1024xf32> to vector<1024xf32>
    %broadcast_in_dim3A_1058 = vector.shape_cast %reduce_min3A_1057 : vector<1024xf32> to vector<1x1024xf32>
    %reduce_sum3A_1059 = vector.shape_cast %broadcast_in_dim3A_1058 : vector<1x1024xf32> to vector<1x1x1024xf32>
    %reduce_sum3A_1060 = arith.constant dense<0.000000e+00> : vector<1xf32>
    %reduce_sum3A_1061 = vector.multi_reduction <add>, %reduce_sum3A_1059, %reduce_sum3A_1060 [1, 2] : vector<1x1x1024xf32> to vector<1xf32>
    %reduce_sum3A_1062 = vector.shape_cast %reduce_sum3A_1061 : vector<1xf32> to vector<1x1x1xf32>
    %reduce_sum3A_1063 = vector.extract %reduce_sum3A_1062[0, 0, 0] : f32 from vector<1x1x1xf32>
    %add3A_1064 = arith.addf %add3A_855, %reduce_sum3A_1063 : f32
    %eq3A_1065 = vector.broadcast %broadcast_in_dim3A_1058 : vector<1x1024xf32> to vector<16x1024xf32>
    %eq3A_1066 = arith.cmpf oeq, %add3A_1050, %eq3A_1065 : vector<16x1024xf32>
    %jit3A_1067 = arith.constant 16 : i32
    %broadcast_in_dim3A_1068 = vector.broadcast %jit3A_1067 : i32 to vector<16x1024xi32>
    %select_n3A_1069 = arith.select %eq3A_1066, %iota3A, %broadcast_in_dim3A_1068 : vector<16x1024xi1>, vector<16x1024xi32>
    %reduce_min3A_1070 = arith.constant dense<2147483647> : vector<1024xi32>
    %reduce_min3A_1071 = vector.multi_reduction <minsi>, %select_n3A_1069, %reduce_min3A_1070 [0] : vector<16x1024xi32> to vector<1024xi32>
    %broadcast_in_dim3A_1072 = vector.shape_cast %reduce_min3A_1071 : vector<1024xi32> to vector<1x1024xi32>
    %eq3A_1073 = vector.broadcast %broadcast_in_dim3A_1072 : vector<1x1024xi32> to vector<16x1024xi32>
    %eq3A_1074 = arith.cmpi eq, %iota3A, %eq3A_1073 : vector<16x1024xi32>
    %slice3A_1075 = vector.extract_strided_slice %convert_element_type3A {offsets = [4, 0], sizes = [1, 1024], strides = [1, 1]} : vector<10x1024xi32> to vector<1x1024xi32>
    %broadcast_in_dim3A_1076 = arith.constant 0.000000e+00 : f32
    %broadcast_in_dim3A_1077 = vector.broadcast %broadcast_in_dim3A_1076 : f32 to vector<16x1024xf32>
    %eq3A_1078 = arith.constant 0 : i32
    %eq3A_1079 = vector.broadcast %eq3A_1078 : i32 to vector<1x1024xi32>
    %eq3A_1080 = arith.cmpi eq, %slice3A_1075, %eq3A_1079 : vector<1x1024xi32>
    %jit3A_1081 = arith.constant 0.000000e+00 : f32
    %broadcast_in_dim3A_1082 = vector.shape_cast %eq3A_1080 : vector<1x1024xi1> to vector<1x1024xi1>
    %broadcast_in_dim3A_1083 = vector.broadcast %broadcast_in_dim3A_1082 : vector<1x1024xi1> to vector<16x1024xi1>
    %broadcast_in_dim3A_1084 = vector.broadcast %jit3A_1081 : f32 to vector<16x1024xf32>
    %select_n3A_1085 = arith.select %broadcast_in_dim3A_1083, %get3A_39, %broadcast_in_dim3A_1084 : vector<16x1024xi1>, vector<16x1024xf32>
    %add3A_1086 = arith.addf %broadcast_in_dim3A_1077, %select_n3A_1085 : vector<16x1024xf32>
    %eq3A_1087 = arith.constant 1 : i32
    %eq3A_1088 = vector.broadcast %eq3A_1087 : i32 to vector<1x1024xi32>
    %eq3A_1089 = arith.cmpi eq, %slice3A_1075, %eq3A_1088 : vector<1x1024xi32>
    %jit3A_1090 = arith.constant 0.000000e+00 : f32
    %broadcast_in_dim3A_1091 = vector.shape_cast %eq3A_1089 : vector<1x1024xi1> to vector<1x1024xi1>
    %broadcast_in_dim3A_1092 = vector.broadcast %broadcast_in_dim3A_1091 : vector<1x1024xi1> to vector<16x1024xi1>
    %broadcast_in_dim3A_1093 = vector.broadcast %jit3A_1090 : f32 to vector<16x1024xf32>
    %select_n3A_1094 = arith.select %broadcast_in_dim3A_1092, %get3A_45, %broadcast_in_dim3A_1093 : vector<16x1024xi1>, vector<16x1024xf32>
    %add3A_1095 = arith.addf %add3A_1086, %select_n3A_1094 : vector<16x1024xf32>
    %eq3A_1096 = arith.constant 2 : i32
    %eq3A_1097 = vector.broadcast %eq3A_1096 : i32 to vector<1x1024xi32>
    %eq3A_1098 = arith.cmpi eq, %slice3A_1075, %eq3A_1097 : vector<1x1024xi32>
    %jit3A_1099 = arith.constant 0.000000e+00 : f32
    %broadcast_in_dim3A_1100 = vector.shape_cast %eq3A_1098 : vector<1x1024xi1> to vector<1x1024xi1>
    %broadcast_in_dim3A_1101 = vector.broadcast %broadcast_in_dim3A_1100 : vector<1x1024xi1> to vector<16x1024xi1>
    %broadcast_in_dim3A_1102 = vector.broadcast %jit3A_1099 : f32 to vector<16x1024xf32>
    %select_n3A_1103 = arith.select %broadcast_in_dim3A_1101, %get3A_51, %broadcast_in_dim3A_1102 : vector<16x1024xi1>, vector<16x1024xf32>
    %add3A_1104 = arith.addf %add3A_1095, %select_n3A_1103 : vector<16x1024xf32>
    %eq3A_1105 = arith.constant 3 : i32
    %eq3A_1106 = vector.broadcast %eq3A_1105 : i32 to vector<1x1024xi32>
    %eq3A_1107 = arith.cmpi eq, %slice3A_1075, %eq3A_1106 : vector<1x1024xi32>
    %jit3A_1108 = arith.constant 0.000000e+00 : f32
    %broadcast_in_dim3A_1109 = vector.shape_cast %eq3A_1107 : vector<1x1024xi1> to vector<1x1024xi1>
    %broadcast_in_dim3A_1110 = vector.broadcast %broadcast_in_dim3A_1109 : vector<1x1024xi1> to vector<16x1024xi1>
    %broadcast_in_dim3A_1111 = vector.broadcast %jit3A_1108 : f32 to vector<16x1024xf32>
    %select_n3A_1112 = arith.select %broadcast_in_dim3A_1110, %get3A_57, %broadcast_in_dim3A_1111 : vector<16x1024xi1>, vector<16x1024xf32>
    %add3A_1113 = arith.addf %add3A_1104, %select_n3A_1112 : vector<16x1024xf32>
    %eq3A_1114 = arith.constant 4 : i32
    %eq3A_1115 = vector.broadcast %eq3A_1114 : i32 to vector<1x1024xi32>
    %eq3A_1116 = arith.cmpi eq, %slice3A_1075, %eq3A_1115 : vector<1x1024xi32>
    %jit3A_1117 = arith.constant 0.000000e+00 : f32
    %broadcast_in_dim3A_1118 = vector.shape_cast %eq3A_1116 : vector<1x1024xi1> to vector<1x1024xi1>
    %broadcast_in_dim3A_1119 = vector.broadcast %broadcast_in_dim3A_1118 : vector<1x1024xi1> to vector<16x1024xi1>
    %broadcast_in_dim3A_1120 = vector.broadcast %jit3A_1117 : f32 to vector<16x1024xf32>
    %select_n3A_1121 = arith.select %broadcast_in_dim3A_1119, %get3A_63, %broadcast_in_dim3A_1120 : vector<16x1024xi1>, vector<16x1024xf32>
    %add3A_1122 = arith.addf %add3A_1113, %select_n3A_1121 : vector<16x1024xf32>
    %eq3A_1123 = arith.constant 5 : i32
    %eq3A_1124 = vector.broadcast %eq3A_1123 : i32 to vector<1x1024xi32>
    %eq3A_1125 = arith.cmpi eq, %slice3A_1075, %eq3A_1124 : vector<1x1024xi32>
    %jit3A_1126 = arith.constant 0.000000e+00 : f32
    %broadcast_in_dim3A_1127 = vector.shape_cast %eq3A_1125 : vector<1x1024xi1> to vector<1x1024xi1>
    %broadcast_in_dim3A_1128 = vector.broadcast %broadcast_in_dim3A_1127 : vector<1x1024xi1> to vector<16x1024xi1>
    %broadcast_in_dim3A_1129 = vector.broadcast %jit3A_1126 : f32 to vector<16x1024xf32>
    %select_n3A_1130 = arith.select %broadcast_in_dim3A_1128, %get3A_69, %broadcast_in_dim3A_1129 : vector<16x1024xi1>, vector<16x1024xf32>
    %add3A_1131 = arith.addf %add3A_1122, %select_n3A_1130 : vector<16x1024xf32>
    %eq3A_1132 = arith.constant 6 : i32
    %eq3A_1133 = vector.broadcast %eq3A_1132 : i32 to vector<1x1024xi32>
    %eq3A_1134 = arith.cmpi eq, %slice3A_1075, %eq3A_1133 : vector<1x1024xi32>
    %jit3A_1135 = arith.constant 0.000000e+00 : f32
    %broadcast_in_dim3A_1136 = vector.shape_cast %eq3A_1134 : vector<1x1024xi1> to vector<1x1024xi1>
    %broadcast_in_dim3A_1137 = vector.broadcast %broadcast_in_dim3A_1136 : vector<1x1024xi1> to vector<16x1024xi1>
    %broadcast_in_dim3A_1138 = vector.broadcast %jit3A_1135 : f32 to vector<16x1024xf32>
    %select_n3A_1139 = arith.select %broadcast_in_dim3A_1137, %get3A_75, %broadcast_in_dim3A_1138 : vector<16x1024xi1>, vector<16x1024xf32>
    %add3A_1140 = arith.addf %add3A_1131, %select_n3A_1139 : vector<16x1024xf32>
    %eq3A_1141 = arith.constant 7 : i32
    %eq3A_1142 = vector.broadcast %eq3A_1141 : i32 to vector<1x1024xi32>
    %eq3A_1143 = arith.cmpi eq, %slice3A_1075, %eq3A_1142 : vector<1x1024xi32>
    %jit3A_1144 = arith.constant 0.000000e+00 : f32
    %broadcast_in_dim3A_1145 = vector.shape_cast %eq3A_1143 : vector<1x1024xi1> to vector<1x1024xi1>
    %broadcast_in_dim3A_1146 = vector.broadcast %broadcast_in_dim3A_1145 : vector<1x1024xi1> to vector<16x1024xi1>
    %broadcast_in_dim3A_1147 = vector.broadcast %jit3A_1144 : f32 to vector<16x1024xf32>
    %select_n3A_1148 = arith.select %broadcast_in_dim3A_1146, %get3A_81, %broadcast_in_dim3A_1147 : vector<16x1024xi1>, vector<16x1024xf32>
    %add3A_1149 = arith.addf %add3A_1140, %select_n3A_1148 : vector<16x1024xf32>
    %eq3A_1150 = arith.constant 8 : i32
    %eq3A_1151 = vector.broadcast %eq3A_1150 : i32 to vector<1x1024xi32>
    %eq3A_1152 = arith.cmpi eq, %slice3A_1075, %eq3A_1151 : vector<1x1024xi32>
    %jit3A_1153 = arith.constant 0.000000e+00 : f32
    %broadcast_in_dim3A_1154 = vector.shape_cast %eq3A_1152 : vector<1x1024xi1> to vector<1x1024xi1>
    %broadcast_in_dim3A_1155 = vector.broadcast %broadcast_in_dim3A_1154 : vector<1x1024xi1> to vector<16x1024xi1>
    %broadcast_in_dim3A_1156 = vector.broadcast %jit3A_1153 : f32 to vector<16x1024xf32>
    %select_n3A_1157 = arith.select %broadcast_in_dim3A_1155, %get3A_87, %broadcast_in_dim3A_1156 : vector<16x1024xi1>, vector<16x1024xf32>
    %add3A_1158 = arith.addf %add3A_1149, %select_n3A_1157 : vector<16x1024xf32>
    %eq3A_1159 = arith.constant 9 : i32
    %eq3A_1160 = vector.broadcast %eq3A_1159 : i32 to vector<1x1024xi32>
    %eq3A_1161 = arith.cmpi eq, %slice3A_1075, %eq3A_1160 : vector<1x1024xi32>
    %jit3A_1162 = arith.constant 0.000000e+00 : f32
    %broadcast_in_dim3A_1163 = vector.shape_cast %eq3A_1161 : vector<1x1024xi1> to vector<1x1024xi1>
    %broadcast_in_dim3A_1164 = vector.broadcast %broadcast_in_dim3A_1163 : vector<1x1024xi1> to vector<16x1024xi1>
    %broadcast_in_dim3A_1165 = vector.broadcast %jit3A_1162 : f32 to vector<16x1024xf32>
    %select_n3A_1166 = arith.select %broadcast_in_dim3A_1164, %get3A_93, %broadcast_in_dim3A_1165 : vector<16x1024xi1>, vector<16x1024xf32>
    %add3A_1167 = arith.addf %add3A_1158, %select_n3A_1166 : vector<16x1024xf32>
    %eq3A_1168 = arith.constant 10 : i32
    %eq3A_1169 = vector.broadcast %eq3A_1168 : i32 to vector<1x1024xi32>
    %eq3A_1170 = arith.cmpi eq, %slice3A_1075, %eq3A_1169 : vector<1x1024xi32>
    %jit3A_1171 = arith.constant 0.000000e+00 : f32
    %broadcast_in_dim3A_1172 = vector.shape_cast %eq3A_1170 : vector<1x1024xi1> to vector<1x1024xi1>
    %broadcast_in_dim3A_1173 = vector.broadcast %broadcast_in_dim3A_1172 : vector<1x1024xi1> to vector<16x1024xi1>
    %broadcast_in_dim3A_1174 = vector.broadcast %jit3A_1171 : f32 to vector<16x1024xf32>
    %select_n3A_1175 = arith.select %broadcast_in_dim3A_1173, %get3A_99, %broadcast_in_dim3A_1174 : vector<16x1024xi1>, vector<16x1024xf32>
    %add3A_1176 = arith.addf %add3A_1167, %select_n3A_1175 : vector<16x1024xf32>
    %eq3A_1177 = arith.constant 11 : i32
    %eq3A_1178 = vector.broadcast %eq3A_1177 : i32 to vector<1x1024xi32>
    %eq3A_1179 = arith.cmpi eq, %slice3A_1075, %eq3A_1178 : vector<1x1024xi32>
    %jit3A_1180 = arith.constant 0.000000e+00 : f32
    %broadcast_in_dim3A_1181 = vector.shape_cast %eq3A_1179 : vector<1x1024xi1> to vector<1x1024xi1>
    %broadcast_in_dim3A_1182 = vector.broadcast %broadcast_in_dim3A_1181 : vector<1x1024xi1> to vector<16x1024xi1>
    %broadcast_in_dim3A_1183 = vector.broadcast %jit3A_1180 : f32 to vector<16x1024xf32>
    %select_n3A_1184 = arith.select %broadcast_in_dim3A_1182, %get3A_105, %broadcast_in_dim3A_1183 : vector<16x1024xi1>, vector<16x1024xf32>
    %add3A_1185 = arith.addf %add3A_1176, %select_n3A_1184 : vector<16x1024xf32>
    %eq3A_1186 = arith.constant 12 : i32
    %eq3A_1187 = vector.broadcast %eq3A_1186 : i32 to vector<1x1024xi32>
    %eq3A_1188 = arith.cmpi eq, %slice3A_1075, %eq3A_1187 : vector<1x1024xi32>
    %jit3A_1189 = arith.constant 0.000000e+00 : f32
    %broadcast_in_dim3A_1190 = vector.shape_cast %eq3A_1188 : vector<1x1024xi1> to vector<1x1024xi1>
    %broadcast_in_dim3A_1191 = vector.broadcast %broadcast_in_dim3A_1190 : vector<1x1024xi1> to vector<16x1024xi1>
    %broadcast_in_dim3A_1192 = vector.broadcast %jit3A_1189 : f32 to vector<16x1024xf32>
    %select_n3A_1193 = arith.select %broadcast_in_dim3A_1191, %get3A_111, %broadcast_in_dim3A_1192 : vector<16x1024xi1>, vector<16x1024xf32>
    %add3A_1194 = arith.addf %add3A_1185, %select_n3A_1193 : vector<16x1024xf32>
    %eq3A_1195 = arith.constant 13 : i32
    %eq3A_1196 = vector.broadcast %eq3A_1195 : i32 to vector<1x1024xi32>
    %eq3A_1197 = arith.cmpi eq, %slice3A_1075, %eq3A_1196 : vector<1x1024xi32>
    %jit3A_1198 = arith.constant 0.000000e+00 : f32
    %broadcast_in_dim3A_1199 = vector.shape_cast %eq3A_1197 : vector<1x1024xi1> to vector<1x1024xi1>
    %broadcast_in_dim3A_1200 = vector.broadcast %broadcast_in_dim3A_1199 : vector<1x1024xi1> to vector<16x1024xi1>
    %broadcast_in_dim3A_1201 = vector.broadcast %jit3A_1198 : f32 to vector<16x1024xf32>
    %select_n3A_1202 = arith.select %broadcast_in_dim3A_1200, %get3A_117, %broadcast_in_dim3A_1201 : vector<16x1024xi1>, vector<16x1024xf32>
    %add3A_1203 = arith.addf %add3A_1194, %select_n3A_1202 : vector<16x1024xf32>
    %eq3A_1204 = arith.constant 14 : i32
    %eq3A_1205 = vector.broadcast %eq3A_1204 : i32 to vector<1x1024xi32>
    %eq3A_1206 = arith.cmpi eq, %slice3A_1075, %eq3A_1205 : vector<1x1024xi32>
    %jit3A_1207 = arith.constant 0.000000e+00 : f32
    %broadcast_in_dim3A_1208 = vector.shape_cast %eq3A_1206 : vector<1x1024xi1> to vector<1x1024xi1>
    %broadcast_in_dim3A_1209 = vector.broadcast %broadcast_in_dim3A_1208 : vector<1x1024xi1> to vector<16x1024xi1>
    %broadcast_in_dim3A_1210 = vector.broadcast %jit3A_1207 : f32 to vector<16x1024xf32>
    %select_n3A_1211 = arith.select %broadcast_in_dim3A_1209, %get3A_123, %broadcast_in_dim3A_1210 : vector<16x1024xi1>, vector<16x1024xf32>
    %add3A_1212 = arith.addf %add3A_1203, %select_n3A_1211 : vector<16x1024xf32>
    %eq3A_1213 = arith.constant 15 : i32
    %eq3A_1214 = vector.broadcast %eq3A_1213 : i32 to vector<1x1024xi32>
    %eq3A_1215 = arith.cmpi eq, %slice3A_1075, %eq3A_1214 : vector<1x1024xi32>
    %jit3A_1216 = arith.constant 0.000000e+00 : f32
    %broadcast_in_dim3A_1217 = vector.shape_cast %eq3A_1215 : vector<1x1024xi1> to vector<1x1024xi1>
    %broadcast_in_dim3A_1218 = vector.broadcast %broadcast_in_dim3A_1217 : vector<1x1024xi1> to vector<16x1024xi1>
    %broadcast_in_dim3A_1219 = vector.broadcast %jit3A_1216 : f32 to vector<16x1024xf32>
    %select_n3A_1220 = arith.select %broadcast_in_dim3A_1218, %get3A_129, %broadcast_in_dim3A_1219 : vector<16x1024xi1>, vector<16x1024xf32>
    %add3A_1221 = arith.addf %add3A_1212, %select_n3A_1220 : vector<16x1024xf32>
    %jit3A_1222 = arith.constant 0.000000e+00 : f32
    %broadcast_in_dim3A_1223 = vector.broadcast %jit3A_1222 : f32 to vector<16x1024xf32>
    %select_n3A_1224 = arith.select %eq3A_1074, %add3A_1221, %broadcast_in_dim3A_1223 : vector<16x1024xi1>, vector<16x1024xf32>
    %reduce_sum3A_1225 = vector.shape_cast %select_n3A_1224 : vector<16x1024xf32> to vector<1x16x1024xf32>
    %reduce_sum3A_1226 = arith.constant dense<0.000000e+00> : vector<1xf32>
    %reduce_sum3A_1227 = vector.multi_reduction <add>, %reduce_sum3A_1225, %reduce_sum3A_1226 [1, 2] : vector<1x16x1024xf32> to vector<1xf32>
    %reduce_sum3A_1228 = vector.shape_cast %reduce_sum3A_1227 : vector<1xf32> to vector<1x1x1xf32>
    %reduce_sum3A_1229 = vector.extract %reduce_sum3A_1228[0, 0, 0] : f32 from vector<1x1x1xf32>
    %add3A_1230 = arith.addf %add3A_1021, %reduce_sum3A_1229 : f32
    %jit3A_1231 = arith.constant 0 : i32
    %broadcast_in_dim3A_1232 = vector.broadcast %jit3A_1231 : i32 to vector<16x1024xi32>
    %select_n3A_1233 = arith.select %eq3A_1074, %select_n3A_201, %broadcast_in_dim3A_1232 : vector<16x1024xi1>, vector<16x1024xi32>
    %reduce_sum3A_1234 = arith.constant dense<0> : vector<1024xi32>
    %reduce_sum3A_1235 = vector.multi_reduction <add>, %select_n3A_1233, %reduce_sum3A_1234 [0] : vector<16x1024xi32> to vector<1024xi32>
    %broadcast_in_dim3A_1236 = vector.shape_cast %reduce_sum3A_1235 : vector<1024xi32> to vector<1x1024xi32>
    %eq3A_1237 = arith.cmpi eq, %broadcast_in_dim3A_1236, %slice3A_1075 : vector<1x1024xi32>
    %convert_element_type3A_1238 = arith.extui %eq3A_1237 : vector<1x1024xi1> to vector<1x1024xi32>
    %convert_element_type3A_1239 = arith.sitofp %convert_element_type3A_1238 : vector<1x1024xi32> to vector<1x1024xf32>
    %reduce_sum3A_1240 = vector.shape_cast %convert_element_type3A_1239 : vector<1x1024xf32> to vector<1x1x1024xf32>
    %reduce_sum3A_1241 = arith.constant dense<0.000000e+00> : vector<1xf32>
    %reduce_sum3A_1242 = vector.multi_reduction <add>, %reduce_sum3A_1240, %reduce_sum3A_1241 [1, 2] : vector<1x1x1024xf32> to vector<1xf32>
    %reduce_sum3A_1243 = vector.shape_cast %reduce_sum3A_1242 : vector<1xf32> to vector<1x1x1xf32>
    %reduce_sum3A_1244 = vector.extract %reduce_sum3A_1243[0, 0, 0] : f32 from vector<1x1x1xf32>
    %add3A_1245 = arith.addf %add3A_1036, %reduce_sum3A_1244 : f32
    %slice3A_1246 = vector.extract_strided_slice %get3A_18 {offsets = [5, 0], sizes = [1, 1024], strides = [1, 1]} : vector<10x1024xf32> to vector<1x1024xf32>
    %sub3A_1247 = vector.broadcast %slice3A_1246 : vector<1x1024xf32> to vector<16x1024xf32>
    %sub3A_1248 = arith.subf %get3A_3, %sub3A_1247 : vector<16x1024xf32>
    %integer_pow3A_1249 = arith.mulf %sub3A_1248, %sub3A_1248 : vector<16x1024xf32>
    %slice3A_1250 = vector.extract_strided_slice %get3A_23 {offsets = [5, 0], sizes = [1, 1024], strides = [1, 1]} : vector<10x1024xf32> to vector<1x1024xf32>
    %sub3A_1251 = vector.broadcast %slice3A_1250 : vector<1x1024xf32> to vector<16x1024xf32>
    %sub3A_1252 = arith.subf %get3A_8, %sub3A_1251 : vector<16x1024xf32>
    %integer_pow3A_1253 = arith.mulf %sub3A_1252, %sub3A_1252 : vector<16x1024xf32>
    %add3A_1254 = arith.addf %integer_pow3A_1249, %integer_pow3A_1253 : vector<16x1024xf32>
    %slice3A_1255 = vector.extract_strided_slice %get3A_28 {offsets = [5, 0], sizes = [1, 1024], strides = [1, 1]} : vector<10x1024xf32> to vector<1x1024xf32>
    %sub3A_1256 = vector.broadcast %slice3A_1255 : vector<1x1024xf32> to vector<16x1024xf32>
    %sub3A_1257 = arith.subf %get3A_13, %sub3A_1256 : vector<16x1024xf32>
    %integer_pow3A_1258 = arith.mulf %sub3A_1257, %sub3A_1257 : vector<16x1024xf32>
    %add3A_1259 = arith.addf %add3A_1254, %integer_pow3A_1258 : vector<16x1024xf32>
    %lt3A_1260 = arith.cmpf olt, %add3A_1259, %select_n3A_1055 : vector<16x1024xf32>
    %jit3A_1261 = arith.constant 5 : i32
    %broadcast_in_dim3A_1262 = vector.broadcast %jit3A_1261 : i32 to vector<16x1024xi32>
    %select_n3A_1263 = arith.select %lt3A_1260, %broadcast_in_dim3A_1262, %select_n3A_1054 : vector<16x1024xi1>, vector<16x1024xi32>
    %select_n3A_1264 = arith.select %lt3A_1260, %add3A_1259, %select_n3A_1055 : vector<16x1024xi1>, vector<16x1024xf32>
    %reduce_min3A_1265 = arith.constant dense<0x7F800000> : vector<1024xf32>
    %reduce_min3A_1266 = vector.multi_reduction <minimumf>, %add3A_1259, %reduce_min3A_1265 [0] : vector<16x1024xf32> to vector<1024xf32>
    %broadcast_in_dim3A_1267 = vector.shape_cast %reduce_min3A_1266 : vector<1024xf32> to vector<1x1024xf32>
    %reduce_sum3A_1268 = vector.shape_cast %broadcast_in_dim3A_1267 : vector<1x1024xf32> to vector<1x1x1024xf32>
    %reduce_sum3A_1269 = arith.constant dense<0.000000e+00> : vector<1xf32>
    %reduce_sum3A_1270 = vector.multi_reduction <add>, %reduce_sum3A_1268, %reduce_sum3A_1269 [1, 2] : vector<1x1x1024xf32> to vector<1xf32>
    %reduce_sum3A_1271 = vector.shape_cast %reduce_sum3A_1270 : vector<1xf32> to vector<1x1x1xf32>
    %reduce_sum3A_1272 = vector.extract %reduce_sum3A_1271[0, 0, 0] : f32 from vector<1x1x1xf32>
    %add3A_1273 = arith.addf %add3A_1064, %reduce_sum3A_1272 : f32
    %eq3A_1274 = vector.broadcast %broadcast_in_dim3A_1267 : vector<1x1024xf32> to vector<16x1024xf32>
    %eq3A_1275 = arith.cmpf oeq, %add3A_1259, %eq3A_1274 : vector<16x1024xf32>
    %jit3A_1276 = arith.constant 16 : i32
    %broadcast_in_dim3A_1277 = vector.broadcast %jit3A_1276 : i32 to vector<16x1024xi32>
    %select_n3A_1278 = arith.select %eq3A_1275, %iota3A, %broadcast_in_dim3A_1277 : vector<16x1024xi1>, vector<16x1024xi32>
    %reduce_min3A_1279 = arith.constant dense<2147483647> : vector<1024xi32>
    %reduce_min3A_1280 = vector.multi_reduction <minsi>, %select_n3A_1278, %reduce_min3A_1279 [0] : vector<16x1024xi32> to vector<1024xi32>
    %broadcast_in_dim3A_1281 = vector.shape_cast %reduce_min3A_1280 : vector<1024xi32> to vector<1x1024xi32>
    %eq3A_1282 = vector.broadcast %broadcast_in_dim3A_1281 : vector<1x1024xi32> to vector<16x1024xi32>
    %eq3A_1283 = arith.cmpi eq, %iota3A, %eq3A_1282 : vector<16x1024xi32>
    %slice3A_1284 = vector.extract_strided_slice %convert_element_type3A {offsets = [5, 0], sizes = [1, 1024], strides = [1, 1]} : vector<10x1024xi32> to vector<1x1024xi32>
    %broadcast_in_dim3A_1285 = arith.constant 0.000000e+00 : f32
    %broadcast_in_dim3A_1286 = vector.broadcast %broadcast_in_dim3A_1285 : f32 to vector<16x1024xf32>
    %eq3A_1287 = arith.constant 0 : i32
    %eq3A_1288 = vector.broadcast %eq3A_1287 : i32 to vector<1x1024xi32>
    %eq3A_1289 = arith.cmpi eq, %slice3A_1284, %eq3A_1288 : vector<1x1024xi32>
    %jit3A_1290 = arith.constant 0.000000e+00 : f32
    %broadcast_in_dim3A_1291 = vector.shape_cast %eq3A_1289 : vector<1x1024xi1> to vector<1x1024xi1>
    %broadcast_in_dim3A_1292 = vector.broadcast %broadcast_in_dim3A_1291 : vector<1x1024xi1> to vector<16x1024xi1>
    %broadcast_in_dim3A_1293 = vector.broadcast %jit3A_1290 : f32 to vector<16x1024xf32>
    %select_n3A_1294 = arith.select %broadcast_in_dim3A_1292, %get3A_39, %broadcast_in_dim3A_1293 : vector<16x1024xi1>, vector<16x1024xf32>
    %add3A_1295 = arith.addf %broadcast_in_dim3A_1286, %select_n3A_1294 : vector<16x1024xf32>
    %eq3A_1296 = arith.constant 1 : i32
    %eq3A_1297 = vector.broadcast %eq3A_1296 : i32 to vector<1x1024xi32>
    %eq3A_1298 = arith.cmpi eq, %slice3A_1284, %eq3A_1297 : vector<1x1024xi32>
    %jit3A_1299 = arith.constant 0.000000e+00 : f32
    %broadcast_in_dim3A_1300 = vector.shape_cast %eq3A_1298 : vector<1x1024xi1> to vector<1x1024xi1>
    %broadcast_in_dim3A_1301 = vector.broadcast %broadcast_in_dim3A_1300 : vector<1x1024xi1> to vector<16x1024xi1>
    %broadcast_in_dim3A_1302 = vector.broadcast %jit3A_1299 : f32 to vector<16x1024xf32>
    %select_n3A_1303 = arith.select %broadcast_in_dim3A_1301, %get3A_45, %broadcast_in_dim3A_1302 : vector<16x1024xi1>, vector<16x1024xf32>
    %add3A_1304 = arith.addf %add3A_1295, %select_n3A_1303 : vector<16x1024xf32>
    %eq3A_1305 = arith.constant 2 : i32
    %eq3A_1306 = vector.broadcast %eq3A_1305 : i32 to vector<1x1024xi32>
    %eq3A_1307 = arith.cmpi eq, %slice3A_1284, %eq3A_1306 : vector<1x1024xi32>
    %jit3A_1308 = arith.constant 0.000000e+00 : f32
    %broadcast_in_dim3A_1309 = vector.shape_cast %eq3A_1307 : vector<1x1024xi1> to vector<1x1024xi1>
    %broadcast_in_dim3A_1310 = vector.broadcast %broadcast_in_dim3A_1309 : vector<1x1024xi1> to vector<16x1024xi1>
    %broadcast_in_dim3A_1311 = vector.broadcast %jit3A_1308 : f32 to vector<16x1024xf32>
    %select_n3A_1312 = arith.select %broadcast_in_dim3A_1310, %get3A_51, %broadcast_in_dim3A_1311 : vector<16x1024xi1>, vector<16x1024xf32>
    %add3A_1313 = arith.addf %add3A_1304, %select_n3A_1312 : vector<16x1024xf32>
    %eq3A_1314 = arith.constant 3 : i32
    %eq3A_1315 = vector.broadcast %eq3A_1314 : i32 to vector<1x1024xi32>
    %eq3A_1316 = arith.cmpi eq, %slice3A_1284, %eq3A_1315 : vector<1x1024xi32>
    %jit3A_1317 = arith.constant 0.000000e+00 : f32
    %broadcast_in_dim3A_1318 = vector.shape_cast %eq3A_1316 : vector<1x1024xi1> to vector<1x1024xi1>
    %broadcast_in_dim3A_1319 = vector.broadcast %broadcast_in_dim3A_1318 : vector<1x1024xi1> to vector<16x1024xi1>
    %broadcast_in_dim3A_1320 = vector.broadcast %jit3A_1317 : f32 to vector<16x1024xf32>
    %select_n3A_1321 = arith.select %broadcast_in_dim3A_1319, %get3A_57, %broadcast_in_dim3A_1320 : vector<16x1024xi1>, vector<16x1024xf32>
    %add3A_1322 = arith.addf %add3A_1313, %select_n3A_1321 : vector<16x1024xf32>
    %eq3A_1323 = arith.constant 4 : i32
    %eq3A_1324 = vector.broadcast %eq3A_1323 : i32 to vector<1x1024xi32>
    %eq3A_1325 = arith.cmpi eq, %slice3A_1284, %eq3A_1324 : vector<1x1024xi32>
    %jit3A_1326 = arith.constant 0.000000e+00 : f32
    %broadcast_in_dim3A_1327 = vector.shape_cast %eq3A_1325 : vector<1x1024xi1> to vector<1x1024xi1>
    %broadcast_in_dim3A_1328 = vector.broadcast %broadcast_in_dim3A_1327 : vector<1x1024xi1> to vector<16x1024xi1>
    %broadcast_in_dim3A_1329 = vector.broadcast %jit3A_1326 : f32 to vector<16x1024xf32>
    %select_n3A_1330 = arith.select %broadcast_in_dim3A_1328, %get3A_63, %broadcast_in_dim3A_1329 : vector<16x1024xi1>, vector<16x1024xf32>
    %add3A_1331 = arith.addf %add3A_1322, %select_n3A_1330 : vector<16x1024xf32>
    %eq3A_1332 = arith.constant 5 : i32
    %eq3A_1333 = vector.broadcast %eq3A_1332 : i32 to vector<1x1024xi32>
    %eq3A_1334 = arith.cmpi eq, %slice3A_1284, %eq3A_1333 : vector<1x1024xi32>
    %jit3A_1335 = arith.constant 0.000000e+00 : f32
    %broadcast_in_dim3A_1336 = vector.shape_cast %eq3A_1334 : vector<1x1024xi1> to vector<1x1024xi1>
    %broadcast_in_dim3A_1337 = vector.broadcast %broadcast_in_dim3A_1336 : vector<1x1024xi1> to vector<16x1024xi1>
    %broadcast_in_dim3A_1338 = vector.broadcast %jit3A_1335 : f32 to vector<16x1024xf32>
    %select_n3A_1339 = arith.select %broadcast_in_dim3A_1337, %get3A_69, %broadcast_in_dim3A_1338 : vector<16x1024xi1>, vector<16x1024xf32>
    %add3A_1340 = arith.addf %add3A_1331, %select_n3A_1339 : vector<16x1024xf32>
    %eq3A_1341 = arith.constant 6 : i32
    %eq3A_1342 = vector.broadcast %eq3A_1341 : i32 to vector<1x1024xi32>
    %eq3A_1343 = arith.cmpi eq, %slice3A_1284, %eq3A_1342 : vector<1x1024xi32>
    %jit3A_1344 = arith.constant 0.000000e+00 : f32
    %broadcast_in_dim3A_1345 = vector.shape_cast %eq3A_1343 : vector<1x1024xi1> to vector<1x1024xi1>
    %broadcast_in_dim3A_1346 = vector.broadcast %broadcast_in_dim3A_1345 : vector<1x1024xi1> to vector<16x1024xi1>
    %broadcast_in_dim3A_1347 = vector.broadcast %jit3A_1344 : f32 to vector<16x1024xf32>
    %select_n3A_1348 = arith.select %broadcast_in_dim3A_1346, %get3A_75, %broadcast_in_dim3A_1347 : vector<16x1024xi1>, vector<16x1024xf32>
    %add3A_1349 = arith.addf %add3A_1340, %select_n3A_1348 : vector<16x1024xf32>
    %eq3A_1350 = arith.constant 7 : i32
    %eq3A_1351 = vector.broadcast %eq3A_1350 : i32 to vector<1x1024xi32>
    %eq3A_1352 = arith.cmpi eq, %slice3A_1284, %eq3A_1351 : vector<1x1024xi32>
    %jit3A_1353 = arith.constant 0.000000e+00 : f32
    %broadcast_in_dim3A_1354 = vector.shape_cast %eq3A_1352 : vector<1x1024xi1> to vector<1x1024xi1>
    %broadcast_in_dim3A_1355 = vector.broadcast %broadcast_in_dim3A_1354 : vector<1x1024xi1> to vector<16x1024xi1>
    %broadcast_in_dim3A_1356 = vector.broadcast %jit3A_1353 : f32 to vector<16x1024xf32>
    %select_n3A_1357 = arith.select %broadcast_in_dim3A_1355, %get3A_81, %broadcast_in_dim3A_1356 : vector<16x1024xi1>, vector<16x1024xf32>
    %add3A_1358 = arith.addf %add3A_1349, %select_n3A_1357 : vector<16x1024xf32>
    %eq3A_1359 = arith.constant 8 : i32
    %eq3A_1360 = vector.broadcast %eq3A_1359 : i32 to vector<1x1024xi32>
    %eq3A_1361 = arith.cmpi eq, %slice3A_1284, %eq3A_1360 : vector<1x1024xi32>
    %jit3A_1362 = arith.constant 0.000000e+00 : f32
    %broadcast_in_dim3A_1363 = vector.shape_cast %eq3A_1361 : vector<1x1024xi1> to vector<1x1024xi1>
    %broadcast_in_dim3A_1364 = vector.broadcast %broadcast_in_dim3A_1363 : vector<1x1024xi1> to vector<16x1024xi1>
    %broadcast_in_dim3A_1365 = vector.broadcast %jit3A_1362 : f32 to vector<16x1024xf32>
    %select_n3A_1366 = arith.select %broadcast_in_dim3A_1364, %get3A_87, %broadcast_in_dim3A_1365 : vector<16x1024xi1>, vector<16x1024xf32>
    %add3A_1367 = arith.addf %add3A_1358, %select_n3A_1366 : vector<16x1024xf32>
    %eq3A_1368 = arith.constant 9 : i32
    %eq3A_1369 = vector.broadcast %eq3A_1368 : i32 to vector<1x1024xi32>
    %eq3A_1370 = arith.cmpi eq, %slice3A_1284, %eq3A_1369 : vector<1x1024xi32>
    %jit3A_1371 = arith.constant 0.000000e+00 : f32
    %broadcast_in_dim3A_1372 = vector.shape_cast %eq3A_1370 : vector<1x1024xi1> to vector<1x1024xi1>
    %broadcast_in_dim3A_1373 = vector.broadcast %broadcast_in_dim3A_1372 : vector<1x1024xi1> to vector<16x1024xi1>
    %broadcast_in_dim3A_1374 = vector.broadcast %jit3A_1371 : f32 to vector<16x1024xf32>
    %select_n3A_1375 = arith.select %broadcast_in_dim3A_1373, %get3A_93, %broadcast_in_dim3A_1374 : vector<16x1024xi1>, vector<16x1024xf32>
    %add3A_1376 = arith.addf %add3A_1367, %select_n3A_1375 : vector<16x1024xf32>
    %eq3A_1377 = arith.constant 10 : i32
    %eq3A_1378 = vector.broadcast %eq3A_1377 : i32 to vector<1x1024xi32>
    %eq3A_1379 = arith.cmpi eq, %slice3A_1284, %eq3A_1378 : vector<1x1024xi32>
    %jit3A_1380 = arith.constant 0.000000e+00 : f32
    %broadcast_in_dim3A_1381 = vector.shape_cast %eq3A_1379 : vector<1x1024xi1> to vector<1x1024xi1>
    %broadcast_in_dim3A_1382 = vector.broadcast %broadcast_in_dim3A_1381 : vector<1x1024xi1> to vector<16x1024xi1>
    %broadcast_in_dim3A_1383 = vector.broadcast %jit3A_1380 : f32 to vector<16x1024xf32>
    %select_n3A_1384 = arith.select %broadcast_in_dim3A_1382, %get3A_99, %broadcast_in_dim3A_1383 : vector<16x1024xi1>, vector<16x1024xf32>
    %add3A_1385 = arith.addf %add3A_1376, %select_n3A_1384 : vector<16x1024xf32>
    %eq3A_1386 = arith.constant 11 : i32
    %eq3A_1387 = vector.broadcast %eq3A_1386 : i32 to vector<1x1024xi32>
    %eq3A_1388 = arith.cmpi eq, %slice3A_1284, %eq3A_1387 : vector<1x1024xi32>
    %jit3A_1389 = arith.constant 0.000000e+00 : f32
    %broadcast_in_dim3A_1390 = vector.shape_cast %eq3A_1388 : vector<1x1024xi1> to vector<1x1024xi1>
    %broadcast_in_dim3A_1391 = vector.broadcast %broadcast_in_dim3A_1390 : vector<1x1024xi1> to vector<16x1024xi1>
    %broadcast_in_dim3A_1392 = vector.broadcast %jit3A_1389 : f32 to vector<16x1024xf32>
    %select_n3A_1393 = arith.select %broadcast_in_dim3A_1391, %get3A_105, %broadcast_in_dim3A_1392 : vector<16x1024xi1>, vector<16x1024xf32>
    %add3A_1394 = arith.addf %add3A_1385, %select_n3A_1393 : vector<16x1024xf32>
    %eq3A_1395 = arith.constant 12 : i32
    %eq3A_1396 = vector.broadcast %eq3A_1395 : i32 to vector<1x1024xi32>
    %eq3A_1397 = arith.cmpi eq, %slice3A_1284, %eq3A_1396 : vector<1x1024xi32>
    %jit3A_1398 = arith.constant 0.000000e+00 : f32
    %broadcast_in_dim3A_1399 = vector.shape_cast %eq3A_1397 : vector<1x1024xi1> to vector<1x1024xi1>
    %broadcast_in_dim3A_1400 = vector.broadcast %broadcast_in_dim3A_1399 : vector<1x1024xi1> to vector<16x1024xi1>
    %broadcast_in_dim3A_1401 = vector.broadcast %jit3A_1398 : f32 to vector<16x1024xf32>
    %select_n3A_1402 = arith.select %broadcast_in_dim3A_1400, %get3A_111, %broadcast_in_dim3A_1401 : vector<16x1024xi1>, vector<16x1024xf32>
    %add3A_1403 = arith.addf %add3A_1394, %select_n3A_1402 : vector<16x1024xf32>
    %eq3A_1404 = arith.constant 13 : i32
    %eq3A_1405 = vector.broadcast %eq3A_1404 : i32 to vector<1x1024xi32>
    %eq3A_1406 = arith.cmpi eq, %slice3A_1284, %eq3A_1405 : vector<1x1024xi32>
    %jit3A_1407 = arith.constant 0.000000e+00 : f32
    %broadcast_in_dim3A_1408 = vector.shape_cast %eq3A_1406 : vector<1x1024xi1> to vector<1x1024xi1>
    %broadcast_in_dim3A_1409 = vector.broadcast %broadcast_in_dim3A_1408 : vector<1x1024xi1> to vector<16x1024xi1>
    %broadcast_in_dim3A_1410 = vector.broadcast %jit3A_1407 : f32 to vector<16x1024xf32>
    %select_n3A_1411 = arith.select %broadcast_in_dim3A_1409, %get3A_117, %broadcast_in_dim3A_1410 : vector<16x1024xi1>, vector<16x1024xf32>
    %add3A_1412 = arith.addf %add3A_1403, %select_n3A_1411 : vector<16x1024xf32>
    %eq3A_1413 = arith.constant 14 : i32
    %eq3A_1414 = vector.broadcast %eq3A_1413 : i32 to vector<1x1024xi32>
    %eq3A_1415 = arith.cmpi eq, %slice3A_1284, %eq3A_1414 : vector<1x1024xi32>
    %jit3A_1416 = arith.constant 0.000000e+00 : f32
    %broadcast_in_dim3A_1417 = vector.shape_cast %eq3A_1415 : vector<1x1024xi1> to vector<1x1024xi1>
    %broadcast_in_dim3A_1418 = vector.broadcast %broadcast_in_dim3A_1417 : vector<1x1024xi1> to vector<16x1024xi1>
    %broadcast_in_dim3A_1419 = vector.broadcast %jit3A_1416 : f32 to vector<16x1024xf32>
    %select_n3A_1420 = arith.select %broadcast_in_dim3A_1418, %get3A_123, %broadcast_in_dim3A_1419 : vector<16x1024xi1>, vector<16x1024xf32>
    %add3A_1421 = arith.addf %add3A_1412, %select_n3A_1420 : vector<16x1024xf32>
    %eq3A_1422 = arith.constant 15 : i32
    %eq3A_1423 = vector.broadcast %eq3A_1422 : i32 to vector<1x1024xi32>
    %eq3A_1424 = arith.cmpi eq, %slice3A_1284, %eq3A_1423 : vector<1x1024xi32>
    %jit3A_1425 = arith.constant 0.000000e+00 : f32
    %broadcast_in_dim3A_1426 = vector.shape_cast %eq3A_1424 : vector<1x1024xi1> to vector<1x1024xi1>
    %broadcast_in_dim3A_1427 = vector.broadcast %broadcast_in_dim3A_1426 : vector<1x1024xi1> to vector<16x1024xi1>
    %broadcast_in_dim3A_1428 = vector.broadcast %jit3A_1425 : f32 to vector<16x1024xf32>
    %select_n3A_1429 = arith.select %broadcast_in_dim3A_1427, %get3A_129, %broadcast_in_dim3A_1428 : vector<16x1024xi1>, vector<16x1024xf32>
    %add3A_1430 = arith.addf %add3A_1421, %select_n3A_1429 : vector<16x1024xf32>
    %jit3A_1431 = arith.constant 0.000000e+00 : f32
    %broadcast_in_dim3A_1432 = vector.broadcast %jit3A_1431 : f32 to vector<16x1024xf32>
    %select_n3A_1433 = arith.select %eq3A_1283, %add3A_1430, %broadcast_in_dim3A_1432 : vector<16x1024xi1>, vector<16x1024xf32>
    %reduce_sum3A_1434 = vector.shape_cast %select_n3A_1433 : vector<16x1024xf32> to vector<1x16x1024xf32>
    %reduce_sum3A_1435 = arith.constant dense<0.000000e+00> : vector<1xf32>
    %reduce_sum3A_1436 = vector.multi_reduction <add>, %reduce_sum3A_1434, %reduce_sum3A_1435 [1, 2] : vector<1x16x1024xf32> to vector<1xf32>
    %reduce_sum3A_1437 = vector.shape_cast %reduce_sum3A_1436 : vector<1xf32> to vector<1x1x1xf32>
    %reduce_sum3A_1438 = vector.extract %reduce_sum3A_1437[0, 0, 0] : f32 from vector<1x1x1xf32>
    %add3A_1439 = arith.addf %add3A_1230, %reduce_sum3A_1438 : f32
    %jit3A_1440 = arith.constant 0 : i32
    %broadcast_in_dim3A_1441 = vector.broadcast %jit3A_1440 : i32 to vector<16x1024xi32>
    %select_n3A_1442 = arith.select %eq3A_1283, %select_n3A_201, %broadcast_in_dim3A_1441 : vector<16x1024xi1>, vector<16x1024xi32>
    %reduce_sum3A_1443 = arith.constant dense<0> : vector<1024xi32>
    %reduce_sum3A_1444 = vector.multi_reduction <add>, %select_n3A_1442, %reduce_sum3A_1443 [0] : vector<16x1024xi32> to vector<1024xi32>
    %broadcast_in_dim3A_1445 = vector.shape_cast %reduce_sum3A_1444 : vector<1024xi32> to vector<1x1024xi32>
    %eq3A_1446 = arith.cmpi eq, %broadcast_in_dim3A_1445, %slice3A_1284 : vector<1x1024xi32>
    %convert_element_type3A_1447 = arith.extui %eq3A_1446 : vector<1x1024xi1> to vector<1x1024xi32>
    %convert_element_type3A_1448 = arith.sitofp %convert_element_type3A_1447 : vector<1x1024xi32> to vector<1x1024xf32>
    %reduce_sum3A_1449 = vector.shape_cast %convert_element_type3A_1448 : vector<1x1024xf32> to vector<1x1x1024xf32>
    %reduce_sum3A_1450 = arith.constant dense<0.000000e+00> : vector<1xf32>
    %reduce_sum3A_1451 = vector.multi_reduction <add>, %reduce_sum3A_1449, %reduce_sum3A_1450 [1, 2] : vector<1x1x1024xf32> to vector<1xf32>
    %reduce_sum3A_1452 = vector.shape_cast %reduce_sum3A_1451 : vector<1xf32> to vector<1x1x1xf32>
    %reduce_sum3A_1453 = vector.extract %reduce_sum3A_1452[0, 0, 0] : f32 from vector<1x1x1xf32>
    %add3A_1454 = arith.addf %add3A_1245, %reduce_sum3A_1453 : f32
    %slice3A_1455 = vector.extract_strided_slice %get3A_18 {offsets = [6, 0], sizes = [1, 1024], strides = [1, 1]} : vector<10x1024xf32> to vector<1x1024xf32>
    %sub3A_1456 = vector.broadcast %slice3A_1455 : vector<1x1024xf32> to vector<16x1024xf32>
    %sub3A_1457 = arith.subf %get3A_3, %sub3A_1456 : vector<16x1024xf32>
    %integer_pow3A_1458 = arith.mulf %sub3A_1457, %sub3A_1457 : vector<16x1024xf32>
    %slice3A_1459 = vector.extract_strided_slice %get3A_23 {offsets = [6, 0], sizes = [1, 1024], strides = [1, 1]} : vector<10x1024xf32> to vector<1x1024xf32>
    %sub3A_1460 = vector.broadcast %slice3A_1459 : vector<1x1024xf32> to vector<16x1024xf32>
    %sub3A_1461 = arith.subf %get3A_8, %sub3A_1460 : vector<16x1024xf32>
    %integer_pow3A_1462 = arith.mulf %sub3A_1461, %sub3A_1461 : vector<16x1024xf32>
    %add3A_1463 = arith.addf %integer_pow3A_1458, %integer_pow3A_1462 : vector<16x1024xf32>
    %slice3A_1464 = vector.extract_strided_slice %get3A_28 {offsets = [6, 0], sizes = [1, 1024], strides = [1, 1]} : vector<10x1024xf32> to vector<1x1024xf32>
    %sub3A_1465 = vector.broadcast %slice3A_1464 : vector<1x1024xf32> to vector<16x1024xf32>
    %sub3A_1466 = arith.subf %get3A_13, %sub3A_1465 : vector<16x1024xf32>
    %integer_pow3A_1467 = arith.mulf %sub3A_1466, %sub3A_1466 : vector<16x1024xf32>
    %add3A_1468 = arith.addf %add3A_1463, %integer_pow3A_1467 : vector<16x1024xf32>
    %lt3A_1469 = arith.cmpf olt, %add3A_1468, %select_n3A_1264 : vector<16x1024xf32>
    %jit3A_1470 = arith.constant 6 : i32
    %broadcast_in_dim3A_1471 = vector.broadcast %jit3A_1470 : i32 to vector<16x1024xi32>
    %select_n3A_1472 = arith.select %lt3A_1469, %broadcast_in_dim3A_1471, %select_n3A_1263 : vector<16x1024xi1>, vector<16x1024xi32>
    %select_n3A_1473 = arith.select %lt3A_1469, %add3A_1468, %select_n3A_1264 : vector<16x1024xi1>, vector<16x1024xf32>
    %reduce_min3A_1474 = arith.constant dense<0x7F800000> : vector<1024xf32>
    %reduce_min3A_1475 = vector.multi_reduction <minimumf>, %add3A_1468, %reduce_min3A_1474 [0] : vector<16x1024xf32> to vector<1024xf32>
    %broadcast_in_dim3A_1476 = vector.shape_cast %reduce_min3A_1475 : vector<1024xf32> to vector<1x1024xf32>
    %reduce_sum3A_1477 = vector.shape_cast %broadcast_in_dim3A_1476 : vector<1x1024xf32> to vector<1x1x1024xf32>
    %reduce_sum3A_1478 = arith.constant dense<0.000000e+00> : vector<1xf32>
    %reduce_sum3A_1479 = vector.multi_reduction <add>, %reduce_sum3A_1477, %reduce_sum3A_1478 [1, 2] : vector<1x1x1024xf32> to vector<1xf32>
    %reduce_sum3A_1480 = vector.shape_cast %reduce_sum3A_1479 : vector<1xf32> to vector<1x1x1xf32>
    %reduce_sum3A_1481 = vector.extract %reduce_sum3A_1480[0, 0, 0] : f32 from vector<1x1x1xf32>
    %add3A_1482 = arith.addf %add3A_1273, %reduce_sum3A_1481 : f32
    %eq3A_1483 = vector.broadcast %broadcast_in_dim3A_1476 : vector<1x1024xf32> to vector<16x1024xf32>
    %eq3A_1484 = arith.cmpf oeq, %add3A_1468, %eq3A_1483 : vector<16x1024xf32>
    %jit3A_1485 = arith.constant 16 : i32
    %broadcast_in_dim3A_1486 = vector.broadcast %jit3A_1485 : i32 to vector<16x1024xi32>
    %select_n3A_1487 = arith.select %eq3A_1484, %iota3A, %broadcast_in_dim3A_1486 : vector<16x1024xi1>, vector<16x1024xi32>
    %reduce_min3A_1488 = arith.constant dense<2147483647> : vector<1024xi32>
    %reduce_min3A_1489 = vector.multi_reduction <minsi>, %select_n3A_1487, %reduce_min3A_1488 [0] : vector<16x1024xi32> to vector<1024xi32>
    %broadcast_in_dim3A_1490 = vector.shape_cast %reduce_min3A_1489 : vector<1024xi32> to vector<1x1024xi32>
    %eq3A_1491 = vector.broadcast %broadcast_in_dim3A_1490 : vector<1x1024xi32> to vector<16x1024xi32>
    %eq3A_1492 = arith.cmpi eq, %iota3A, %eq3A_1491 : vector<16x1024xi32>
    %slice3A_1493 = vector.extract_strided_slice %convert_element_type3A {offsets = [6, 0], sizes = [1, 1024], strides = [1, 1]} : vector<10x1024xi32> to vector<1x1024xi32>
    %broadcast_in_dim3A_1494 = arith.constant 0.000000e+00 : f32
    %broadcast_in_dim3A_1495 = vector.broadcast %broadcast_in_dim3A_1494 : f32 to vector<16x1024xf32>
    %eq3A_1496 = arith.constant 0 : i32
    %eq3A_1497 = vector.broadcast %eq3A_1496 : i32 to vector<1x1024xi32>
    %eq3A_1498 = arith.cmpi eq, %slice3A_1493, %eq3A_1497 : vector<1x1024xi32>
    %jit3A_1499 = arith.constant 0.000000e+00 : f32
    %broadcast_in_dim3A_1500 = vector.shape_cast %eq3A_1498 : vector<1x1024xi1> to vector<1x1024xi1>
    %broadcast_in_dim3A_1501 = vector.broadcast %broadcast_in_dim3A_1500 : vector<1x1024xi1> to vector<16x1024xi1>
    %broadcast_in_dim3A_1502 = vector.broadcast %jit3A_1499 : f32 to vector<16x1024xf32>
    %select_n3A_1503 = arith.select %broadcast_in_dim3A_1501, %get3A_39, %broadcast_in_dim3A_1502 : vector<16x1024xi1>, vector<16x1024xf32>
    %add3A_1504 = arith.addf %broadcast_in_dim3A_1495, %select_n3A_1503 : vector<16x1024xf32>
    %eq3A_1505 = arith.constant 1 : i32
    %eq3A_1506 = vector.broadcast %eq3A_1505 : i32 to vector<1x1024xi32>
    %eq3A_1507 = arith.cmpi eq, %slice3A_1493, %eq3A_1506 : vector<1x1024xi32>
    %jit3A_1508 = arith.constant 0.000000e+00 : f32
    %broadcast_in_dim3A_1509 = vector.shape_cast %eq3A_1507 : vector<1x1024xi1> to vector<1x1024xi1>
    %broadcast_in_dim3A_1510 = vector.broadcast %broadcast_in_dim3A_1509 : vector<1x1024xi1> to vector<16x1024xi1>
    %broadcast_in_dim3A_1511 = vector.broadcast %jit3A_1508 : f32 to vector<16x1024xf32>
    %select_n3A_1512 = arith.select %broadcast_in_dim3A_1510, %get3A_45, %broadcast_in_dim3A_1511 : vector<16x1024xi1>, vector<16x1024xf32>
    %add3A_1513 = arith.addf %add3A_1504, %select_n3A_1512 : vector<16x1024xf32>
    %eq3A_1514 = arith.constant 2 : i32
    %eq3A_1515 = vector.broadcast %eq3A_1514 : i32 to vector<1x1024xi32>
    %eq3A_1516 = arith.cmpi eq, %slice3A_1493, %eq3A_1515 : vector<1x1024xi32>
    %jit3A_1517 = arith.constant 0.000000e+00 : f32
    %broadcast_in_dim3A_1518 = vector.shape_cast %eq3A_1516 : vector<1x1024xi1> to vector<1x1024xi1>
    %broadcast_in_dim3A_1519 = vector.broadcast %broadcast_in_dim3A_1518 : vector<1x1024xi1> to vector<16x1024xi1>
    %broadcast_in_dim3A_1520 = vector.broadcast %jit3A_1517 : f32 to vector<16x1024xf32>
    %select_n3A_1521 = arith.select %broadcast_in_dim3A_1519, %get3A_51, %broadcast_in_dim3A_1520 : vector<16x1024xi1>, vector<16x1024xf32>
    %add3A_1522 = arith.addf %add3A_1513, %select_n3A_1521 : vector<16x1024xf32>
    %eq3A_1523 = arith.constant 3 : i32
    %eq3A_1524 = vector.broadcast %eq3A_1523 : i32 to vector<1x1024xi32>
    %eq3A_1525 = arith.cmpi eq, %slice3A_1493, %eq3A_1524 : vector<1x1024xi32>
    %jit3A_1526 = arith.constant 0.000000e+00 : f32
    %broadcast_in_dim3A_1527 = vector.shape_cast %eq3A_1525 : vector<1x1024xi1> to vector<1x1024xi1>
    %broadcast_in_dim3A_1528 = vector.broadcast %broadcast_in_dim3A_1527 : vector<1x1024xi1> to vector<16x1024xi1>
    %broadcast_in_dim3A_1529 = vector.broadcast %jit3A_1526 : f32 to vector<16x1024xf32>
    %select_n3A_1530 = arith.select %broadcast_in_dim3A_1528, %get3A_57, %broadcast_in_dim3A_1529 : vector<16x1024xi1>, vector<16x1024xf32>
    %add3A_1531 = arith.addf %add3A_1522, %select_n3A_1530 : vector<16x1024xf32>
    %eq3A_1532 = arith.constant 4 : i32
    %eq3A_1533 = vector.broadcast %eq3A_1532 : i32 to vector<1x1024xi32>
    %eq3A_1534 = arith.cmpi eq, %slice3A_1493, %eq3A_1533 : vector<1x1024xi32>
    %jit3A_1535 = arith.constant 0.000000e+00 : f32
    %broadcast_in_dim3A_1536 = vector.shape_cast %eq3A_1534 : vector<1x1024xi1> to vector<1x1024xi1>
    %broadcast_in_dim3A_1537 = vector.broadcast %broadcast_in_dim3A_1536 : vector<1x1024xi1> to vector<16x1024xi1>
    %broadcast_in_dim3A_1538 = vector.broadcast %jit3A_1535 : f32 to vector<16x1024xf32>
    %select_n3A_1539 = arith.select %broadcast_in_dim3A_1537, %get3A_63, %broadcast_in_dim3A_1538 : vector<16x1024xi1>, vector<16x1024xf32>
    %add3A_1540 = arith.addf %add3A_1531, %select_n3A_1539 : vector<16x1024xf32>
    %eq3A_1541 = arith.constant 5 : i32
    %eq3A_1542 = vector.broadcast %eq3A_1541 : i32 to vector<1x1024xi32>
    %eq3A_1543 = arith.cmpi eq, %slice3A_1493, %eq3A_1542 : vector<1x1024xi32>
    %jit3A_1544 = arith.constant 0.000000e+00 : f32
    %broadcast_in_dim3A_1545 = vector.shape_cast %eq3A_1543 : vector<1x1024xi1> to vector<1x1024xi1>
    %broadcast_in_dim3A_1546 = vector.broadcast %broadcast_in_dim3A_1545 : vector<1x1024xi1> to vector<16x1024xi1>
    %broadcast_in_dim3A_1547 = vector.broadcast %jit3A_1544 : f32 to vector<16x1024xf32>
    %select_n3A_1548 = arith.select %broadcast_in_dim3A_1546, %get3A_69, %broadcast_in_dim3A_1547 : vector<16x1024xi1>, vector<16x1024xf32>
    %add3A_1549 = arith.addf %add3A_1540, %select_n3A_1548 : vector<16x1024xf32>
    %eq3A_1550 = arith.constant 6 : i32
    %eq3A_1551 = vector.broadcast %eq3A_1550 : i32 to vector<1x1024xi32>
    %eq3A_1552 = arith.cmpi eq, %slice3A_1493, %eq3A_1551 : vector<1x1024xi32>
    %jit3A_1553 = arith.constant 0.000000e+00 : f32
    %broadcast_in_dim3A_1554 = vector.shape_cast %eq3A_1552 : vector<1x1024xi1> to vector<1x1024xi1>
    %broadcast_in_dim3A_1555 = vector.broadcast %broadcast_in_dim3A_1554 : vector<1x1024xi1> to vector<16x1024xi1>
    %broadcast_in_dim3A_1556 = vector.broadcast %jit3A_1553 : f32 to vector<16x1024xf32>
    %select_n3A_1557 = arith.select %broadcast_in_dim3A_1555, %get3A_75, %broadcast_in_dim3A_1556 : vector<16x1024xi1>, vector<16x1024xf32>
    %add3A_1558 = arith.addf %add3A_1549, %select_n3A_1557 : vector<16x1024xf32>
    %eq3A_1559 = arith.constant 7 : i32
    %eq3A_1560 = vector.broadcast %eq3A_1559 : i32 to vector<1x1024xi32>
    %eq3A_1561 = arith.cmpi eq, %slice3A_1493, %eq3A_1560 : vector<1x1024xi32>
    %jit3A_1562 = arith.constant 0.000000e+00 : f32
    %broadcast_in_dim3A_1563 = vector.shape_cast %eq3A_1561 : vector<1x1024xi1> to vector<1x1024xi1>
    %broadcast_in_dim3A_1564 = vector.broadcast %broadcast_in_dim3A_1563 : vector<1x1024xi1> to vector<16x1024xi1>
    %broadcast_in_dim3A_1565 = vector.broadcast %jit3A_1562 : f32 to vector<16x1024xf32>
    %select_n3A_1566 = arith.select %broadcast_in_dim3A_1564, %get3A_81, %broadcast_in_dim3A_1565 : vector<16x1024xi1>, vector<16x1024xf32>
    %add3A_1567 = arith.addf %add3A_1558, %select_n3A_1566 : vector<16x1024xf32>
    %eq3A_1568 = arith.constant 8 : i32
    %eq3A_1569 = vector.broadcast %eq3A_1568 : i32 to vector<1x1024xi32>
    %eq3A_1570 = arith.cmpi eq, %slice3A_1493, %eq3A_1569 : vector<1x1024xi32>
    %jit3A_1571 = arith.constant 0.000000e+00 : f32
    %broadcast_in_dim3A_1572 = vector.shape_cast %eq3A_1570 : vector<1x1024xi1> to vector<1x1024xi1>
    %broadcast_in_dim3A_1573 = vector.broadcast %broadcast_in_dim3A_1572 : vector<1x1024xi1> to vector<16x1024xi1>
    %broadcast_in_dim3A_1574 = vector.broadcast %jit3A_1571 : f32 to vector<16x1024xf32>
    %select_n3A_1575 = arith.select %broadcast_in_dim3A_1573, %get3A_87, %broadcast_in_dim3A_1574 : vector<16x1024xi1>, vector<16x1024xf32>
    %add3A_1576 = arith.addf %add3A_1567, %select_n3A_1575 : vector<16x1024xf32>
    %eq3A_1577 = arith.constant 9 : i32
    %eq3A_1578 = vector.broadcast %eq3A_1577 : i32 to vector<1x1024xi32>
    %eq3A_1579 = arith.cmpi eq, %slice3A_1493, %eq3A_1578 : vector<1x1024xi32>
    %jit3A_1580 = arith.constant 0.000000e+00 : f32
    %broadcast_in_dim3A_1581 = vector.shape_cast %eq3A_1579 : vector<1x1024xi1> to vector<1x1024xi1>
    %broadcast_in_dim3A_1582 = vector.broadcast %broadcast_in_dim3A_1581 : vector<1x1024xi1> to vector<16x1024xi1>
    %broadcast_in_dim3A_1583 = vector.broadcast %jit3A_1580 : f32 to vector<16x1024xf32>
    %select_n3A_1584 = arith.select %broadcast_in_dim3A_1582, %get3A_93, %broadcast_in_dim3A_1583 : vector<16x1024xi1>, vector<16x1024xf32>
    %add3A_1585 = arith.addf %add3A_1576, %select_n3A_1584 : vector<16x1024xf32>
    %eq3A_1586 = arith.constant 10 : i32
    %eq3A_1587 = vector.broadcast %eq3A_1586 : i32 to vector<1x1024xi32>
    %eq3A_1588 = arith.cmpi eq, %slice3A_1493, %eq3A_1587 : vector<1x1024xi32>
    %jit3A_1589 = arith.constant 0.000000e+00 : f32
    %broadcast_in_dim3A_1590 = vector.shape_cast %eq3A_1588 : vector<1x1024xi1> to vector<1x1024xi1>
    %broadcast_in_dim3A_1591 = vector.broadcast %broadcast_in_dim3A_1590 : vector<1x1024xi1> to vector<16x1024xi1>
    %broadcast_in_dim3A_1592 = vector.broadcast %jit3A_1589 : f32 to vector<16x1024xf32>
    %select_n3A_1593 = arith.select %broadcast_in_dim3A_1591, %get3A_99, %broadcast_in_dim3A_1592 : vector<16x1024xi1>, vector<16x1024xf32>
    %add3A_1594 = arith.addf %add3A_1585, %select_n3A_1593 : vector<16x1024xf32>
    %eq3A_1595 = arith.constant 11 : i32
    %eq3A_1596 = vector.broadcast %eq3A_1595 : i32 to vector<1x1024xi32>
    %eq3A_1597 = arith.cmpi eq, %slice3A_1493, %eq3A_1596 : vector<1x1024xi32>
    %jit3A_1598 = arith.constant 0.000000e+00 : f32
    %broadcast_in_dim3A_1599 = vector.shape_cast %eq3A_1597 : vector<1x1024xi1> to vector<1x1024xi1>
    %broadcast_in_dim3A_1600 = vector.broadcast %broadcast_in_dim3A_1599 : vector<1x1024xi1> to vector<16x1024xi1>
    %broadcast_in_dim3A_1601 = vector.broadcast %jit3A_1598 : f32 to vector<16x1024xf32>
    %select_n3A_1602 = arith.select %broadcast_in_dim3A_1600, %get3A_105, %broadcast_in_dim3A_1601 : vector<16x1024xi1>, vector<16x1024xf32>
    %add3A_1603 = arith.addf %add3A_1594, %select_n3A_1602 : vector<16x1024xf32>
    %eq3A_1604 = arith.constant 12 : i32
    %eq3A_1605 = vector.broadcast %eq3A_1604 : i32 to vector<1x1024xi32>
    %eq3A_1606 = arith.cmpi eq, %slice3A_1493, %eq3A_1605 : vector<1x1024xi32>
    %jit3A_1607 = arith.constant 0.000000e+00 : f32
    %broadcast_in_dim3A_1608 = vector.shape_cast %eq3A_1606 : vector<1x1024xi1> to vector<1x1024xi1>
    %broadcast_in_dim3A_1609 = vector.broadcast %broadcast_in_dim3A_1608 : vector<1x1024xi1> to vector<16x1024xi1>
    %broadcast_in_dim3A_1610 = vector.broadcast %jit3A_1607 : f32 to vector<16x1024xf32>
    %select_n3A_1611 = arith.select %broadcast_in_dim3A_1609, %get3A_111, %broadcast_in_dim3A_1610 : vector<16x1024xi1>, vector<16x1024xf32>
    %add3A_1612 = arith.addf %add3A_1603, %select_n3A_1611 : vector<16x1024xf32>
    %eq3A_1613 = arith.constant 13 : i32
    %eq3A_1614 = vector.broadcast %eq3A_1613 : i32 to vector<1x1024xi32>
    %eq3A_1615 = arith.cmpi eq, %slice3A_1493, %eq3A_1614 : vector<1x1024xi32>
    %jit3A_1616 = arith.constant 0.000000e+00 : f32
    %broadcast_in_dim3A_1617 = vector.shape_cast %eq3A_1615 : vector<1x1024xi1> to vector<1x1024xi1>
    %broadcast_in_dim3A_1618 = vector.broadcast %broadcast_in_dim3A_1617 : vector<1x1024xi1> to vector<16x1024xi1>
    %broadcast_in_dim3A_1619 = vector.broadcast %jit3A_1616 : f32 to vector<16x1024xf32>
    %select_n3A_1620 = arith.select %broadcast_in_dim3A_1618, %get3A_117, %broadcast_in_dim3A_1619 : vector<16x1024xi1>, vector<16x1024xf32>
    %add3A_1621 = arith.addf %add3A_1612, %select_n3A_1620 : vector<16x1024xf32>
    %eq3A_1622 = arith.constant 14 : i32
    %eq3A_1623 = vector.broadcast %eq3A_1622 : i32 to vector<1x1024xi32>
    %eq3A_1624 = arith.cmpi eq, %slice3A_1493, %eq3A_1623 : vector<1x1024xi32>
    %jit3A_1625 = arith.constant 0.000000e+00 : f32
    %broadcast_in_dim3A_1626 = vector.shape_cast %eq3A_1624 : vector<1x1024xi1> to vector<1x1024xi1>
    %broadcast_in_dim3A_1627 = vector.broadcast %broadcast_in_dim3A_1626 : vector<1x1024xi1> to vector<16x1024xi1>
    %broadcast_in_dim3A_1628 = vector.broadcast %jit3A_1625 : f32 to vector<16x1024xf32>
    %select_n3A_1629 = arith.select %broadcast_in_dim3A_1627, %get3A_123, %broadcast_in_dim3A_1628 : vector<16x1024xi1>, vector<16x1024xf32>
    %add3A_1630 = arith.addf %add3A_1621, %select_n3A_1629 : vector<16x1024xf32>
    %eq3A_1631 = arith.constant 15 : i32
    %eq3A_1632 = vector.broadcast %eq3A_1631 : i32 to vector<1x1024xi32>
    %eq3A_1633 = arith.cmpi eq, %slice3A_1493, %eq3A_1632 : vector<1x1024xi32>
    %jit3A_1634 = arith.constant 0.000000e+00 : f32
    %broadcast_in_dim3A_1635 = vector.shape_cast %eq3A_1633 : vector<1x1024xi1> to vector<1x1024xi1>
    %broadcast_in_dim3A_1636 = vector.broadcast %broadcast_in_dim3A_1635 : vector<1x1024xi1> to vector<16x1024xi1>
    %broadcast_in_dim3A_1637 = vector.broadcast %jit3A_1634 : f32 to vector<16x1024xf32>
    %select_n3A_1638 = arith.select %broadcast_in_dim3A_1636, %get3A_129, %broadcast_in_dim3A_1637 : vector<16x1024xi1>, vector<16x1024xf32>
    %add3A_1639 = arith.addf %add3A_1630, %select_n3A_1638 : vector<16x1024xf32>
    %jit3A_1640 = arith.constant 0.000000e+00 : f32
    %broadcast_in_dim3A_1641 = vector.broadcast %jit3A_1640 : f32 to vector<16x1024xf32>
    %select_n3A_1642 = arith.select %eq3A_1492, %add3A_1639, %broadcast_in_dim3A_1641 : vector<16x1024xi1>, vector<16x1024xf32>
    %reduce_sum3A_1643 = vector.shape_cast %select_n3A_1642 : vector<16x1024xf32> to vector<1x16x1024xf32>
    %reduce_sum3A_1644 = arith.constant dense<0.000000e+00> : vector<1xf32>
    %reduce_sum3A_1645 = vector.multi_reduction <add>, %reduce_sum3A_1643, %reduce_sum3A_1644 [1, 2] : vector<1x16x1024xf32> to vector<1xf32>
    %reduce_sum3A_1646 = vector.shape_cast %reduce_sum3A_1645 : vector<1xf32> to vector<1x1x1xf32>
    %reduce_sum3A_1647 = vector.extract %reduce_sum3A_1646[0, 0, 0] : f32 from vector<1x1x1xf32>
    %add3A_1648 = arith.addf %add3A_1439, %reduce_sum3A_1647 : f32
    %jit3A_1649 = arith.constant 0 : i32
    %broadcast_in_dim3A_1650 = vector.broadcast %jit3A_1649 : i32 to vector<16x1024xi32>
    %select_n3A_1651 = arith.select %eq3A_1492, %select_n3A_201, %broadcast_in_dim3A_1650 : vector<16x1024xi1>, vector<16x1024xi32>
    %reduce_sum3A_1652 = arith.constant dense<0> : vector<1024xi32>
    %reduce_sum3A_1653 = vector.multi_reduction <add>, %select_n3A_1651, %reduce_sum3A_1652 [0] : vector<16x1024xi32> to vector<1024xi32>
    %broadcast_in_dim3A_1654 = vector.shape_cast %reduce_sum3A_1653 : vector<1024xi32> to vector<1x1024xi32>
    %eq3A_1655 = arith.cmpi eq, %broadcast_in_dim3A_1654, %slice3A_1493 : vector<1x1024xi32>
    %convert_element_type3A_1656 = arith.extui %eq3A_1655 : vector<1x1024xi1> to vector<1x1024xi32>
    %convert_element_type3A_1657 = arith.sitofp %convert_element_type3A_1656 : vector<1x1024xi32> to vector<1x1024xf32>
    %reduce_sum3A_1658 = vector.shape_cast %convert_element_type3A_1657 : vector<1x1024xf32> to vector<1x1x1024xf32>
    %reduce_sum3A_1659 = arith.constant dense<0.000000e+00> : vector<1xf32>
    %reduce_sum3A_1660 = vector.multi_reduction <add>, %reduce_sum3A_1658, %reduce_sum3A_1659 [1, 2] : vector<1x1x1024xf32> to vector<1xf32>
    %reduce_sum3A_1661 = vector.shape_cast %reduce_sum3A_1660 : vector<1xf32> to vector<1x1x1xf32>
    %reduce_sum3A_1662 = vector.extract %reduce_sum3A_1661[0, 0, 0] : f32 from vector<1x1x1xf32>
    %add3A_1663 = arith.addf %add3A_1454, %reduce_sum3A_1662 : f32
    %slice3A_1664 = vector.extract_strided_slice %get3A_18 {offsets = [7, 0], sizes = [1, 1024], strides = [1, 1]} : vector<10x1024xf32> to vector<1x1024xf32>
    %sub3A_1665 = vector.broadcast %slice3A_1664 : vector<1x1024xf32> to vector<16x1024xf32>
    %sub3A_1666 = arith.subf %get3A_3, %sub3A_1665 : vector<16x1024xf32>
    %integer_pow3A_1667 = arith.mulf %sub3A_1666, %sub3A_1666 : vector<16x1024xf32>
    %slice3A_1668 = vector.extract_strided_slice %get3A_23 {offsets = [7, 0], sizes = [1, 1024], strides = [1, 1]} : vector<10x1024xf32> to vector<1x1024xf32>
    %sub3A_1669 = vector.broadcast %slice3A_1668 : vector<1x1024xf32> to vector<16x1024xf32>
    %sub3A_1670 = arith.subf %get3A_8, %sub3A_1669 : vector<16x1024xf32>
    %integer_pow3A_1671 = arith.mulf %sub3A_1670, %sub3A_1670 : vector<16x1024xf32>
    %add3A_1672 = arith.addf %integer_pow3A_1667, %integer_pow3A_1671 : vector<16x1024xf32>
    %slice3A_1673 = vector.extract_strided_slice %get3A_28 {offsets = [7, 0], sizes = [1, 1024], strides = [1, 1]} : vector<10x1024xf32> to vector<1x1024xf32>
    %sub3A_1674 = vector.broadcast %slice3A_1673 : vector<1x1024xf32> to vector<16x1024xf32>
    %sub3A_1675 = arith.subf %get3A_13, %sub3A_1674 : vector<16x1024xf32>
    %integer_pow3A_1676 = arith.mulf %sub3A_1675, %sub3A_1675 : vector<16x1024xf32>
    %add3A_1677 = arith.addf %add3A_1672, %integer_pow3A_1676 : vector<16x1024xf32>
    %lt3A_1678 = arith.cmpf olt, %add3A_1677, %select_n3A_1473 : vector<16x1024xf32>
    %jit3A_1679 = arith.constant 7 : i32
    %broadcast_in_dim3A_1680 = vector.broadcast %jit3A_1679 : i32 to vector<16x1024xi32>
    %select_n3A_1681 = arith.select %lt3A_1678, %broadcast_in_dim3A_1680, %select_n3A_1472 : vector<16x1024xi1>, vector<16x1024xi32>
    %select_n3A_1682 = arith.select %lt3A_1678, %add3A_1677, %select_n3A_1473 : vector<16x1024xi1>, vector<16x1024xf32>
    %reduce_min3A_1683 = arith.constant dense<0x7F800000> : vector<1024xf32>
    %reduce_min3A_1684 = vector.multi_reduction <minimumf>, %add3A_1677, %reduce_min3A_1683 [0] : vector<16x1024xf32> to vector<1024xf32>
    %broadcast_in_dim3A_1685 = vector.shape_cast %reduce_min3A_1684 : vector<1024xf32> to vector<1x1024xf32>
    %reduce_sum3A_1686 = vector.shape_cast %broadcast_in_dim3A_1685 : vector<1x1024xf32> to vector<1x1x1024xf32>
    %reduce_sum3A_1687 = arith.constant dense<0.000000e+00> : vector<1xf32>
    %reduce_sum3A_1688 = vector.multi_reduction <add>, %reduce_sum3A_1686, %reduce_sum3A_1687 [1, 2] : vector<1x1x1024xf32> to vector<1xf32>
    %reduce_sum3A_1689 = vector.shape_cast %reduce_sum3A_1688 : vector<1xf32> to vector<1x1x1xf32>
    %reduce_sum3A_1690 = vector.extract %reduce_sum3A_1689[0, 0, 0] : f32 from vector<1x1x1xf32>
    %add3A_1691 = arith.addf %add3A_1482, %reduce_sum3A_1690 : f32
    %eq3A_1692 = vector.broadcast %broadcast_in_dim3A_1685 : vector<1x1024xf32> to vector<16x1024xf32>
    %eq3A_1693 = arith.cmpf oeq, %add3A_1677, %eq3A_1692 : vector<16x1024xf32>
    %jit3A_1694 = arith.constant 16 : i32
    %broadcast_in_dim3A_1695 = vector.broadcast %jit3A_1694 : i32 to vector<16x1024xi32>
    %select_n3A_1696 = arith.select %eq3A_1693, %iota3A, %broadcast_in_dim3A_1695 : vector<16x1024xi1>, vector<16x1024xi32>
    %reduce_min3A_1697 = arith.constant dense<2147483647> : vector<1024xi32>
    %reduce_min3A_1698 = vector.multi_reduction <minsi>, %select_n3A_1696, %reduce_min3A_1697 [0] : vector<16x1024xi32> to vector<1024xi32>
    %broadcast_in_dim3A_1699 = vector.shape_cast %reduce_min3A_1698 : vector<1024xi32> to vector<1x1024xi32>
    %eq3A_1700 = vector.broadcast %broadcast_in_dim3A_1699 : vector<1x1024xi32> to vector<16x1024xi32>
    %eq3A_1701 = arith.cmpi eq, %iota3A, %eq3A_1700 : vector<16x1024xi32>
    %slice3A_1702 = vector.extract_strided_slice %convert_element_type3A {offsets = [7, 0], sizes = [1, 1024], strides = [1, 1]} : vector<10x1024xi32> to vector<1x1024xi32>
    %broadcast_in_dim3A_1703 = arith.constant 0.000000e+00 : f32
    %broadcast_in_dim3A_1704 = vector.broadcast %broadcast_in_dim3A_1703 : f32 to vector<16x1024xf32>
    %eq3A_1705 = arith.constant 0 : i32
    %eq3A_1706 = vector.broadcast %eq3A_1705 : i32 to vector<1x1024xi32>
    %eq3A_1707 = arith.cmpi eq, %slice3A_1702, %eq3A_1706 : vector<1x1024xi32>
    %jit3A_1708 = arith.constant 0.000000e+00 : f32
    %broadcast_in_dim3A_1709 = vector.shape_cast %eq3A_1707 : vector<1x1024xi1> to vector<1x1024xi1>
    %broadcast_in_dim3A_1710 = vector.broadcast %broadcast_in_dim3A_1709 : vector<1x1024xi1> to vector<16x1024xi1>
    %broadcast_in_dim3A_1711 = vector.broadcast %jit3A_1708 : f32 to vector<16x1024xf32>
    %select_n3A_1712 = arith.select %broadcast_in_dim3A_1710, %get3A_39, %broadcast_in_dim3A_1711 : vector<16x1024xi1>, vector<16x1024xf32>
    %add3A_1713 = arith.addf %broadcast_in_dim3A_1704, %select_n3A_1712 : vector<16x1024xf32>
    %eq3A_1714 = arith.constant 1 : i32
    %eq3A_1715 = vector.broadcast %eq3A_1714 : i32 to vector<1x1024xi32>
    %eq3A_1716 = arith.cmpi eq, %slice3A_1702, %eq3A_1715 : vector<1x1024xi32>
    %jit3A_1717 = arith.constant 0.000000e+00 : f32
    %broadcast_in_dim3A_1718 = vector.shape_cast %eq3A_1716 : vector<1x1024xi1> to vector<1x1024xi1>
    %broadcast_in_dim3A_1719 = vector.broadcast %broadcast_in_dim3A_1718 : vector<1x1024xi1> to vector<16x1024xi1>
    %broadcast_in_dim3A_1720 = vector.broadcast %jit3A_1717 : f32 to vector<16x1024xf32>
    %select_n3A_1721 = arith.select %broadcast_in_dim3A_1719, %get3A_45, %broadcast_in_dim3A_1720 : vector<16x1024xi1>, vector<16x1024xf32>
    %add3A_1722 = arith.addf %add3A_1713, %select_n3A_1721 : vector<16x1024xf32>
    %eq3A_1723 = arith.constant 2 : i32
    %eq3A_1724 = vector.broadcast %eq3A_1723 : i32 to vector<1x1024xi32>
    %eq3A_1725 = arith.cmpi eq, %slice3A_1702, %eq3A_1724 : vector<1x1024xi32>
    %jit3A_1726 = arith.constant 0.000000e+00 : f32
    %broadcast_in_dim3A_1727 = vector.shape_cast %eq3A_1725 : vector<1x1024xi1> to vector<1x1024xi1>
    %broadcast_in_dim3A_1728 = vector.broadcast %broadcast_in_dim3A_1727 : vector<1x1024xi1> to vector<16x1024xi1>
    %broadcast_in_dim3A_1729 = vector.broadcast %jit3A_1726 : f32 to vector<16x1024xf32>
    %select_n3A_1730 = arith.select %broadcast_in_dim3A_1728, %get3A_51, %broadcast_in_dim3A_1729 : vector<16x1024xi1>, vector<16x1024xf32>
    %add3A_1731 = arith.addf %add3A_1722, %select_n3A_1730 : vector<16x1024xf32>
    %eq3A_1732 = arith.constant 3 : i32
    %eq3A_1733 = vector.broadcast %eq3A_1732 : i32 to vector<1x1024xi32>
    %eq3A_1734 = arith.cmpi eq, %slice3A_1702, %eq3A_1733 : vector<1x1024xi32>
    %jit3A_1735 = arith.constant 0.000000e+00 : f32
    %broadcast_in_dim3A_1736 = vector.shape_cast %eq3A_1734 : vector<1x1024xi1> to vector<1x1024xi1>
    %broadcast_in_dim3A_1737 = vector.broadcast %broadcast_in_dim3A_1736 : vector<1x1024xi1> to vector<16x1024xi1>
    %broadcast_in_dim3A_1738 = vector.broadcast %jit3A_1735 : f32 to vector<16x1024xf32>
    %select_n3A_1739 = arith.select %broadcast_in_dim3A_1737, %get3A_57, %broadcast_in_dim3A_1738 : vector<16x1024xi1>, vector<16x1024xf32>
    %add3A_1740 = arith.addf %add3A_1731, %select_n3A_1739 : vector<16x1024xf32>
    %eq3A_1741 = arith.constant 4 : i32
    %eq3A_1742 = vector.broadcast %eq3A_1741 : i32 to vector<1x1024xi32>
    %eq3A_1743 = arith.cmpi eq, %slice3A_1702, %eq3A_1742 : vector<1x1024xi32>
    %jit3A_1744 = arith.constant 0.000000e+00 : f32
    %broadcast_in_dim3A_1745 = vector.shape_cast %eq3A_1743 : vector<1x1024xi1> to vector<1x1024xi1>
    %broadcast_in_dim3A_1746 = vector.broadcast %broadcast_in_dim3A_1745 : vector<1x1024xi1> to vector<16x1024xi1>
    %broadcast_in_dim3A_1747 = vector.broadcast %jit3A_1744 : f32 to vector<16x1024xf32>
    %select_n3A_1748 = arith.select %broadcast_in_dim3A_1746, %get3A_63, %broadcast_in_dim3A_1747 : vector<16x1024xi1>, vector<16x1024xf32>
    %add3A_1749 = arith.addf %add3A_1740, %select_n3A_1748 : vector<16x1024xf32>
    %eq3A_1750 = arith.constant 5 : i32
    %eq3A_1751 = vector.broadcast %eq3A_1750 : i32 to vector<1x1024xi32>
    %eq3A_1752 = arith.cmpi eq, %slice3A_1702, %eq3A_1751 : vector<1x1024xi32>
    %jit3A_1753 = arith.constant 0.000000e+00 : f32
    %broadcast_in_dim3A_1754 = vector.shape_cast %eq3A_1752 : vector<1x1024xi1> to vector<1x1024xi1>
    %broadcast_in_dim3A_1755 = vector.broadcast %broadcast_in_dim3A_1754 : vector<1x1024xi1> to vector<16x1024xi1>
    %broadcast_in_dim3A_1756 = vector.broadcast %jit3A_1753 : f32 to vector<16x1024xf32>
    %select_n3A_1757 = arith.select %broadcast_in_dim3A_1755, %get3A_69, %broadcast_in_dim3A_1756 : vector<16x1024xi1>, vector<16x1024xf32>
    %add3A_1758 = arith.addf %add3A_1749, %select_n3A_1757 : vector<16x1024xf32>
    %eq3A_1759 = arith.constant 6 : i32
    %eq3A_1760 = vector.broadcast %eq3A_1759 : i32 to vector<1x1024xi32>
    %eq3A_1761 = arith.cmpi eq, %slice3A_1702, %eq3A_1760 : vector<1x1024xi32>
    %jit3A_1762 = arith.constant 0.000000e+00 : f32
    %broadcast_in_dim3A_1763 = vector.shape_cast %eq3A_1761 : vector<1x1024xi1> to vector<1x1024xi1>
    %broadcast_in_dim3A_1764 = vector.broadcast %broadcast_in_dim3A_1763 : vector<1x1024xi1> to vector<16x1024xi1>
    %broadcast_in_dim3A_1765 = vector.broadcast %jit3A_1762 : f32 to vector<16x1024xf32>
    %select_n3A_1766 = arith.select %broadcast_in_dim3A_1764, %get3A_75, %broadcast_in_dim3A_1765 : vector<16x1024xi1>, vector<16x1024xf32>
    %add3A_1767 = arith.addf %add3A_1758, %select_n3A_1766 : vector<16x1024xf32>
    %eq3A_1768 = arith.constant 7 : i32
    %eq3A_1769 = vector.broadcast %eq3A_1768 : i32 to vector<1x1024xi32>
    %eq3A_1770 = arith.cmpi eq, %slice3A_1702, %eq3A_1769 : vector<1x1024xi32>
    %jit3A_1771 = arith.constant 0.000000e+00 : f32
    %broadcast_in_dim3A_1772 = vector.shape_cast %eq3A_1770 : vector<1x1024xi1> to vector<1x1024xi1>
    %broadcast_in_dim3A_1773 = vector.broadcast %broadcast_in_dim3A_1772 : vector<1x1024xi1> to vector<16x1024xi1>
    %broadcast_in_dim3A_1774 = vector.broadcast %jit3A_1771 : f32 to vector<16x1024xf32>
    %select_n3A_1775 = arith.select %broadcast_in_dim3A_1773, %get3A_81, %broadcast_in_dim3A_1774 : vector<16x1024xi1>, vector<16x1024xf32>
    %add3A_1776 = arith.addf %add3A_1767, %select_n3A_1775 : vector<16x1024xf32>
    %eq3A_1777 = arith.constant 8 : i32
    %eq3A_1778 = vector.broadcast %eq3A_1777 : i32 to vector<1x1024xi32>
    %eq3A_1779 = arith.cmpi eq, %slice3A_1702, %eq3A_1778 : vector<1x1024xi32>
    %jit3A_1780 = arith.constant 0.000000e+00 : f32
    %broadcast_in_dim3A_1781 = vector.shape_cast %eq3A_1779 : vector<1x1024xi1> to vector<1x1024xi1>
    %broadcast_in_dim3A_1782 = vector.broadcast %broadcast_in_dim3A_1781 : vector<1x1024xi1> to vector<16x1024xi1>
    %broadcast_in_dim3A_1783 = vector.broadcast %jit3A_1780 : f32 to vector<16x1024xf32>
    %select_n3A_1784 = arith.select %broadcast_in_dim3A_1782, %get3A_87, %broadcast_in_dim3A_1783 : vector<16x1024xi1>, vector<16x1024xf32>
    %add3A_1785 = arith.addf %add3A_1776, %select_n3A_1784 : vector<16x1024xf32>
    %eq3A_1786 = arith.constant 9 : i32
    %eq3A_1787 = vector.broadcast %eq3A_1786 : i32 to vector<1x1024xi32>
    %eq3A_1788 = arith.cmpi eq, %slice3A_1702, %eq3A_1787 : vector<1x1024xi32>
    %jit3A_1789 = arith.constant 0.000000e+00 : f32
    %broadcast_in_dim3A_1790 = vector.shape_cast %eq3A_1788 : vector<1x1024xi1> to vector<1x1024xi1>
    %broadcast_in_dim3A_1791 = vector.broadcast %broadcast_in_dim3A_1790 : vector<1x1024xi1> to vector<16x1024xi1>
    %broadcast_in_dim3A_1792 = vector.broadcast %jit3A_1789 : f32 to vector<16x1024xf32>
    %select_n3A_1793 = arith.select %broadcast_in_dim3A_1791, %get3A_93, %broadcast_in_dim3A_1792 : vector<16x1024xi1>, vector<16x1024xf32>
    %add3A_1794 = arith.addf %add3A_1785, %select_n3A_1793 : vector<16x1024xf32>
    %eq3A_1795 = arith.constant 10 : i32
    %eq3A_1796 = vector.broadcast %eq3A_1795 : i32 to vector<1x1024xi32>
    %eq3A_1797 = arith.cmpi eq, %slice3A_1702, %eq3A_1796 : vector<1x1024xi32>
    %jit3A_1798 = arith.constant 0.000000e+00 : f32
    %broadcast_in_dim3A_1799 = vector.shape_cast %eq3A_1797 : vector<1x1024xi1> to vector<1x1024xi1>
    %broadcast_in_dim3A_1800 = vector.broadcast %broadcast_in_dim3A_1799 : vector<1x1024xi1> to vector<16x1024xi1>
    %broadcast_in_dim3A_1801 = vector.broadcast %jit3A_1798 : f32 to vector<16x1024xf32>
    %select_n3A_1802 = arith.select %broadcast_in_dim3A_1800, %get3A_99, %broadcast_in_dim3A_1801 : vector<16x1024xi1>, vector<16x1024xf32>
    %add3A_1803 = arith.addf %add3A_1794, %select_n3A_1802 : vector<16x1024xf32>
    %eq3A_1804 = arith.constant 11 : i32
    %eq3A_1805 = vector.broadcast %eq3A_1804 : i32 to vector<1x1024xi32>
    %eq3A_1806 = arith.cmpi eq, %slice3A_1702, %eq3A_1805 : vector<1x1024xi32>
    %jit3A_1807 = arith.constant 0.000000e+00 : f32
    %broadcast_in_dim3A_1808 = vector.shape_cast %eq3A_1806 : vector<1x1024xi1> to vector<1x1024xi1>
    %broadcast_in_dim3A_1809 = vector.broadcast %broadcast_in_dim3A_1808 : vector<1x1024xi1> to vector<16x1024xi1>
    %broadcast_in_dim3A_1810 = vector.broadcast %jit3A_1807 : f32 to vector<16x1024xf32>
    %select_n3A_1811 = arith.select %broadcast_in_dim3A_1809, %get3A_105, %broadcast_in_dim3A_1810 : vector<16x1024xi1>, vector<16x1024xf32>
    %add3A_1812 = arith.addf %add3A_1803, %select_n3A_1811 : vector<16x1024xf32>
    %eq3A_1813 = arith.constant 12 : i32
    %eq3A_1814 = vector.broadcast %eq3A_1813 : i32 to vector<1x1024xi32>
    %eq3A_1815 = arith.cmpi eq, %slice3A_1702, %eq3A_1814 : vector<1x1024xi32>
    %jit3A_1816 = arith.constant 0.000000e+00 : f32
    %broadcast_in_dim3A_1817 = vector.shape_cast %eq3A_1815 : vector<1x1024xi1> to vector<1x1024xi1>
    %broadcast_in_dim3A_1818 = vector.broadcast %broadcast_in_dim3A_1817 : vector<1x1024xi1> to vector<16x1024xi1>
    %broadcast_in_dim3A_1819 = vector.broadcast %jit3A_1816 : f32 to vector<16x1024xf32>
    %select_n3A_1820 = arith.select %broadcast_in_dim3A_1818, %get3A_111, %broadcast_in_dim3A_1819 : vector<16x1024xi1>, vector<16x1024xf32>
    %add3A_1821 = arith.addf %add3A_1812, %select_n3A_1820 : vector<16x1024xf32>
    %eq3A_1822 = arith.constant 13 : i32
    %eq3A_1823 = vector.broadcast %eq3A_1822 : i32 to vector<1x1024xi32>
    %eq3A_1824 = arith.cmpi eq, %slice3A_1702, %eq3A_1823 : vector<1x1024xi32>
    %jit3A_1825 = arith.constant 0.000000e+00 : f32
    %broadcast_in_dim3A_1826 = vector.shape_cast %eq3A_1824 : vector<1x1024xi1> to vector<1x1024xi1>
    %broadcast_in_dim3A_1827 = vector.broadcast %broadcast_in_dim3A_1826 : vector<1x1024xi1> to vector<16x1024xi1>
    %broadcast_in_dim3A_1828 = vector.broadcast %jit3A_1825 : f32 to vector<16x1024xf32>
    %select_n3A_1829 = arith.select %broadcast_in_dim3A_1827, %get3A_117, %broadcast_in_dim3A_1828 : vector<16x1024xi1>, vector<16x1024xf32>
    %add3A_1830 = arith.addf %add3A_1821, %select_n3A_1829 : vector<16x1024xf32>
    %eq3A_1831 = arith.constant 14 : i32
    %eq3A_1832 = vector.broadcast %eq3A_1831 : i32 to vector<1x1024xi32>
    %eq3A_1833 = arith.cmpi eq, %slice3A_1702, %eq3A_1832 : vector<1x1024xi32>
    %jit3A_1834 = arith.constant 0.000000e+00 : f32
    %broadcast_in_dim3A_1835 = vector.shape_cast %eq3A_1833 : vector<1x1024xi1> to vector<1x1024xi1>
    %broadcast_in_dim3A_1836 = vector.broadcast %broadcast_in_dim3A_1835 : vector<1x1024xi1> to vector<16x1024xi1>
    %broadcast_in_dim3A_1837 = vector.broadcast %jit3A_1834 : f32 to vector<16x1024xf32>
    %select_n3A_1838 = arith.select %broadcast_in_dim3A_1836, %get3A_123, %broadcast_in_dim3A_1837 : vector<16x1024xi1>, vector<16x1024xf32>
    %add3A_1839 = arith.addf %add3A_1830, %select_n3A_1838 : vector<16x1024xf32>
    %eq3A_1840 = arith.constant 15 : i32
    %eq3A_1841 = vector.broadcast %eq3A_1840 : i32 to vector<1x1024xi32>
    %eq3A_1842 = arith.cmpi eq, %slice3A_1702, %eq3A_1841 : vector<1x1024xi32>
    %jit3A_1843 = arith.constant 0.000000e+00 : f32
    %broadcast_in_dim3A_1844 = vector.shape_cast %eq3A_1842 : vector<1x1024xi1> to vector<1x1024xi1>
    %broadcast_in_dim3A_1845 = vector.broadcast %broadcast_in_dim3A_1844 : vector<1x1024xi1> to vector<16x1024xi1>
    %broadcast_in_dim3A_1846 = vector.broadcast %jit3A_1843 : f32 to vector<16x1024xf32>
    %select_n3A_1847 = arith.select %broadcast_in_dim3A_1845, %get3A_129, %broadcast_in_dim3A_1846 : vector<16x1024xi1>, vector<16x1024xf32>
    %add3A_1848 = arith.addf %add3A_1839, %select_n3A_1847 : vector<16x1024xf32>
    %jit3A_1849 = arith.constant 0.000000e+00 : f32
    %broadcast_in_dim3A_1850 = vector.broadcast %jit3A_1849 : f32 to vector<16x1024xf32>
    %select_n3A_1851 = arith.select %eq3A_1701, %add3A_1848, %broadcast_in_dim3A_1850 : vector<16x1024xi1>, vector<16x1024xf32>
    %reduce_sum3A_1852 = vector.shape_cast %select_n3A_1851 : vector<16x1024xf32> to vector<1x16x1024xf32>
    %reduce_sum3A_1853 = arith.constant dense<0.000000e+00> : vector<1xf32>
    %reduce_sum3A_1854 = vector.multi_reduction <add>, %reduce_sum3A_1852, %reduce_sum3A_1853 [1, 2] : vector<1x16x1024xf32> to vector<1xf32>
    %reduce_sum3A_1855 = vector.shape_cast %reduce_sum3A_1854 : vector<1xf32> to vector<1x1x1xf32>
    %reduce_sum3A_1856 = vector.extract %reduce_sum3A_1855[0, 0, 0] : f32 from vector<1x1x1xf32>
    %add3A_1857 = arith.addf %add3A_1648, %reduce_sum3A_1856 : f32
    %jit3A_1858 = arith.constant 0 : i32
    %broadcast_in_dim3A_1859 = vector.broadcast %jit3A_1858 : i32 to vector<16x1024xi32>
    %select_n3A_1860 = arith.select %eq3A_1701, %select_n3A_201, %broadcast_in_dim3A_1859 : vector<16x1024xi1>, vector<16x1024xi32>
    %reduce_sum3A_1861 = arith.constant dense<0> : vector<1024xi32>
    %reduce_sum3A_1862 = vector.multi_reduction <add>, %select_n3A_1860, %reduce_sum3A_1861 [0] : vector<16x1024xi32> to vector<1024xi32>
    %broadcast_in_dim3A_1863 = vector.shape_cast %reduce_sum3A_1862 : vector<1024xi32> to vector<1x1024xi32>
    %eq3A_1864 = arith.cmpi eq, %broadcast_in_dim3A_1863, %slice3A_1702 : vector<1x1024xi32>
    %convert_element_type3A_1865 = arith.extui %eq3A_1864 : vector<1x1024xi1> to vector<1x1024xi32>
    %convert_element_type3A_1866 = arith.sitofp %convert_element_type3A_1865 : vector<1x1024xi32> to vector<1x1024xf32>
    %reduce_sum3A_1867 = vector.shape_cast %convert_element_type3A_1866 : vector<1x1024xf32> to vector<1x1x1024xf32>
    %reduce_sum3A_1868 = arith.constant dense<0.000000e+00> : vector<1xf32>
    %reduce_sum3A_1869 = vector.multi_reduction <add>, %reduce_sum3A_1867, %reduce_sum3A_1868 [1, 2] : vector<1x1x1024xf32> to vector<1xf32>
    %reduce_sum3A_1870 = vector.shape_cast %reduce_sum3A_1869 : vector<1xf32> to vector<1x1x1xf32>
    %reduce_sum3A_1871 = vector.extract %reduce_sum3A_1870[0, 0, 0] : f32 from vector<1x1x1xf32>
    %add3A_1872 = arith.addf %add3A_1663, %reduce_sum3A_1871 : f32
    %slice3A_1873 = vector.extract_strided_slice %get3A_18 {offsets = [8, 0], sizes = [1, 1024], strides = [1, 1]} : vector<10x1024xf32> to vector<1x1024xf32>
    %sub3A_1874 = vector.broadcast %slice3A_1873 : vector<1x1024xf32> to vector<16x1024xf32>
    %sub3A_1875 = arith.subf %get3A_3, %sub3A_1874 : vector<16x1024xf32>
    %integer_pow3A_1876 = arith.mulf %sub3A_1875, %sub3A_1875 : vector<16x1024xf32>
    %slice3A_1877 = vector.extract_strided_slice %get3A_23 {offsets = [8, 0], sizes = [1, 1024], strides = [1, 1]} : vector<10x1024xf32> to vector<1x1024xf32>
    %sub3A_1878 = vector.broadcast %slice3A_1877 : vector<1x1024xf32> to vector<16x1024xf32>
    %sub3A_1879 = arith.subf %get3A_8, %sub3A_1878 : vector<16x1024xf32>
    %integer_pow3A_1880 = arith.mulf %sub3A_1879, %sub3A_1879 : vector<16x1024xf32>
    %add3A_1881 = arith.addf %integer_pow3A_1876, %integer_pow3A_1880 : vector<16x1024xf32>
    %slice3A_1882 = vector.extract_strided_slice %get3A_28 {offsets = [8, 0], sizes = [1, 1024], strides = [1, 1]} : vector<10x1024xf32> to vector<1x1024xf32>
    %sub3A_1883 = vector.broadcast %slice3A_1882 : vector<1x1024xf32> to vector<16x1024xf32>
    %sub3A_1884 = arith.subf %get3A_13, %sub3A_1883 : vector<16x1024xf32>
    %integer_pow3A_1885 = arith.mulf %sub3A_1884, %sub3A_1884 : vector<16x1024xf32>
    %add3A_1886 = arith.addf %add3A_1881, %integer_pow3A_1885 : vector<16x1024xf32>
    %lt3A_1887 = arith.cmpf olt, %add3A_1886, %select_n3A_1682 : vector<16x1024xf32>
    %jit3A_1888 = arith.constant 8 : i32
    %broadcast_in_dim3A_1889 = vector.broadcast %jit3A_1888 : i32 to vector<16x1024xi32>
    %select_n3A_1890 = arith.select %lt3A_1887, %broadcast_in_dim3A_1889, %select_n3A_1681 : vector<16x1024xi1>, vector<16x1024xi32>
    %select_n3A_1891 = arith.select %lt3A_1887, %add3A_1886, %select_n3A_1682 : vector<16x1024xi1>, vector<16x1024xf32>
    %reduce_min3A_1892 = arith.constant dense<0x7F800000> : vector<1024xf32>
    %reduce_min3A_1893 = vector.multi_reduction <minimumf>, %add3A_1886, %reduce_min3A_1892 [0] : vector<16x1024xf32> to vector<1024xf32>
    %broadcast_in_dim3A_1894 = vector.shape_cast %reduce_min3A_1893 : vector<1024xf32> to vector<1x1024xf32>
    %reduce_sum3A_1895 = vector.shape_cast %broadcast_in_dim3A_1894 : vector<1x1024xf32> to vector<1x1x1024xf32>
    %reduce_sum3A_1896 = arith.constant dense<0.000000e+00> : vector<1xf32>
    %reduce_sum3A_1897 = vector.multi_reduction <add>, %reduce_sum3A_1895, %reduce_sum3A_1896 [1, 2] : vector<1x1x1024xf32> to vector<1xf32>
    %reduce_sum3A_1898 = vector.shape_cast %reduce_sum3A_1897 : vector<1xf32> to vector<1x1x1xf32>
    %reduce_sum3A_1899 = vector.extract %reduce_sum3A_1898[0, 0, 0] : f32 from vector<1x1x1xf32>
    %add3A_1900 = arith.addf %add3A_1691, %reduce_sum3A_1899 : f32
    %eq3A_1901 = vector.broadcast %broadcast_in_dim3A_1894 : vector<1x1024xf32> to vector<16x1024xf32>
    %eq3A_1902 = arith.cmpf oeq, %add3A_1886, %eq3A_1901 : vector<16x1024xf32>
    %jit3A_1903 = arith.constant 16 : i32
    %broadcast_in_dim3A_1904 = vector.broadcast %jit3A_1903 : i32 to vector<16x1024xi32>
    %select_n3A_1905 = arith.select %eq3A_1902, %iota3A, %broadcast_in_dim3A_1904 : vector<16x1024xi1>, vector<16x1024xi32>
    %reduce_min3A_1906 = arith.constant dense<2147483647> : vector<1024xi32>
    %reduce_min3A_1907 = vector.multi_reduction <minsi>, %select_n3A_1905, %reduce_min3A_1906 [0] : vector<16x1024xi32> to vector<1024xi32>
    %broadcast_in_dim3A_1908 = vector.shape_cast %reduce_min3A_1907 : vector<1024xi32> to vector<1x1024xi32>
    %eq3A_1909 = vector.broadcast %broadcast_in_dim3A_1908 : vector<1x1024xi32> to vector<16x1024xi32>
    %eq3A_1910 = arith.cmpi eq, %iota3A, %eq3A_1909 : vector<16x1024xi32>
    %slice3A_1911 = vector.extract_strided_slice %convert_element_type3A {offsets = [8, 0], sizes = [1, 1024], strides = [1, 1]} : vector<10x1024xi32> to vector<1x1024xi32>
    %broadcast_in_dim3A_1912 = arith.constant 0.000000e+00 : f32
    %broadcast_in_dim3A_1913 = vector.broadcast %broadcast_in_dim3A_1912 : f32 to vector<16x1024xf32>
    %eq3A_1914 = arith.constant 0 : i32
    %eq3A_1915 = vector.broadcast %eq3A_1914 : i32 to vector<1x1024xi32>
    %eq3A_1916 = arith.cmpi eq, %slice3A_1911, %eq3A_1915 : vector<1x1024xi32>
    %jit3A_1917 = arith.constant 0.000000e+00 : f32
    %broadcast_in_dim3A_1918 = vector.shape_cast %eq3A_1916 : vector<1x1024xi1> to vector<1x1024xi1>
    %broadcast_in_dim3A_1919 = vector.broadcast %broadcast_in_dim3A_1918 : vector<1x1024xi1> to vector<16x1024xi1>
    %broadcast_in_dim3A_1920 = vector.broadcast %jit3A_1917 : f32 to vector<16x1024xf32>
    %select_n3A_1921 = arith.select %broadcast_in_dim3A_1919, %get3A_39, %broadcast_in_dim3A_1920 : vector<16x1024xi1>, vector<16x1024xf32>
    %add3A_1922 = arith.addf %broadcast_in_dim3A_1913, %select_n3A_1921 : vector<16x1024xf32>
    %eq3A_1923 = arith.constant 1 : i32
    %eq3A_1924 = vector.broadcast %eq3A_1923 : i32 to vector<1x1024xi32>
    %eq3A_1925 = arith.cmpi eq, %slice3A_1911, %eq3A_1924 : vector<1x1024xi32>
    %jit3A_1926 = arith.constant 0.000000e+00 : f32
    %broadcast_in_dim3A_1927 = vector.shape_cast %eq3A_1925 : vector<1x1024xi1> to vector<1x1024xi1>
    %broadcast_in_dim3A_1928 = vector.broadcast %broadcast_in_dim3A_1927 : vector<1x1024xi1> to vector<16x1024xi1>
    %broadcast_in_dim3A_1929 = vector.broadcast %jit3A_1926 : f32 to vector<16x1024xf32>
    %select_n3A_1930 = arith.select %broadcast_in_dim3A_1928, %get3A_45, %broadcast_in_dim3A_1929 : vector<16x1024xi1>, vector<16x1024xf32>
    %add3A_1931 = arith.addf %add3A_1922, %select_n3A_1930 : vector<16x1024xf32>
    %eq3A_1932 = arith.constant 2 : i32
    %eq3A_1933 = vector.broadcast %eq3A_1932 : i32 to vector<1x1024xi32>
    %eq3A_1934 = arith.cmpi eq, %slice3A_1911, %eq3A_1933 : vector<1x1024xi32>
    %jit3A_1935 = arith.constant 0.000000e+00 : f32
    %broadcast_in_dim3A_1936 = vector.shape_cast %eq3A_1934 : vector<1x1024xi1> to vector<1x1024xi1>
    %broadcast_in_dim3A_1937 = vector.broadcast %broadcast_in_dim3A_1936 : vector<1x1024xi1> to vector<16x1024xi1>
    %broadcast_in_dim3A_1938 = vector.broadcast %jit3A_1935 : f32 to vector<16x1024xf32>
    %select_n3A_1939 = arith.select %broadcast_in_dim3A_1937, %get3A_51, %broadcast_in_dim3A_1938 : vector<16x1024xi1>, vector<16x1024xf32>
    %add3A_1940 = arith.addf %add3A_1931, %select_n3A_1939 : vector<16x1024xf32>
    %eq3A_1941 = arith.constant 3 : i32
    %eq3A_1942 = vector.broadcast %eq3A_1941 : i32 to vector<1x1024xi32>
    %eq3A_1943 = arith.cmpi eq, %slice3A_1911, %eq3A_1942 : vector<1x1024xi32>
    %jit3A_1944 = arith.constant 0.000000e+00 : f32
    %broadcast_in_dim3A_1945 = vector.shape_cast %eq3A_1943 : vector<1x1024xi1> to vector<1x1024xi1>
    %broadcast_in_dim3A_1946 = vector.broadcast %broadcast_in_dim3A_1945 : vector<1x1024xi1> to vector<16x1024xi1>
    %broadcast_in_dim3A_1947 = vector.broadcast %jit3A_1944 : f32 to vector<16x1024xf32>
    %select_n3A_1948 = arith.select %broadcast_in_dim3A_1946, %get3A_57, %broadcast_in_dim3A_1947 : vector<16x1024xi1>, vector<16x1024xf32>
    %add3A_1949 = arith.addf %add3A_1940, %select_n3A_1948 : vector<16x1024xf32>
    %eq3A_1950 = arith.constant 4 : i32
    %eq3A_1951 = vector.broadcast %eq3A_1950 : i32 to vector<1x1024xi32>
    %eq3A_1952 = arith.cmpi eq, %slice3A_1911, %eq3A_1951 : vector<1x1024xi32>
    %jit3A_1953 = arith.constant 0.000000e+00 : f32
    %broadcast_in_dim3A_1954 = vector.shape_cast %eq3A_1952 : vector<1x1024xi1> to vector<1x1024xi1>
    %broadcast_in_dim3A_1955 = vector.broadcast %broadcast_in_dim3A_1954 : vector<1x1024xi1> to vector<16x1024xi1>
    %broadcast_in_dim3A_1956 = vector.broadcast %jit3A_1953 : f32 to vector<16x1024xf32>
    %select_n3A_1957 = arith.select %broadcast_in_dim3A_1955, %get3A_63, %broadcast_in_dim3A_1956 : vector<16x1024xi1>, vector<16x1024xf32>
    %add3A_1958 = arith.addf %add3A_1949, %select_n3A_1957 : vector<16x1024xf32>
    %eq3A_1959 = arith.constant 5 : i32
    %eq3A_1960 = vector.broadcast %eq3A_1959 : i32 to vector<1x1024xi32>
    %eq3A_1961 = arith.cmpi eq, %slice3A_1911, %eq3A_1960 : vector<1x1024xi32>
    %jit3A_1962 = arith.constant 0.000000e+00 : f32
    %broadcast_in_dim3A_1963 = vector.shape_cast %eq3A_1961 : vector<1x1024xi1> to vector<1x1024xi1>
    %broadcast_in_dim3A_1964 = vector.broadcast %broadcast_in_dim3A_1963 : vector<1x1024xi1> to vector<16x1024xi1>
    %broadcast_in_dim3A_1965 = vector.broadcast %jit3A_1962 : f32 to vector<16x1024xf32>
    %select_n3A_1966 = arith.select %broadcast_in_dim3A_1964, %get3A_69, %broadcast_in_dim3A_1965 : vector<16x1024xi1>, vector<16x1024xf32>
    %add3A_1967 = arith.addf %add3A_1958, %select_n3A_1966 : vector<16x1024xf32>
    %eq3A_1968 = arith.constant 6 : i32
    %eq3A_1969 = vector.broadcast %eq3A_1968 : i32 to vector<1x1024xi32>
    %eq3A_1970 = arith.cmpi eq, %slice3A_1911, %eq3A_1969 : vector<1x1024xi32>
    %jit3A_1971 = arith.constant 0.000000e+00 : f32
    %broadcast_in_dim3A_1972 = vector.shape_cast %eq3A_1970 : vector<1x1024xi1> to vector<1x1024xi1>
    %broadcast_in_dim3A_1973 = vector.broadcast %broadcast_in_dim3A_1972 : vector<1x1024xi1> to vector<16x1024xi1>
    %broadcast_in_dim3A_1974 = vector.broadcast %jit3A_1971 : f32 to vector<16x1024xf32>
    %select_n3A_1975 = arith.select %broadcast_in_dim3A_1973, %get3A_75, %broadcast_in_dim3A_1974 : vector<16x1024xi1>, vector<16x1024xf32>
    %add3A_1976 = arith.addf %add3A_1967, %select_n3A_1975 : vector<16x1024xf32>
    %eq3A_1977 = arith.constant 7 : i32
    %eq3A_1978 = vector.broadcast %eq3A_1977 : i32 to vector<1x1024xi32>
    %eq3A_1979 = arith.cmpi eq, %slice3A_1911, %eq3A_1978 : vector<1x1024xi32>
    %jit3A_1980 = arith.constant 0.000000e+00 : f32
    %broadcast_in_dim3A_1981 = vector.shape_cast %eq3A_1979 : vector<1x1024xi1> to vector<1x1024xi1>
    %broadcast_in_dim3A_1982 = vector.broadcast %broadcast_in_dim3A_1981 : vector<1x1024xi1> to vector<16x1024xi1>
    %broadcast_in_dim3A_1983 = vector.broadcast %jit3A_1980 : f32 to vector<16x1024xf32>
    %select_n3A_1984 = arith.select %broadcast_in_dim3A_1982, %get3A_81, %broadcast_in_dim3A_1983 : vector<16x1024xi1>, vector<16x1024xf32>
    %add3A_1985 = arith.addf %add3A_1976, %select_n3A_1984 : vector<16x1024xf32>
    %eq3A_1986 = arith.constant 8 : i32
    %eq3A_1987 = vector.broadcast %eq3A_1986 : i32 to vector<1x1024xi32>
    %eq3A_1988 = arith.cmpi eq, %slice3A_1911, %eq3A_1987 : vector<1x1024xi32>
    %jit3A_1989 = arith.constant 0.000000e+00 : f32
    %broadcast_in_dim3A_1990 = vector.shape_cast %eq3A_1988 : vector<1x1024xi1> to vector<1x1024xi1>
    %broadcast_in_dim3A_1991 = vector.broadcast %broadcast_in_dim3A_1990 : vector<1x1024xi1> to vector<16x1024xi1>
    %broadcast_in_dim3A_1992 = vector.broadcast %jit3A_1989 : f32 to vector<16x1024xf32>
    %select_n3A_1993 = arith.select %broadcast_in_dim3A_1991, %get3A_87, %broadcast_in_dim3A_1992 : vector<16x1024xi1>, vector<16x1024xf32>
    %add3A_1994 = arith.addf %add3A_1985, %select_n3A_1993 : vector<16x1024xf32>
    %eq3A_1995 = arith.constant 9 : i32
    %eq3A_1996 = vector.broadcast %eq3A_1995 : i32 to vector<1x1024xi32>
    %eq3A_1997 = arith.cmpi eq, %slice3A_1911, %eq3A_1996 : vector<1x1024xi32>
    %jit3A_1998 = arith.constant 0.000000e+00 : f32
    %broadcast_in_dim3A_1999 = vector.shape_cast %eq3A_1997 : vector<1x1024xi1> to vector<1x1024xi1>
    %broadcast_in_dim3A_2000 = vector.broadcast %broadcast_in_dim3A_1999 : vector<1x1024xi1> to vector<16x1024xi1>
    %broadcast_in_dim3A_2001 = vector.broadcast %jit3A_1998 : f32 to vector<16x1024xf32>
    %select_n3A_2002 = arith.select %broadcast_in_dim3A_2000, %get3A_93, %broadcast_in_dim3A_2001 : vector<16x1024xi1>, vector<16x1024xf32>
    %add3A_2003 = arith.addf %add3A_1994, %select_n3A_2002 : vector<16x1024xf32>
    %eq3A_2004 = arith.constant 10 : i32
    %eq3A_2005 = vector.broadcast %eq3A_2004 : i32 to vector<1x1024xi32>
    %eq3A_2006 = arith.cmpi eq, %slice3A_1911, %eq3A_2005 : vector<1x1024xi32>
    %jit3A_2007 = arith.constant 0.000000e+00 : f32
    %broadcast_in_dim3A_2008 = vector.shape_cast %eq3A_2006 : vector<1x1024xi1> to vector<1x1024xi1>
    %broadcast_in_dim3A_2009 = vector.broadcast %broadcast_in_dim3A_2008 : vector<1x1024xi1> to vector<16x1024xi1>
    %broadcast_in_dim3A_2010 = vector.broadcast %jit3A_2007 : f32 to vector<16x1024xf32>
    %select_n3A_2011 = arith.select %broadcast_in_dim3A_2009, %get3A_99, %broadcast_in_dim3A_2010 : vector<16x1024xi1>, vector<16x1024xf32>
    %add3A_2012 = arith.addf %add3A_2003, %select_n3A_2011 : vector<16x1024xf32>
    %eq3A_2013 = arith.constant 11 : i32
    %eq3A_2014 = vector.broadcast %eq3A_2013 : i32 to vector<1x1024xi32>
    %eq3A_2015 = arith.cmpi eq, %slice3A_1911, %eq3A_2014 : vector<1x1024xi32>
    %jit3A_2016 = arith.constant 0.000000e+00 : f32
    %broadcast_in_dim3A_2017 = vector.shape_cast %eq3A_2015 : vector<1x1024xi1> to vector<1x1024xi1>
    %broadcast_in_dim3A_2018 = vector.broadcast %broadcast_in_dim3A_2017 : vector<1x1024xi1> to vector<16x1024xi1>
    %broadcast_in_dim3A_2019 = vector.broadcast %jit3A_2016 : f32 to vector<16x1024xf32>
    %select_n3A_2020 = arith.select %broadcast_in_dim3A_2018, %get3A_105, %broadcast_in_dim3A_2019 : vector<16x1024xi1>, vector<16x1024xf32>
    %add3A_2021 = arith.addf %add3A_2012, %select_n3A_2020 : vector<16x1024xf32>
    %eq3A_2022 = arith.constant 12 : i32
    %eq3A_2023 = vector.broadcast %eq3A_2022 : i32 to vector<1x1024xi32>
    %eq3A_2024 = arith.cmpi eq, %slice3A_1911, %eq3A_2023 : vector<1x1024xi32>
    %jit3A_2025 = arith.constant 0.000000e+00 : f32
    %broadcast_in_dim3A_2026 = vector.shape_cast %eq3A_2024 : vector<1x1024xi1> to vector<1x1024xi1>
    %broadcast_in_dim3A_2027 = vector.broadcast %broadcast_in_dim3A_2026 : vector<1x1024xi1> to vector<16x1024xi1>
    %broadcast_in_dim3A_2028 = vector.broadcast %jit3A_2025 : f32 to vector<16x1024xf32>
    %select_n3A_2029 = arith.select %broadcast_in_dim3A_2027, %get3A_111, %broadcast_in_dim3A_2028 : vector<16x1024xi1>, vector<16x1024xf32>
    %add3A_2030 = arith.addf %add3A_2021, %select_n3A_2029 : vector<16x1024xf32>
    %eq3A_2031 = arith.constant 13 : i32
    %eq3A_2032 = vector.broadcast %eq3A_2031 : i32 to vector<1x1024xi32>
    %eq3A_2033 = arith.cmpi eq, %slice3A_1911, %eq3A_2032 : vector<1x1024xi32>
    %jit3A_2034 = arith.constant 0.000000e+00 : f32
    %broadcast_in_dim3A_2035 = vector.shape_cast %eq3A_2033 : vector<1x1024xi1> to vector<1x1024xi1>
    %broadcast_in_dim3A_2036 = vector.broadcast %broadcast_in_dim3A_2035 : vector<1x1024xi1> to vector<16x1024xi1>
    %broadcast_in_dim3A_2037 = vector.broadcast %jit3A_2034 : f32 to vector<16x1024xf32>
    %select_n3A_2038 = arith.select %broadcast_in_dim3A_2036, %get3A_117, %broadcast_in_dim3A_2037 : vector<16x1024xi1>, vector<16x1024xf32>
    %add3A_2039 = arith.addf %add3A_2030, %select_n3A_2038 : vector<16x1024xf32>
    %eq3A_2040 = arith.constant 14 : i32
    %eq3A_2041 = vector.broadcast %eq3A_2040 : i32 to vector<1x1024xi32>
    %eq3A_2042 = arith.cmpi eq, %slice3A_1911, %eq3A_2041 : vector<1x1024xi32>
    %jit3A_2043 = arith.constant 0.000000e+00 : f32
    %broadcast_in_dim3A_2044 = vector.shape_cast %eq3A_2042 : vector<1x1024xi1> to vector<1x1024xi1>
    %broadcast_in_dim3A_2045 = vector.broadcast %broadcast_in_dim3A_2044 : vector<1x1024xi1> to vector<16x1024xi1>
    %broadcast_in_dim3A_2046 = vector.broadcast %jit3A_2043 : f32 to vector<16x1024xf32>
    %select_n3A_2047 = arith.select %broadcast_in_dim3A_2045, %get3A_123, %broadcast_in_dim3A_2046 : vector<16x1024xi1>, vector<16x1024xf32>
    %add3A_2048 = arith.addf %add3A_2039, %select_n3A_2047 : vector<16x1024xf32>
    %eq3A_2049 = arith.constant 15 : i32
    %eq3A_2050 = vector.broadcast %eq3A_2049 : i32 to vector<1x1024xi32>
    %eq3A_2051 = arith.cmpi eq, %slice3A_1911, %eq3A_2050 : vector<1x1024xi32>
    %jit3A_2052 = arith.constant 0.000000e+00 : f32
    %broadcast_in_dim3A_2053 = vector.shape_cast %eq3A_2051 : vector<1x1024xi1> to vector<1x1024xi1>
    %broadcast_in_dim3A_2054 = vector.broadcast %broadcast_in_dim3A_2053 : vector<1x1024xi1> to vector<16x1024xi1>
    %broadcast_in_dim3A_2055 = vector.broadcast %jit3A_2052 : f32 to vector<16x1024xf32>
    %select_n3A_2056 = arith.select %broadcast_in_dim3A_2054, %get3A_129, %broadcast_in_dim3A_2055 : vector<16x1024xi1>, vector<16x1024xf32>
    %add3A_2057 = arith.addf %add3A_2048, %select_n3A_2056 : vector<16x1024xf32>
    %jit3A_2058 = arith.constant 0.000000e+00 : f32
    %broadcast_in_dim3A_2059 = vector.broadcast %jit3A_2058 : f32 to vector<16x1024xf32>
    %select_n3A_2060 = arith.select %eq3A_1910, %add3A_2057, %broadcast_in_dim3A_2059 : vector<16x1024xi1>, vector<16x1024xf32>
    %reduce_sum3A_2061 = vector.shape_cast %select_n3A_2060 : vector<16x1024xf32> to vector<1x16x1024xf32>
    %reduce_sum3A_2062 = arith.constant dense<0.000000e+00> : vector<1xf32>
    %reduce_sum3A_2063 = vector.multi_reduction <add>, %reduce_sum3A_2061, %reduce_sum3A_2062 [1, 2] : vector<1x16x1024xf32> to vector<1xf32>
    %reduce_sum3A_2064 = vector.shape_cast %reduce_sum3A_2063 : vector<1xf32> to vector<1x1x1xf32>
    %reduce_sum3A_2065 = vector.extract %reduce_sum3A_2064[0, 0, 0] : f32 from vector<1x1x1xf32>
    %add3A_2066 = arith.addf %add3A_1857, %reduce_sum3A_2065 : f32
    %jit3A_2067 = arith.constant 0 : i32
    %broadcast_in_dim3A_2068 = vector.broadcast %jit3A_2067 : i32 to vector<16x1024xi32>
    %select_n3A_2069 = arith.select %eq3A_1910, %select_n3A_201, %broadcast_in_dim3A_2068 : vector<16x1024xi1>, vector<16x1024xi32>
    %reduce_sum3A_2070 = arith.constant dense<0> : vector<1024xi32>
    %reduce_sum3A_2071 = vector.multi_reduction <add>, %select_n3A_2069, %reduce_sum3A_2070 [0] : vector<16x1024xi32> to vector<1024xi32>
    %broadcast_in_dim3A_2072 = vector.shape_cast %reduce_sum3A_2071 : vector<1024xi32> to vector<1x1024xi32>
    %eq3A_2073 = arith.cmpi eq, %broadcast_in_dim3A_2072, %slice3A_1911 : vector<1x1024xi32>
    %convert_element_type3A_2074 = arith.extui %eq3A_2073 : vector<1x1024xi1> to vector<1x1024xi32>
    %convert_element_type3A_2075 = arith.sitofp %convert_element_type3A_2074 : vector<1x1024xi32> to vector<1x1024xf32>
    %reduce_sum3A_2076 = vector.shape_cast %convert_element_type3A_2075 : vector<1x1024xf32> to vector<1x1x1024xf32>
    %reduce_sum3A_2077 = arith.constant dense<0.000000e+00> : vector<1xf32>
    %reduce_sum3A_2078 = vector.multi_reduction <add>, %reduce_sum3A_2076, %reduce_sum3A_2077 [1, 2] : vector<1x1x1024xf32> to vector<1xf32>
    %reduce_sum3A_2079 = vector.shape_cast %reduce_sum3A_2078 : vector<1xf32> to vector<1x1x1xf32>
    %reduce_sum3A_2080 = vector.extract %reduce_sum3A_2079[0, 0, 0] : f32 from vector<1x1x1xf32>
    %add3A_2081 = arith.addf %add3A_1872, %reduce_sum3A_2080 : f32
    %slice3A_2082 = vector.extract_strided_slice %get3A_18 {offsets = [9, 0], sizes = [1, 1024], strides = [1, 1]} : vector<10x1024xf32> to vector<1x1024xf32>
    %sub3A_2083 = vector.broadcast %slice3A_2082 : vector<1x1024xf32> to vector<16x1024xf32>
    %sub3A_2084 = arith.subf %get3A_3, %sub3A_2083 : vector<16x1024xf32>
    %integer_pow3A_2085 = arith.mulf %sub3A_2084, %sub3A_2084 : vector<16x1024xf32>
    %slice3A_2086 = vector.extract_strided_slice %get3A_23 {offsets = [9, 0], sizes = [1, 1024], strides = [1, 1]} : vector<10x1024xf32> to vector<1x1024xf32>
    %sub3A_2087 = vector.broadcast %slice3A_2086 : vector<1x1024xf32> to vector<16x1024xf32>
    %sub3A_2088 = arith.subf %get3A_8, %sub3A_2087 : vector<16x1024xf32>
    %integer_pow3A_2089 = arith.mulf %sub3A_2088, %sub3A_2088 : vector<16x1024xf32>
    %add3A_2090 = arith.addf %integer_pow3A_2085, %integer_pow3A_2089 : vector<16x1024xf32>
    %slice3A_2091 = vector.extract_strided_slice %get3A_28 {offsets = [9, 0], sizes = [1, 1024], strides = [1, 1]} : vector<10x1024xf32> to vector<1x1024xf32>
    %sub3A_2092 = vector.broadcast %slice3A_2091 : vector<1x1024xf32> to vector<16x1024xf32>
    %sub3A_2093 = arith.subf %get3A_13, %sub3A_2092 : vector<16x1024xf32>
    %integer_pow3A_2094 = arith.mulf %sub3A_2093, %sub3A_2093 : vector<16x1024xf32>
    %add3A_2095 = arith.addf %add3A_2090, %integer_pow3A_2094 : vector<16x1024xf32>
    %lt3A_2096 = arith.cmpf olt, %add3A_2095, %select_n3A_1891 : vector<16x1024xf32>
    %jit3A_2097 = arith.constant 9 : i32
    %broadcast_in_dim3A_2098 = vector.broadcast %jit3A_2097 : i32 to vector<16x1024xi32>
    %select_n3A_2099 = arith.select %lt3A_2096, %broadcast_in_dim3A_2098, %select_n3A_1890 : vector<16x1024xi1>, vector<16x1024xi32>
    %select_n3A_2100 = arith.select %lt3A_2096, %add3A_2095, %select_n3A_1891 : vector<16x1024xi1>, vector<16x1024xf32>
    %reduce_min3A_2101 = arith.constant dense<0x7F800000> : vector<1024xf32>
    %reduce_min3A_2102 = vector.multi_reduction <minimumf>, %add3A_2095, %reduce_min3A_2101 [0] : vector<16x1024xf32> to vector<1024xf32>
    %broadcast_in_dim3A_2103 = vector.shape_cast %reduce_min3A_2102 : vector<1024xf32> to vector<1x1024xf32>
    %reduce_sum3A_2104 = vector.shape_cast %broadcast_in_dim3A_2103 : vector<1x1024xf32> to vector<1x1x1024xf32>
    %reduce_sum3A_2105 = arith.constant dense<0.000000e+00> : vector<1xf32>
    %reduce_sum3A_2106 = vector.multi_reduction <add>, %reduce_sum3A_2104, %reduce_sum3A_2105 [1, 2] : vector<1x1x1024xf32> to vector<1xf32>
    %reduce_sum3A_2107 = vector.shape_cast %reduce_sum3A_2106 : vector<1xf32> to vector<1x1x1xf32>
    %reduce_sum3A_2108 = vector.extract %reduce_sum3A_2107[0, 0, 0] : f32 from vector<1x1x1xf32>
    %add3A_2109 = arith.addf %add3A_1900, %reduce_sum3A_2108 : f32
    %eq3A_2110 = vector.broadcast %broadcast_in_dim3A_2103 : vector<1x1024xf32> to vector<16x1024xf32>
    %eq3A_2111 = arith.cmpf oeq, %add3A_2095, %eq3A_2110 : vector<16x1024xf32>
    %jit3A_2112 = arith.constant 16 : i32
    %broadcast_in_dim3A_2113 = vector.broadcast %jit3A_2112 : i32 to vector<16x1024xi32>
    %select_n3A_2114 = arith.select %eq3A_2111, %iota3A, %broadcast_in_dim3A_2113 : vector<16x1024xi1>, vector<16x1024xi32>
    %reduce_min3A_2115 = arith.constant dense<2147483647> : vector<1024xi32>
    %reduce_min3A_2116 = vector.multi_reduction <minsi>, %select_n3A_2114, %reduce_min3A_2115 [0] : vector<16x1024xi32> to vector<1024xi32>
    %broadcast_in_dim3A_2117 = vector.shape_cast %reduce_min3A_2116 : vector<1024xi32> to vector<1x1024xi32>
    %eq3A_2118 = vector.broadcast %broadcast_in_dim3A_2117 : vector<1x1024xi32> to vector<16x1024xi32>
    %eq3A_2119 = arith.cmpi eq, %iota3A, %eq3A_2118 : vector<16x1024xi32>
    %slice3A_2120 = vector.extract_strided_slice %convert_element_type3A {offsets = [9, 0], sizes = [1, 1024], strides = [1, 1]} : vector<10x1024xi32> to vector<1x1024xi32>
    %broadcast_in_dim3A_2121 = arith.constant 0.000000e+00 : f32
    %broadcast_in_dim3A_2122 = vector.broadcast %broadcast_in_dim3A_2121 : f32 to vector<16x1024xf32>
    %eq3A_2123 = arith.constant 0 : i32
    %eq3A_2124 = vector.broadcast %eq3A_2123 : i32 to vector<1x1024xi32>
    %eq3A_2125 = arith.cmpi eq, %slice3A_2120, %eq3A_2124 : vector<1x1024xi32>
    %jit3A_2126 = arith.constant 0.000000e+00 : f32
    %broadcast_in_dim3A_2127 = vector.shape_cast %eq3A_2125 : vector<1x1024xi1> to vector<1x1024xi1>
    %broadcast_in_dim3A_2128 = vector.broadcast %broadcast_in_dim3A_2127 : vector<1x1024xi1> to vector<16x1024xi1>
    %broadcast_in_dim3A_2129 = vector.broadcast %jit3A_2126 : f32 to vector<16x1024xf32>
    %select_n3A_2130 = arith.select %broadcast_in_dim3A_2128, %get3A_39, %broadcast_in_dim3A_2129 : vector<16x1024xi1>, vector<16x1024xf32>
    %add3A_2131 = arith.addf %broadcast_in_dim3A_2122, %select_n3A_2130 : vector<16x1024xf32>
    %eq3A_2132 = arith.constant 1 : i32
    %eq3A_2133 = vector.broadcast %eq3A_2132 : i32 to vector<1x1024xi32>
    %eq3A_2134 = arith.cmpi eq, %slice3A_2120, %eq3A_2133 : vector<1x1024xi32>
    %jit3A_2135 = arith.constant 0.000000e+00 : f32
    %broadcast_in_dim3A_2136 = vector.shape_cast %eq3A_2134 : vector<1x1024xi1> to vector<1x1024xi1>
    %broadcast_in_dim3A_2137 = vector.broadcast %broadcast_in_dim3A_2136 : vector<1x1024xi1> to vector<16x1024xi1>
    %broadcast_in_dim3A_2138 = vector.broadcast %jit3A_2135 : f32 to vector<16x1024xf32>
    %select_n3A_2139 = arith.select %broadcast_in_dim3A_2137, %get3A_45, %broadcast_in_dim3A_2138 : vector<16x1024xi1>, vector<16x1024xf32>
    %add3A_2140 = arith.addf %add3A_2131, %select_n3A_2139 : vector<16x1024xf32>
    %eq3A_2141 = arith.constant 2 : i32
    %eq3A_2142 = vector.broadcast %eq3A_2141 : i32 to vector<1x1024xi32>
    %eq3A_2143 = arith.cmpi eq, %slice3A_2120, %eq3A_2142 : vector<1x1024xi32>
    %jit3A_2144 = arith.constant 0.000000e+00 : f32
    %broadcast_in_dim3A_2145 = vector.shape_cast %eq3A_2143 : vector<1x1024xi1> to vector<1x1024xi1>
    %broadcast_in_dim3A_2146 = vector.broadcast %broadcast_in_dim3A_2145 : vector<1x1024xi1> to vector<16x1024xi1>
    %broadcast_in_dim3A_2147 = vector.broadcast %jit3A_2144 : f32 to vector<16x1024xf32>
    %select_n3A_2148 = arith.select %broadcast_in_dim3A_2146, %get3A_51, %broadcast_in_dim3A_2147 : vector<16x1024xi1>, vector<16x1024xf32>
    %add3A_2149 = arith.addf %add3A_2140, %select_n3A_2148 : vector<16x1024xf32>
    %eq3A_2150 = arith.constant 3 : i32
    %eq3A_2151 = vector.broadcast %eq3A_2150 : i32 to vector<1x1024xi32>
    %eq3A_2152 = arith.cmpi eq, %slice3A_2120, %eq3A_2151 : vector<1x1024xi32>
    %jit3A_2153 = arith.constant 0.000000e+00 : f32
    %broadcast_in_dim3A_2154 = vector.shape_cast %eq3A_2152 : vector<1x1024xi1> to vector<1x1024xi1>
    %broadcast_in_dim3A_2155 = vector.broadcast %broadcast_in_dim3A_2154 : vector<1x1024xi1> to vector<16x1024xi1>
    %broadcast_in_dim3A_2156 = vector.broadcast %jit3A_2153 : f32 to vector<16x1024xf32>
    %select_n3A_2157 = arith.select %broadcast_in_dim3A_2155, %get3A_57, %broadcast_in_dim3A_2156 : vector<16x1024xi1>, vector<16x1024xf32>
    %add3A_2158 = arith.addf %add3A_2149, %select_n3A_2157 : vector<16x1024xf32>
    %eq3A_2159 = arith.constant 4 : i32
    %eq3A_2160 = vector.broadcast %eq3A_2159 : i32 to vector<1x1024xi32>
    %eq3A_2161 = arith.cmpi eq, %slice3A_2120, %eq3A_2160 : vector<1x1024xi32>
    %jit3A_2162 = arith.constant 0.000000e+00 : f32
    %broadcast_in_dim3A_2163 = vector.shape_cast %eq3A_2161 : vector<1x1024xi1> to vector<1x1024xi1>
    %broadcast_in_dim3A_2164 = vector.broadcast %broadcast_in_dim3A_2163 : vector<1x1024xi1> to vector<16x1024xi1>
    %broadcast_in_dim3A_2165 = vector.broadcast %jit3A_2162 : f32 to vector<16x1024xf32>
    %select_n3A_2166 = arith.select %broadcast_in_dim3A_2164, %get3A_63, %broadcast_in_dim3A_2165 : vector<16x1024xi1>, vector<16x1024xf32>
    %add3A_2167 = arith.addf %add3A_2158, %select_n3A_2166 : vector<16x1024xf32>
    %eq3A_2168 = arith.constant 5 : i32
    %eq3A_2169 = vector.broadcast %eq3A_2168 : i32 to vector<1x1024xi32>
    %eq3A_2170 = arith.cmpi eq, %slice3A_2120, %eq3A_2169 : vector<1x1024xi32>
    %jit3A_2171 = arith.constant 0.000000e+00 : f32
    %broadcast_in_dim3A_2172 = vector.shape_cast %eq3A_2170 : vector<1x1024xi1> to vector<1x1024xi1>
    %broadcast_in_dim3A_2173 = vector.broadcast %broadcast_in_dim3A_2172 : vector<1x1024xi1> to vector<16x1024xi1>
    %broadcast_in_dim3A_2174 = vector.broadcast %jit3A_2171 : f32 to vector<16x1024xf32>
    %select_n3A_2175 = arith.select %broadcast_in_dim3A_2173, %get3A_69, %broadcast_in_dim3A_2174 : vector<16x1024xi1>, vector<16x1024xf32>
    %add3A_2176 = arith.addf %add3A_2167, %select_n3A_2175 : vector<16x1024xf32>
    %eq3A_2177 = arith.constant 6 : i32
    %eq3A_2178 = vector.broadcast %eq3A_2177 : i32 to vector<1x1024xi32>
    %eq3A_2179 = arith.cmpi eq, %slice3A_2120, %eq3A_2178 : vector<1x1024xi32>
    %jit3A_2180 = arith.constant 0.000000e+00 : f32
    %broadcast_in_dim3A_2181 = vector.shape_cast %eq3A_2179 : vector<1x1024xi1> to vector<1x1024xi1>
    %broadcast_in_dim3A_2182 = vector.broadcast %broadcast_in_dim3A_2181 : vector<1x1024xi1> to vector<16x1024xi1>
    %broadcast_in_dim3A_2183 = vector.broadcast %jit3A_2180 : f32 to vector<16x1024xf32>
    %select_n3A_2184 = arith.select %broadcast_in_dim3A_2182, %get3A_75, %broadcast_in_dim3A_2183 : vector<16x1024xi1>, vector<16x1024xf32>
    %add3A_2185 = arith.addf %add3A_2176, %select_n3A_2184 : vector<16x1024xf32>
    %eq3A_2186 = arith.constant 7 : i32
    %eq3A_2187 = vector.broadcast %eq3A_2186 : i32 to vector<1x1024xi32>
    %eq3A_2188 = arith.cmpi eq, %slice3A_2120, %eq3A_2187 : vector<1x1024xi32>
    %jit3A_2189 = arith.constant 0.000000e+00 : f32
    %broadcast_in_dim3A_2190 = vector.shape_cast %eq3A_2188 : vector<1x1024xi1> to vector<1x1024xi1>
    %broadcast_in_dim3A_2191 = vector.broadcast %broadcast_in_dim3A_2190 : vector<1x1024xi1> to vector<16x1024xi1>
    %broadcast_in_dim3A_2192 = vector.broadcast %jit3A_2189 : f32 to vector<16x1024xf32>
    %select_n3A_2193 = arith.select %broadcast_in_dim3A_2191, %get3A_81, %broadcast_in_dim3A_2192 : vector<16x1024xi1>, vector<16x1024xf32>
    %add3A_2194 = arith.addf %add3A_2185, %select_n3A_2193 : vector<16x1024xf32>
    %eq3A_2195 = arith.constant 8 : i32
    %eq3A_2196 = vector.broadcast %eq3A_2195 : i32 to vector<1x1024xi32>
    %eq3A_2197 = arith.cmpi eq, %slice3A_2120, %eq3A_2196 : vector<1x1024xi32>
    %jit3A_2198 = arith.constant 0.000000e+00 : f32
    %broadcast_in_dim3A_2199 = vector.shape_cast %eq3A_2197 : vector<1x1024xi1> to vector<1x1024xi1>
    %broadcast_in_dim3A_2200 = vector.broadcast %broadcast_in_dim3A_2199 : vector<1x1024xi1> to vector<16x1024xi1>
    %broadcast_in_dim3A_2201 = vector.broadcast %jit3A_2198 : f32 to vector<16x1024xf32>
    %select_n3A_2202 = arith.select %broadcast_in_dim3A_2200, %get3A_87, %broadcast_in_dim3A_2201 : vector<16x1024xi1>, vector<16x1024xf32>
    %add3A_2203 = arith.addf %add3A_2194, %select_n3A_2202 : vector<16x1024xf32>
    %eq3A_2204 = arith.constant 9 : i32
    %eq3A_2205 = vector.broadcast %eq3A_2204 : i32 to vector<1x1024xi32>
    %eq3A_2206 = arith.cmpi eq, %slice3A_2120, %eq3A_2205 : vector<1x1024xi32>
    %jit3A_2207 = arith.constant 0.000000e+00 : f32
    %broadcast_in_dim3A_2208 = vector.shape_cast %eq3A_2206 : vector<1x1024xi1> to vector<1x1024xi1>
    %broadcast_in_dim3A_2209 = vector.broadcast %broadcast_in_dim3A_2208 : vector<1x1024xi1> to vector<16x1024xi1>
    %broadcast_in_dim3A_2210 = vector.broadcast %jit3A_2207 : f32 to vector<16x1024xf32>
    %select_n3A_2211 = arith.select %broadcast_in_dim3A_2209, %get3A_93, %broadcast_in_dim3A_2210 : vector<16x1024xi1>, vector<16x1024xf32>
    %add3A_2212 = arith.addf %add3A_2203, %select_n3A_2211 : vector<16x1024xf32>
    %eq3A_2213 = arith.constant 10 : i32
    %eq3A_2214 = vector.broadcast %eq3A_2213 : i32 to vector<1x1024xi32>
    %eq3A_2215 = arith.cmpi eq, %slice3A_2120, %eq3A_2214 : vector<1x1024xi32>
    %jit3A_2216 = arith.constant 0.000000e+00 : f32
    %broadcast_in_dim3A_2217 = vector.shape_cast %eq3A_2215 : vector<1x1024xi1> to vector<1x1024xi1>
    %broadcast_in_dim3A_2218 = vector.broadcast %broadcast_in_dim3A_2217 : vector<1x1024xi1> to vector<16x1024xi1>
    %broadcast_in_dim3A_2219 = vector.broadcast %jit3A_2216 : f32 to vector<16x1024xf32>
    %select_n3A_2220 = arith.select %broadcast_in_dim3A_2218, %get3A_99, %broadcast_in_dim3A_2219 : vector<16x1024xi1>, vector<16x1024xf32>
    %add3A_2221 = arith.addf %add3A_2212, %select_n3A_2220 : vector<16x1024xf32>
    %eq3A_2222 = arith.constant 11 : i32
    %eq3A_2223 = vector.broadcast %eq3A_2222 : i32 to vector<1x1024xi32>
    %eq3A_2224 = arith.cmpi eq, %slice3A_2120, %eq3A_2223 : vector<1x1024xi32>
    %jit3A_2225 = arith.constant 0.000000e+00 : f32
    %broadcast_in_dim3A_2226 = vector.shape_cast %eq3A_2224 : vector<1x1024xi1> to vector<1x1024xi1>
    %broadcast_in_dim3A_2227 = vector.broadcast %broadcast_in_dim3A_2226 : vector<1x1024xi1> to vector<16x1024xi1>
    %broadcast_in_dim3A_2228 = vector.broadcast %jit3A_2225 : f32 to vector<16x1024xf32>
    %select_n3A_2229 = arith.select %broadcast_in_dim3A_2227, %get3A_105, %broadcast_in_dim3A_2228 : vector<16x1024xi1>, vector<16x1024xf32>
    %add3A_2230 = arith.addf %add3A_2221, %select_n3A_2229 : vector<16x1024xf32>
    %eq3A_2231 = arith.constant 12 : i32
    %eq3A_2232 = vector.broadcast %eq3A_2231 : i32 to vector<1x1024xi32>
    %eq3A_2233 = arith.cmpi eq, %slice3A_2120, %eq3A_2232 : vector<1x1024xi32>
    %jit3A_2234 = arith.constant 0.000000e+00 : f32
    %broadcast_in_dim3A_2235 = vector.shape_cast %eq3A_2233 : vector<1x1024xi1> to vector<1x1024xi1>
    %broadcast_in_dim3A_2236 = vector.broadcast %broadcast_in_dim3A_2235 : vector<1x1024xi1> to vector<16x1024xi1>
    %broadcast_in_dim3A_2237 = vector.broadcast %jit3A_2234 : f32 to vector<16x1024xf32>
    %select_n3A_2238 = arith.select %broadcast_in_dim3A_2236, %get3A_111, %broadcast_in_dim3A_2237 : vector<16x1024xi1>, vector<16x1024xf32>
    %add3A_2239 = arith.addf %add3A_2230, %select_n3A_2238 : vector<16x1024xf32>
    %eq3A_2240 = arith.constant 13 : i32
    %eq3A_2241 = vector.broadcast %eq3A_2240 : i32 to vector<1x1024xi32>
    %eq3A_2242 = arith.cmpi eq, %slice3A_2120, %eq3A_2241 : vector<1x1024xi32>
    %jit3A_2243 = arith.constant 0.000000e+00 : f32
    %broadcast_in_dim3A_2244 = vector.shape_cast %eq3A_2242 : vector<1x1024xi1> to vector<1x1024xi1>
    %broadcast_in_dim3A_2245 = vector.broadcast %broadcast_in_dim3A_2244 : vector<1x1024xi1> to vector<16x1024xi1>
    %broadcast_in_dim3A_2246 = vector.broadcast %jit3A_2243 : f32 to vector<16x1024xf32>
    %select_n3A_2247 = arith.select %broadcast_in_dim3A_2245, %get3A_117, %broadcast_in_dim3A_2246 : vector<16x1024xi1>, vector<16x1024xf32>
    %add3A_2248 = arith.addf %add3A_2239, %select_n3A_2247 : vector<16x1024xf32>
    %eq3A_2249 = arith.constant 14 : i32
    %eq3A_2250 = vector.broadcast %eq3A_2249 : i32 to vector<1x1024xi32>
    %eq3A_2251 = arith.cmpi eq, %slice3A_2120, %eq3A_2250 : vector<1x1024xi32>
    %jit3A_2252 = arith.constant 0.000000e+00 : f32
    %broadcast_in_dim3A_2253 = vector.shape_cast %eq3A_2251 : vector<1x1024xi1> to vector<1x1024xi1>
    %broadcast_in_dim3A_2254 = vector.broadcast %broadcast_in_dim3A_2253 : vector<1x1024xi1> to vector<16x1024xi1>
    %broadcast_in_dim3A_2255 = vector.broadcast %jit3A_2252 : f32 to vector<16x1024xf32>
    %select_n3A_2256 = arith.select %broadcast_in_dim3A_2254, %get3A_123, %broadcast_in_dim3A_2255 : vector<16x1024xi1>, vector<16x1024xf32>
    %add3A_2257 = arith.addf %add3A_2248, %select_n3A_2256 : vector<16x1024xf32>
    %eq3A_2258 = arith.constant 15 : i32
    %eq3A_2259 = vector.broadcast %eq3A_2258 : i32 to vector<1x1024xi32>
    %eq3A_2260 = arith.cmpi eq, %slice3A_2120, %eq3A_2259 : vector<1x1024xi32>
    %jit3A_2261 = arith.constant 0.000000e+00 : f32
    %broadcast_in_dim3A_2262 = vector.shape_cast %eq3A_2260 : vector<1x1024xi1> to vector<1x1024xi1>
    %broadcast_in_dim3A_2263 = vector.broadcast %broadcast_in_dim3A_2262 : vector<1x1024xi1> to vector<16x1024xi1>
    %broadcast_in_dim3A_2264 = vector.broadcast %jit3A_2261 : f32 to vector<16x1024xf32>
    %select_n3A_2265 = arith.select %broadcast_in_dim3A_2263, %get3A_129, %broadcast_in_dim3A_2264 : vector<16x1024xi1>, vector<16x1024xf32>
    %add3A_2266 = arith.addf %add3A_2257, %select_n3A_2265 : vector<16x1024xf32>
    %jit3A_2267 = arith.constant 0.000000e+00 : f32
    %broadcast_in_dim3A_2268 = vector.broadcast %jit3A_2267 : f32 to vector<16x1024xf32>
    %select_n3A_2269 = arith.select %eq3A_2119, %add3A_2266, %broadcast_in_dim3A_2268 : vector<16x1024xi1>, vector<16x1024xf32>
    %reduce_sum3A_2270 = vector.shape_cast %select_n3A_2269 : vector<16x1024xf32> to vector<1x16x1024xf32>
    %reduce_sum3A_2271 = arith.constant dense<0.000000e+00> : vector<1xf32>
    %reduce_sum3A_2272 = vector.multi_reduction <add>, %reduce_sum3A_2270, %reduce_sum3A_2271 [1, 2] : vector<1x16x1024xf32> to vector<1xf32>
    %reduce_sum3A_2273 = vector.shape_cast %reduce_sum3A_2272 : vector<1xf32> to vector<1x1x1xf32>
    %reduce_sum3A_2274 = vector.extract %reduce_sum3A_2273[0, 0, 0] : f32 from vector<1x1x1xf32>
    %add3A_2275 = arith.addf %add3A_2066, %reduce_sum3A_2274 : f32
    %jit3A_2276 = arith.constant 0 : i32
    %broadcast_in_dim3A_2277 = vector.broadcast %jit3A_2276 : i32 to vector<16x1024xi32>
    %select_n3A_2278 = arith.select %eq3A_2119, %select_n3A_201, %broadcast_in_dim3A_2277 : vector<16x1024xi1>, vector<16x1024xi32>
    %reduce_sum3A_2279 = arith.constant dense<0> : vector<1024xi32>
    %reduce_sum3A_2280 = vector.multi_reduction <add>, %select_n3A_2278, %reduce_sum3A_2279 [0] : vector<16x1024xi32> to vector<1024xi32>
    %broadcast_in_dim3A_2281 = vector.shape_cast %reduce_sum3A_2280 : vector<1024xi32> to vector<1x1024xi32>
    %eq3A_2282 = arith.cmpi eq, %broadcast_in_dim3A_2281, %slice3A_2120 : vector<1x1024xi32>
    %convert_element_type3A_2283 = arith.extui %eq3A_2282 : vector<1x1024xi1> to vector<1x1024xi32>
    %convert_element_type3A_2284 = arith.sitofp %convert_element_type3A_2283 : vector<1x1024xi32> to vector<1x1024xf32>
    %reduce_sum3A_2285 = vector.shape_cast %convert_element_type3A_2284 : vector<1x1024xf32> to vector<1x1x1024xf32>
    %reduce_sum3A_2286 = arith.constant dense<0.000000e+00> : vector<1xf32>
    %reduce_sum3A_2287 = vector.multi_reduction <add>, %reduce_sum3A_2285, %reduce_sum3A_2286 [1, 2] : vector<1x1x1024xf32> to vector<1xf32>
    %reduce_sum3A_2288 = vector.shape_cast %reduce_sum3A_2287 : vector<1xf32> to vector<1x1x1xf32>
    %reduce_sum3A_2289 = vector.extract %reduce_sum3A_2288[0, 0, 0] : f32 from vector<1x1x1xf32>
    %add3A_2290 = arith.addf %add3A_2081, %reduce_sum3A_2289 : f32
    %reduce_sum3A_2291 = vector.shape_cast %select_n3A_2100 : vector<16x1024xf32> to vector<1x16x1024xf32>
    %reduce_sum3A_2292 = arith.constant dense<0.000000e+00> : vector<1xf32>
    %reduce_sum3A_2293 = vector.multi_reduction <add>, %reduce_sum3A_2291, %reduce_sum3A_2292 [1, 2] : vector<1x16x1024xf32> to vector<1xf32>
    %reduce_sum3A_2294 = vector.shape_cast %reduce_sum3A_2293 : vector<1xf32> to vector<1x1x1xf32>
    %reduce_sum3A_2295 = vector.extract %reduce_sum3A_2294[0, 0, 0] : f32 from vector<1x1x1xf32>
    %broadcast_in_dim3A_2296 = arith.constant 0 : i32
    %broadcast_in_dim3A_2297 = vector.broadcast %broadcast_in_dim3A_2296 : i32 to vector<16x1024xi32>
    %eq3A_2298 = arith.constant 0 : i32
    %eq3A_2299 = vector.broadcast %eq3A_2298 : i32 to vector<16x1024xi32>
    %eq3A_2300 = arith.cmpi eq, %select_n3A_2099, %eq3A_2299 : vector<16x1024xi32>
    %slice3A_2301 = vector.extract_strided_slice %convert_element_type3A {offsets = [0, 0], sizes = [1, 1024], strides = [1, 1]} : vector<10x1024xi32> to vector<1x1024xi32>
    %jit3A_2302 = arith.constant 0 : i32
    %broadcast_in_dim3A_2303 = vector.shape_cast %slice3A_2301 : vector<1x1024xi32> to vector<1x1024xi32>
    %broadcast_in_dim3A_2304 = vector.broadcast %broadcast_in_dim3A_2303 : vector<1x1024xi32> to vector<16x1024xi32>
    %broadcast_in_dim3A_2305 = vector.broadcast %jit3A_2302 : i32 to vector<16x1024xi32>
    %select_n3A_2306 = arith.select %eq3A_2300, %broadcast_in_dim3A_2304, %broadcast_in_dim3A_2305 : vector<16x1024xi1>, vector<16x1024xi32>
    %add3A_2307 = arith.addi %broadcast_in_dim3A_2297, %select_n3A_2306 : vector<16x1024xi32>
    %eq3A_2308 = arith.constant 1 : i32
    %eq3A_2309 = vector.broadcast %eq3A_2308 : i32 to vector<16x1024xi32>
    %eq3A_2310 = arith.cmpi eq, %select_n3A_2099, %eq3A_2309 : vector<16x1024xi32>
    %slice3A_2311 = vector.extract_strided_slice %convert_element_type3A {offsets = [1, 0], sizes = [1, 1024], strides = [1, 1]} : vector<10x1024xi32> to vector<1x1024xi32>
    %jit3A_2312 = arith.constant 0 : i32
    %broadcast_in_dim3A_2313 = vector.shape_cast %slice3A_2311 : vector<1x1024xi32> to vector<1x1024xi32>
    %broadcast_in_dim3A_2314 = vector.broadcast %broadcast_in_dim3A_2313 : vector<1x1024xi32> to vector<16x1024xi32>
    %broadcast_in_dim3A_2315 = vector.broadcast %jit3A_2312 : i32 to vector<16x1024xi32>
    %select_n3A_2316 = arith.select %eq3A_2310, %broadcast_in_dim3A_2314, %broadcast_in_dim3A_2315 : vector<16x1024xi1>, vector<16x1024xi32>
    %add3A_2317 = arith.addi %add3A_2307, %select_n3A_2316 : vector<16x1024xi32>
    %eq3A_2318 = arith.constant 2 : i32
    %eq3A_2319 = vector.broadcast %eq3A_2318 : i32 to vector<16x1024xi32>
    %eq3A_2320 = arith.cmpi eq, %select_n3A_2099, %eq3A_2319 : vector<16x1024xi32>
    %slice3A_2321 = vector.extract_strided_slice %convert_element_type3A {offsets = [2, 0], sizes = [1, 1024], strides = [1, 1]} : vector<10x1024xi32> to vector<1x1024xi32>
    %jit3A_2322 = arith.constant 0 : i32
    %broadcast_in_dim3A_2323 = vector.shape_cast %slice3A_2321 : vector<1x1024xi32> to vector<1x1024xi32>
    %broadcast_in_dim3A_2324 = vector.broadcast %broadcast_in_dim3A_2323 : vector<1x1024xi32> to vector<16x1024xi32>
    %broadcast_in_dim3A_2325 = vector.broadcast %jit3A_2322 : i32 to vector<16x1024xi32>
    %select_n3A_2326 = arith.select %eq3A_2320, %broadcast_in_dim3A_2324, %broadcast_in_dim3A_2325 : vector<16x1024xi1>, vector<16x1024xi32>
    %add3A_2327 = arith.addi %add3A_2317, %select_n3A_2326 : vector<16x1024xi32>
    %eq3A_2328 = arith.constant 3 : i32
    %eq3A_2329 = vector.broadcast %eq3A_2328 : i32 to vector<16x1024xi32>
    %eq3A_2330 = arith.cmpi eq, %select_n3A_2099, %eq3A_2329 : vector<16x1024xi32>
    %slice3A_2331 = vector.extract_strided_slice %convert_element_type3A {offsets = [3, 0], sizes = [1, 1024], strides = [1, 1]} : vector<10x1024xi32> to vector<1x1024xi32>
    %jit3A_2332 = arith.constant 0 : i32
    %broadcast_in_dim3A_2333 = vector.shape_cast %slice3A_2331 : vector<1x1024xi32> to vector<1x1024xi32>
    %broadcast_in_dim3A_2334 = vector.broadcast %broadcast_in_dim3A_2333 : vector<1x1024xi32> to vector<16x1024xi32>
    %broadcast_in_dim3A_2335 = vector.broadcast %jit3A_2332 : i32 to vector<16x1024xi32>
    %select_n3A_2336 = arith.select %eq3A_2330, %broadcast_in_dim3A_2334, %broadcast_in_dim3A_2335 : vector<16x1024xi1>, vector<16x1024xi32>
    %add3A_2337 = arith.addi %add3A_2327, %select_n3A_2336 : vector<16x1024xi32>
    %eq3A_2338 = arith.constant 4 : i32
    %eq3A_2339 = vector.broadcast %eq3A_2338 : i32 to vector<16x1024xi32>
    %eq3A_2340 = arith.cmpi eq, %select_n3A_2099, %eq3A_2339 : vector<16x1024xi32>
    %slice3A_2341 = vector.extract_strided_slice %convert_element_type3A {offsets = [4, 0], sizes = [1, 1024], strides = [1, 1]} : vector<10x1024xi32> to vector<1x1024xi32>
    %jit3A_2342 = arith.constant 0 : i32
    %broadcast_in_dim3A_2343 = vector.shape_cast %slice3A_2341 : vector<1x1024xi32> to vector<1x1024xi32>
    %broadcast_in_dim3A_2344 = vector.broadcast %broadcast_in_dim3A_2343 : vector<1x1024xi32> to vector<16x1024xi32>
    %broadcast_in_dim3A_2345 = vector.broadcast %jit3A_2342 : i32 to vector<16x1024xi32>
    %select_n3A_2346 = arith.select %eq3A_2340, %broadcast_in_dim3A_2344, %broadcast_in_dim3A_2345 : vector<16x1024xi1>, vector<16x1024xi32>
    %add3A_2347 = arith.addi %add3A_2337, %select_n3A_2346 : vector<16x1024xi32>
    %eq3A_2348 = arith.constant 5 : i32
    %eq3A_2349 = vector.broadcast %eq3A_2348 : i32 to vector<16x1024xi32>
    %eq3A_2350 = arith.cmpi eq, %select_n3A_2099, %eq3A_2349 : vector<16x1024xi32>
    %slice3A_2351 = vector.extract_strided_slice %convert_element_type3A {offsets = [5, 0], sizes = [1, 1024], strides = [1, 1]} : vector<10x1024xi32> to vector<1x1024xi32>
    %jit3A_2352 = arith.constant 0 : i32
    %broadcast_in_dim3A_2353 = vector.shape_cast %slice3A_2351 : vector<1x1024xi32> to vector<1x1024xi32>
    %broadcast_in_dim3A_2354 = vector.broadcast %broadcast_in_dim3A_2353 : vector<1x1024xi32> to vector<16x1024xi32>
    %broadcast_in_dim3A_2355 = vector.broadcast %jit3A_2352 : i32 to vector<16x1024xi32>
    %select_n3A_2356 = arith.select %eq3A_2350, %broadcast_in_dim3A_2354, %broadcast_in_dim3A_2355 : vector<16x1024xi1>, vector<16x1024xi32>
    %add3A_2357 = arith.addi %add3A_2347, %select_n3A_2356 : vector<16x1024xi32>
    %eq3A_2358 = arith.constant 6 : i32
    %eq3A_2359 = vector.broadcast %eq3A_2358 : i32 to vector<16x1024xi32>
    %eq3A_2360 = arith.cmpi eq, %select_n3A_2099, %eq3A_2359 : vector<16x1024xi32>
    %slice3A_2361 = vector.extract_strided_slice %convert_element_type3A {offsets = [6, 0], sizes = [1, 1024], strides = [1, 1]} : vector<10x1024xi32> to vector<1x1024xi32>
    %jit3A_2362 = arith.constant 0 : i32
    %broadcast_in_dim3A_2363 = vector.shape_cast %slice3A_2361 : vector<1x1024xi32> to vector<1x1024xi32>
    %broadcast_in_dim3A_2364 = vector.broadcast %broadcast_in_dim3A_2363 : vector<1x1024xi32> to vector<16x1024xi32>
    %broadcast_in_dim3A_2365 = vector.broadcast %jit3A_2362 : i32 to vector<16x1024xi32>
    %select_n3A_2366 = arith.select %eq3A_2360, %broadcast_in_dim3A_2364, %broadcast_in_dim3A_2365 : vector<16x1024xi1>, vector<16x1024xi32>
    %add3A_2367 = arith.addi %add3A_2357, %select_n3A_2366 : vector<16x1024xi32>
    %eq3A_2368 = arith.constant 7 : i32
    %eq3A_2369 = vector.broadcast %eq3A_2368 : i32 to vector<16x1024xi32>
    %eq3A_2370 = arith.cmpi eq, %select_n3A_2099, %eq3A_2369 : vector<16x1024xi32>
    %slice3A_2371 = vector.extract_strided_slice %convert_element_type3A {offsets = [7, 0], sizes = [1, 1024], strides = [1, 1]} : vector<10x1024xi32> to vector<1x1024xi32>
    %jit3A_2372 = arith.constant 0 : i32
    %broadcast_in_dim3A_2373 = vector.shape_cast %slice3A_2371 : vector<1x1024xi32> to vector<1x1024xi32>
    %broadcast_in_dim3A_2374 = vector.broadcast %broadcast_in_dim3A_2373 : vector<1x1024xi32> to vector<16x1024xi32>
    %broadcast_in_dim3A_2375 = vector.broadcast %jit3A_2372 : i32 to vector<16x1024xi32>
    %select_n3A_2376 = arith.select %eq3A_2370, %broadcast_in_dim3A_2374, %broadcast_in_dim3A_2375 : vector<16x1024xi1>, vector<16x1024xi32>
    %add3A_2377 = arith.addi %add3A_2367, %select_n3A_2376 : vector<16x1024xi32>
    %eq3A_2378 = arith.constant 8 : i32
    %eq3A_2379 = vector.broadcast %eq3A_2378 : i32 to vector<16x1024xi32>
    %eq3A_2380 = arith.cmpi eq, %select_n3A_2099, %eq3A_2379 : vector<16x1024xi32>
    %slice3A_2381 = vector.extract_strided_slice %convert_element_type3A {offsets = [8, 0], sizes = [1, 1024], strides = [1, 1]} : vector<10x1024xi32> to vector<1x1024xi32>
    %jit3A_2382 = arith.constant 0 : i32
    %broadcast_in_dim3A_2383 = vector.shape_cast %slice3A_2381 : vector<1x1024xi32> to vector<1x1024xi32>
    %broadcast_in_dim3A_2384 = vector.broadcast %broadcast_in_dim3A_2383 : vector<1x1024xi32> to vector<16x1024xi32>
    %broadcast_in_dim3A_2385 = vector.broadcast %jit3A_2382 : i32 to vector<16x1024xi32>
    %select_n3A_2386 = arith.select %eq3A_2380, %broadcast_in_dim3A_2384, %broadcast_in_dim3A_2385 : vector<16x1024xi1>, vector<16x1024xi32>
    %add3A_2387 = arith.addi %add3A_2377, %select_n3A_2386 : vector<16x1024xi32>
    %eq3A_2388 = arith.constant 9 : i32
    %eq3A_2389 = vector.broadcast %eq3A_2388 : i32 to vector<16x1024xi32>
    %eq3A_2390 = arith.cmpi eq, %select_n3A_2099, %eq3A_2389 : vector<16x1024xi32>
    %slice3A_2391 = vector.extract_strided_slice %convert_element_type3A {offsets = [9, 0], sizes = [1, 1024], strides = [1, 1]} : vector<10x1024xi32> to vector<1x1024xi32>
    %jit3A_2392 = arith.constant 0 : i32
    %broadcast_in_dim3A_2393 = vector.shape_cast %slice3A_2391 : vector<1x1024xi32> to vector<1x1024xi32>
    %broadcast_in_dim3A_2394 = vector.broadcast %broadcast_in_dim3A_2393 : vector<1x1024xi32> to vector<16x1024xi32>
    %broadcast_in_dim3A_2395 = vector.broadcast %jit3A_2392 : i32 to vector<16x1024xi32>
    %select_n3A_2396 = arith.select %eq3A_2390, %broadcast_in_dim3A_2394, %broadcast_in_dim3A_2395 : vector<16x1024xi1>, vector<16x1024xi32>
    %add3A_2397 = arith.addi %add3A_2387, %select_n3A_2396 : vector<16x1024xi32>
    %broadcast_in_dim3A_2398 = arith.constant 0.000000e+00 : f32
    %broadcast_in_dim3A_2399 = vector.broadcast %broadcast_in_dim3A_2398 : f32 to vector<16x1024xf32>
    %eq3A_2400 = arith.constant 0 : i32
    %eq3A_2401 = vector.broadcast %eq3A_2400 : i32 to vector<16x1024xi32>
    %eq3A_2402 = arith.cmpi eq, %add3A_2397, %eq3A_2401 : vector<16x1024xi32>
    %jit3A_2403 = arith.constant 0.000000e+00 : f32
    %broadcast_in_dim3A_2404 = vector.broadcast %jit3A_2403 : f32 to vector<16x1024xf32>
    %select_n3A_2405 = arith.select %eq3A_2402, %get3A_39, %broadcast_in_dim3A_2404 : vector<16x1024xi1>, vector<16x1024xf32>
    %add3A_2406 = arith.addf %broadcast_in_dim3A_2399, %select_n3A_2405 : vector<16x1024xf32>
    %eq3A_2407 = arith.constant 1 : i32
    %eq3A_2408 = vector.broadcast %eq3A_2407 : i32 to vector<16x1024xi32>
    %eq3A_2409 = arith.cmpi eq, %add3A_2397, %eq3A_2408 : vector<16x1024xi32>
    %jit3A_2410 = arith.constant 0.000000e+00 : f32
    %broadcast_in_dim3A_2411 = vector.broadcast %jit3A_2410 : f32 to vector<16x1024xf32>
    %select_n3A_2412 = arith.select %eq3A_2409, %get3A_45, %broadcast_in_dim3A_2411 : vector<16x1024xi1>, vector<16x1024xf32>
    %add3A_2413 = arith.addf %add3A_2406, %select_n3A_2412 : vector<16x1024xf32>
    %eq3A_2414 = arith.constant 2 : i32
    %eq3A_2415 = vector.broadcast %eq3A_2414 : i32 to vector<16x1024xi32>
    %eq3A_2416 = arith.cmpi eq, %add3A_2397, %eq3A_2415 : vector<16x1024xi32>
    %jit3A_2417 = arith.constant 0.000000e+00 : f32
    %broadcast_in_dim3A_2418 = vector.broadcast %jit3A_2417 : f32 to vector<16x1024xf32>
    %select_n3A_2419 = arith.select %eq3A_2416, %get3A_51, %broadcast_in_dim3A_2418 : vector<16x1024xi1>, vector<16x1024xf32>
    %add3A_2420 = arith.addf %add3A_2413, %select_n3A_2419 : vector<16x1024xf32>
    %eq3A_2421 = arith.constant 3 : i32
    %eq3A_2422 = vector.broadcast %eq3A_2421 : i32 to vector<16x1024xi32>
    %eq3A_2423 = arith.cmpi eq, %add3A_2397, %eq3A_2422 : vector<16x1024xi32>
    %jit3A_2424 = arith.constant 0.000000e+00 : f32
    %broadcast_in_dim3A_2425 = vector.broadcast %jit3A_2424 : f32 to vector<16x1024xf32>
    %select_n3A_2426 = arith.select %eq3A_2423, %get3A_57, %broadcast_in_dim3A_2425 : vector<16x1024xi1>, vector<16x1024xf32>
    %add3A_2427 = arith.addf %add3A_2420, %select_n3A_2426 : vector<16x1024xf32>
    %eq3A_2428 = arith.constant 4 : i32
    %eq3A_2429 = vector.broadcast %eq3A_2428 : i32 to vector<16x1024xi32>
    %eq3A_2430 = arith.cmpi eq, %add3A_2397, %eq3A_2429 : vector<16x1024xi32>
    %jit3A_2431 = arith.constant 0.000000e+00 : f32
    %broadcast_in_dim3A_2432 = vector.broadcast %jit3A_2431 : f32 to vector<16x1024xf32>
    %select_n3A_2433 = arith.select %eq3A_2430, %get3A_63, %broadcast_in_dim3A_2432 : vector<16x1024xi1>, vector<16x1024xf32>
    %add3A_2434 = arith.addf %add3A_2427, %select_n3A_2433 : vector<16x1024xf32>
    %eq3A_2435 = arith.constant 5 : i32
    %eq3A_2436 = vector.broadcast %eq3A_2435 : i32 to vector<16x1024xi32>
    %eq3A_2437 = arith.cmpi eq, %add3A_2397, %eq3A_2436 : vector<16x1024xi32>
    %jit3A_2438 = arith.constant 0.000000e+00 : f32
    %broadcast_in_dim3A_2439 = vector.broadcast %jit3A_2438 : f32 to vector<16x1024xf32>
    %select_n3A_2440 = arith.select %eq3A_2437, %get3A_69, %broadcast_in_dim3A_2439 : vector<16x1024xi1>, vector<16x1024xf32>
    %add3A_2441 = arith.addf %add3A_2434, %select_n3A_2440 : vector<16x1024xf32>
    %eq3A_2442 = arith.constant 6 : i32
    %eq3A_2443 = vector.broadcast %eq3A_2442 : i32 to vector<16x1024xi32>
    %eq3A_2444 = arith.cmpi eq, %add3A_2397, %eq3A_2443 : vector<16x1024xi32>
    %jit3A_2445 = arith.constant 0.000000e+00 : f32
    %broadcast_in_dim3A_2446 = vector.broadcast %jit3A_2445 : f32 to vector<16x1024xf32>
    %select_n3A_2447 = arith.select %eq3A_2444, %get3A_75, %broadcast_in_dim3A_2446 : vector<16x1024xi1>, vector<16x1024xf32>
    %add3A_2448 = arith.addf %add3A_2441, %select_n3A_2447 : vector<16x1024xf32>
    %eq3A_2449 = arith.constant 7 : i32
    %eq3A_2450 = vector.broadcast %eq3A_2449 : i32 to vector<16x1024xi32>
    %eq3A_2451 = arith.cmpi eq, %add3A_2397, %eq3A_2450 : vector<16x1024xi32>
    %jit3A_2452 = arith.constant 0.000000e+00 : f32
    %broadcast_in_dim3A_2453 = vector.broadcast %jit3A_2452 : f32 to vector<16x1024xf32>
    %select_n3A_2454 = arith.select %eq3A_2451, %get3A_81, %broadcast_in_dim3A_2453 : vector<16x1024xi1>, vector<16x1024xf32>
    %add3A_2455 = arith.addf %add3A_2448, %select_n3A_2454 : vector<16x1024xf32>
    %eq3A_2456 = arith.constant 8 : i32
    %eq3A_2457 = vector.broadcast %eq3A_2456 : i32 to vector<16x1024xi32>
    %eq3A_2458 = arith.cmpi eq, %add3A_2397, %eq3A_2457 : vector<16x1024xi32>
    %jit3A_2459 = arith.constant 0.000000e+00 : f32
    %broadcast_in_dim3A_2460 = vector.broadcast %jit3A_2459 : f32 to vector<16x1024xf32>
    %select_n3A_2461 = arith.select %eq3A_2458, %get3A_87, %broadcast_in_dim3A_2460 : vector<16x1024xi1>, vector<16x1024xf32>
    %add3A_2462 = arith.addf %add3A_2455, %select_n3A_2461 : vector<16x1024xf32>
    %eq3A_2463 = arith.constant 9 : i32
    %eq3A_2464 = vector.broadcast %eq3A_2463 : i32 to vector<16x1024xi32>
    %eq3A_2465 = arith.cmpi eq, %add3A_2397, %eq3A_2464 : vector<16x1024xi32>
    %jit3A_2466 = arith.constant 0.000000e+00 : f32
    %broadcast_in_dim3A_2467 = vector.broadcast %jit3A_2466 : f32 to vector<16x1024xf32>
    %select_n3A_2468 = arith.select %eq3A_2465, %get3A_93, %broadcast_in_dim3A_2467 : vector<16x1024xi1>, vector<16x1024xf32>
    %add3A_2469 = arith.addf %add3A_2462, %select_n3A_2468 : vector<16x1024xf32>
    %eq3A_2470 = arith.constant 10 : i32
    %eq3A_2471 = vector.broadcast %eq3A_2470 : i32 to vector<16x1024xi32>
    %eq3A_2472 = arith.cmpi eq, %add3A_2397, %eq3A_2471 : vector<16x1024xi32>
    %jit3A_2473 = arith.constant 0.000000e+00 : f32
    %broadcast_in_dim3A_2474 = vector.broadcast %jit3A_2473 : f32 to vector<16x1024xf32>
    %select_n3A_2475 = arith.select %eq3A_2472, %get3A_99, %broadcast_in_dim3A_2474 : vector<16x1024xi1>, vector<16x1024xf32>
    %add3A_2476 = arith.addf %add3A_2469, %select_n3A_2475 : vector<16x1024xf32>
    %eq3A_2477 = arith.constant 11 : i32
    %eq3A_2478 = vector.broadcast %eq3A_2477 : i32 to vector<16x1024xi32>
    %eq3A_2479 = arith.cmpi eq, %add3A_2397, %eq3A_2478 : vector<16x1024xi32>
    %jit3A_2480 = arith.constant 0.000000e+00 : f32
    %broadcast_in_dim3A_2481 = vector.broadcast %jit3A_2480 : f32 to vector<16x1024xf32>
    %select_n3A_2482 = arith.select %eq3A_2479, %get3A_105, %broadcast_in_dim3A_2481 : vector<16x1024xi1>, vector<16x1024xf32>
    %add3A_2483 = arith.addf %add3A_2476, %select_n3A_2482 : vector<16x1024xf32>
    %eq3A_2484 = arith.constant 12 : i32
    %eq3A_2485 = vector.broadcast %eq3A_2484 : i32 to vector<16x1024xi32>
    %eq3A_2486 = arith.cmpi eq, %add3A_2397, %eq3A_2485 : vector<16x1024xi32>
    %jit3A_2487 = arith.constant 0.000000e+00 : f32
    %broadcast_in_dim3A_2488 = vector.broadcast %jit3A_2487 : f32 to vector<16x1024xf32>
    %select_n3A_2489 = arith.select %eq3A_2486, %get3A_111, %broadcast_in_dim3A_2488 : vector<16x1024xi1>, vector<16x1024xf32>
    %add3A_2490 = arith.addf %add3A_2483, %select_n3A_2489 : vector<16x1024xf32>
    %eq3A_2491 = arith.constant 13 : i32
    %eq3A_2492 = vector.broadcast %eq3A_2491 : i32 to vector<16x1024xi32>
    %eq3A_2493 = arith.cmpi eq, %add3A_2397, %eq3A_2492 : vector<16x1024xi32>
    %jit3A_2494 = arith.constant 0.000000e+00 : f32
    %broadcast_in_dim3A_2495 = vector.broadcast %jit3A_2494 : f32 to vector<16x1024xf32>
    %select_n3A_2496 = arith.select %eq3A_2493, %get3A_117, %broadcast_in_dim3A_2495 : vector<16x1024xi1>, vector<16x1024xf32>
    %add3A_2497 = arith.addf %add3A_2490, %select_n3A_2496 : vector<16x1024xf32>
    %eq3A_2498 = arith.constant 14 : i32
    %eq3A_2499 = vector.broadcast %eq3A_2498 : i32 to vector<16x1024xi32>
    %eq3A_2500 = arith.cmpi eq, %add3A_2397, %eq3A_2499 : vector<16x1024xi32>
    %jit3A_2501 = arith.constant 0.000000e+00 : f32
    %broadcast_in_dim3A_2502 = vector.broadcast %jit3A_2501 : f32 to vector<16x1024xf32>
    %select_n3A_2503 = arith.select %eq3A_2500, %get3A_123, %broadcast_in_dim3A_2502 : vector<16x1024xi1>, vector<16x1024xf32>
    %add3A_2504 = arith.addf %add3A_2497, %select_n3A_2503 : vector<16x1024xf32>
    %eq3A_2505 = arith.constant 15 : i32
    %eq3A_2506 = vector.broadcast %eq3A_2505 : i32 to vector<16x1024xi32>
    %eq3A_2507 = arith.cmpi eq, %add3A_2397, %eq3A_2506 : vector<16x1024xi32>
    %jit3A_2508 = arith.constant 0.000000e+00 : f32
    %broadcast_in_dim3A_2509 = vector.broadcast %jit3A_2508 : f32 to vector<16x1024xf32>
    %select_n3A_2510 = arith.select %eq3A_2507, %get3A_129, %broadcast_in_dim3A_2509 : vector<16x1024xi1>, vector<16x1024xf32>
    %add3A_2511 = arith.addf %add3A_2504, %select_n3A_2510 : vector<16x1024xf32>
    %reduce_sum3A_2512 = vector.shape_cast %add3A_2511 : vector<16x1024xf32> to vector<1x16x1024xf32>
    %reduce_sum3A_2513 = arith.constant dense<0.000000e+00> : vector<1xf32>
    %reduce_sum3A_2514 = vector.multi_reduction <add>, %reduce_sum3A_2512, %reduce_sum3A_2513 [1, 2] : vector<1x16x1024xf32> to vector<1xf32>
    %reduce_sum3A_2515 = vector.shape_cast %reduce_sum3A_2514 : vector<1xf32> to vector<1x1x1xf32>
    %reduce_sum3A_2516 = vector.extract %reduce_sum3A_2515[0, 0, 0] : f32 from vector<1x1x1xf32>
    %eq3A_2517 = arith.cmpi eq, %select_n3A_201, %add3A_2397 : vector<16x1024xi32>
    %convert_element_type3A_2518 = arith.extui %eq3A_2517 : vector<16x1024xi1> to vector<16x1024xi32>
    %convert_element_type3A_2519 = arith.sitofp %convert_element_type3A_2518 : vector<16x1024xi32> to vector<16x1024xf32>
    %reduce_sum3A_2520 = vector.shape_cast %convert_element_type3A_2519 : vector<16x1024xf32> to vector<1x16x1024xf32>
    %reduce_sum3A_2521 = arith.constant dense<0.000000e+00> : vector<1xf32>
    %reduce_sum3A_2522 = vector.multi_reduction <add>, %reduce_sum3A_2520, %reduce_sum3A_2521 [1, 2] : vector<1x16x1024xf32> to vector<1xf32>
    %reduce_sum3A_2523 = vector.shape_cast %reduce_sum3A_2522 : vector<1xf32> to vector<1x1x1xf32>
    %reduce_sum3A_2524 = vector.extract %reduce_sum3A_2523[0, 0, 0] : f32 from vector<1x1x1xf32>
    %iota3A_2525 = tpu.iota {dimensions = array<i32: 1>} : vector<1x128xi32>
    %eq3A_2526 = arith.constant 0 : i32
    %eq3A_2527 = vector.broadcast %eq3A_2526 : i32 to vector<1x128xi32>
    %eq3A_2528 = arith.cmpi eq, %iota3A_2525, %eq3A_2527 : vector<1x128xi32>
    %jit3A_2529 = arith.constant 0.000000e+00 : f32
    %broadcast_in_dim3A_2530 = vector.broadcast %reduce_sum3A_2295 : f32 to vector<1x128xf32>
    %broadcast_in_dim3A_2531 = vector.broadcast %jit3A_2529 : f32 to vector<1x128xf32>
    %select_n3A_2532 = arith.select %eq3A_2528, %broadcast_in_dim3A_2530, %broadcast_in_dim3A_2531 : vector<1x128xi1>, vector<1x128xf32>
    %eq3A_2533 = arith.constant 1 : i32
    %eq3A_2534 = vector.broadcast %eq3A_2533 : i32 to vector<1x128xi32>
    %eq3A_2535 = arith.cmpi eq, %iota3A_2525, %eq3A_2534 : vector<1x128xi32>
    %jit3A_2536 = arith.constant 0.000000e+00 : f32
    %broadcast_in_dim3A_2537 = vector.broadcast %add3A_2109 : f32 to vector<1x128xf32>
    %broadcast_in_dim3A_2538 = vector.broadcast %jit3A_2536 : f32 to vector<1x128xf32>
    %select_n3A_2539 = arith.select %eq3A_2535, %broadcast_in_dim3A_2537, %broadcast_in_dim3A_2538 : vector<1x128xi1>, vector<1x128xf32>
    %add3A_2540 = arith.addf %select_n3A_2532, %select_n3A_2539 : vector<1x128xf32>
    %eq3A_2541 = arith.constant 2 : i32
    %eq3A_2542 = vector.broadcast %eq3A_2541 : i32 to vector<1x128xi32>
    %eq3A_2543 = arith.cmpi eq, %iota3A_2525, %eq3A_2542 : vector<1x128xi32>
    %jit3A_2544 = arith.constant 0.000000e+00 : f32
    %broadcast_in_dim3A_2545 = vector.broadcast %reduce_sum3A_2516 : f32 to vector<1x128xf32>
    %broadcast_in_dim3A_2546 = vector.broadcast %jit3A_2544 : f32 to vector<1x128xf32>
    %select_n3A_2547 = arith.select %eq3A_2543, %broadcast_in_dim3A_2545, %broadcast_in_dim3A_2546 : vector<1x128xi1>, vector<1x128xf32>
    %add3A_2548 = arith.addf %add3A_2540, %select_n3A_2547 : vector<1x128xf32>
    %eq3A_2549 = arith.constant 3 : i32
    %eq3A_2550 = vector.broadcast %eq3A_2549 : i32 to vector<1x128xi32>
    %eq3A_2551 = arith.cmpi eq, %iota3A_2525, %eq3A_2550 : vector<1x128xi32>
    %jit3A_2552 = arith.constant 0.000000e+00 : f32
    %broadcast_in_dim3A_2553 = vector.broadcast %reduce_sum3A_2524 : f32 to vector<1x128xf32>
    %broadcast_in_dim3A_2554 = vector.broadcast %jit3A_2552 : f32 to vector<1x128xf32>
    %select_n3A_2555 = arith.select %eq3A_2551, %broadcast_in_dim3A_2553, %broadcast_in_dim3A_2554 : vector<1x128xi1>, vector<1x128xf32>
    %add3A_2556 = arith.addf %add3A_2548, %select_n3A_2555 : vector<1x128xf32>
    %eq3A_2557 = arith.constant 4 : i32
    %eq3A_2558 = vector.broadcast %eq3A_2557 : i32 to vector<1x128xi32>
    %eq3A_2559 = arith.cmpi eq, %iota3A_2525, %eq3A_2558 : vector<1x128xi32>
    %jit3A_2560 = arith.constant 0.000000e+00 : f32
    %broadcast_in_dim3A_2561 = vector.broadcast %add3A_2275 : f32 to vector<1x128xf32>
    %broadcast_in_dim3A_2562 = vector.broadcast %jit3A_2560 : f32 to vector<1x128xf32>
    %select_n3A_2563 = arith.select %eq3A_2559, %broadcast_in_dim3A_2561, %broadcast_in_dim3A_2562 : vector<1x128xi1>, vector<1x128xf32>
    %add3A_2564 = arith.addf %add3A_2556, %select_n3A_2563 : vector<1x128xf32>
    %eq3A_2565 = arith.constant 5 : i32
    %eq3A_2566 = vector.broadcast %eq3A_2565 : i32 to vector<1x128xi32>
    %eq3A_2567 = arith.cmpi eq, %iota3A_2525, %eq3A_2566 : vector<1x128xi32>
    %jit3A_2568 = arith.constant 0.000000e+00 : f32
    %broadcast_in_dim3A_2569 = vector.broadcast %add3A_2290 : f32 to vector<1x128xf32>
    %broadcast_in_dim3A_2570 = vector.broadcast %jit3A_2568 : f32 to vector<1x128xf32>
    %select_n3A_2571 = arith.select %eq3A_2567, %broadcast_in_dim3A_2569, %broadcast_in_dim3A_2570 : vector<1x128xi1>, vector<1x128xf32>
    %add3A_2572 = arith.addf %add3A_2564, %select_n3A_2571 : vector<1x128xf32>
    %swap3A = arith.constant 0 : index
    %swap3A_2573 = arith.constant 0 : index
    %swap3A_2574 = arith.constant 0 : index
    %swap3A_2575 = vector.load %arg9[%swap3A, %swap3A_2573, %swap3A_2574] : memref<1x1x128xf32, #tpu.memory_space<vmem>>, vector<1x1x128xf32>
    %swap3A_2576 = vector.shape_cast %swap3A_2575 : vector<1x1x128xf32> to vector<1x128xf32>
    %swap3A_2577 = vector.shape_cast %add3A_2572 : vector<1x128xf32> to vector<1x1x128xf32>
    tpu.vector_store %arg9[%swap3A, %swap3A_2573, %swap3A_2574], %swap3A_2577 {strides = array<i32>} : memref<1x1x128xf32, #tpu.memory_space<vmem>>, vector<1x1x128xf32>,
    return
  }
  func.func @transform_0(%arg0: i32) -> (i32, i32, i32) {
    %c0_i32 = arith.constant 0 : i32
    %c0_i32_0 = arith.constant 0 : i32
    %c0_i32_1 = arith.constant 0 : i32
    return %arg0, %c0_i32, %c0_i32_0 : i32, i32, i32
  }
  func.func @transform_1(%arg0: i32) -> (i32, i32, i32) {
    %c0_i32 = arith.constant 0 : i32
    %c0_i32_0 = arith.constant 0 : i32
    %c0_i32_1 = arith.constant 0 : i32
    return %arg0, %c0_i32, %c0_i32_0 : i32, i32, i32
  }
  func.func @transform_2(%arg0: i32) -> (i32, i32, i32) {
    %c0_i32 = arith.constant 0 : i32
    %c0_i32_0 = arith.constant 0 : i32
    %c0_i32_1 = arith.constant 0 : i32
    return %arg0, %c0_i32, %c0_i32_0 : i32, i32, i32
  }
  func.func @transform_3(%arg0: i32) -> (i32, i32, i32, i32) {
    %c0_i32 = arith.constant 0 : i32
    %c0_i32_0 = arith.constant 0 : i32
    %c0_i32_1 = arith.constant 0 : i32
    %c0_i32_2 = arith.constant 0 : i32
    return %arg0, %c0_i32, %c0_i32_0, %c0_i32_1 : i32, i32, i32, i32
  }
  func.func @transform_4(%arg0: i32) -> (i32, i32, i32) {
    %c0_i32 = arith.constant 0 : i32
    %c0_i32_0 = arith.constant 0 : i32
    %c0_i32_1 = arith.constant 0 : i32
    return %arg0, %c0_i32, %c0_i32_0 : i32, i32, i32
  }
  func.func @transform_5(%arg0: i32) -> (i32, i32, i32) {
    %c0_i32 = arith.constant 0 : i32
    %c0_i32_0 = arith.constant 0 : i32
    %c0_i32_1 = arith.constant 0 : i32
    return %arg0, %c0_i32, %c0_i32_0 : i32, i32, i32
  }
  func.func @transform_6(%arg0: i32) -> (i32, i32, i32) {
    %c0_i32 = arith.constant 0 : i32
    %c0_i32_0 = arith.constant 0 : i32
    %c0_i32_1 = arith.constant 0 : i32
    return %arg0, %c0_i32, %c0_i32_0 : i32, i32, i32
  }
  func.func @transform_7(%arg0: i32) -> (i32, i32, i32) {
    %c0_i32 = arith.constant 0 : i32
    %c0_i32_0 = arith.constant 0 : i32
    %c0_i32_1 = arith.constant 0 : i32
    return %arg0, %c0_i32, %c0_i32_0 : i32, i32, i32
  }
  func.func @transform_8(%arg0: i32) -> (i32, i32, i32) {
    %c0_i32 = arith.constant 0 : i32
    %c0_i32_0 = arith.constant 0 : i32
    %c0_i32_1 = arith.constant 0 : i32
    return %arg0, %c0_i32, %c0_i32_0 : i32, i32, i32
  }
}

</mosaic_0001>

<sc_bundles>
// kernel: kernel.5.cloned.1.call-start
scs
__scs_entry_jumppad:
0x0: {  	(pc) =	sbr.rel $0x88, $3  }
0x1: {  	(tag) =	ssettag $0x0;
	lr =	simm.s32 $0x1  }
0x2: {  	[smem:$0x3F9D] =	sst lr;
	_ =	strace $0xD0000000  }
0x3: {  	_ = 	snop  }
0x4: {  	_ = 	snop  }
0x5: {  	_ = 	snop  }
0x6: {  	_ = 	snop  }
0x7: {  	_ = 	snop  }
__scs_overlays_trampoline_lowered:
0x8: {  	[smem:$0x3FAC] =	sst s0  }
0x9: {  	[smem:$0x3FAD] =	sst s1  }
0xa: {  	[smem:$0x3FAE] =	sst s2  }
0xb: {  	[smem:$0x3FAF] =	sst s3  }
0xc: {  	[smem:$0x3FB0] =	sst s4  }
0xd: {  	[smem:$0x3FB1] =	sst s5  }
0xe: {  	[smem:$0x3FB2] =	sst s6  }
0xf: {  	[smem:$0x3FB3] =	sst s7  }
0x10: {  	[smem:$0x3FB4] =	sst s8  }
0x11: {  	[smem:$0x3FB5] =	sst s9;
	s0 =	simm.s32 @!p0 $0x0  }
0x12: {  	s1 =	sld [smem:$0x3F9B];
	s0 =	simm.s32 @p0 $0x1  }
0x13: {  	[smem:$0x3FB6] =	sst s0;
	s0 =	simm.s32 @!p1 $0x0  }
0x14: {  	s2 =	sld [smem:$0x3F9A];
	s0 =	simm.s32 @p1 $0x1  }
0x15: {  	[smem:$0x3FB7] =	sst s0;
	s0 =	simm.s32 @!p2 $0x0  }
0x16: {  	s3 =	sld [smem:$0x3FDB];
	s0 =	simm.s32 @p2 $0x1  }
0x17: {  	s4 =	simm.s32 $0x1BF5;
	[smem:$0x3FB9] =	sst s0  }
0x18: {  	s0 =	sld [smem:$0x3F9C];
	_ =	swait.ge [sflag:s4], $0x0  }
0x19: {  	s7 =	sld [smem:$0x3F9D]  }
0x1a: {  	s8 =	sadd.s32 $0xFFFFE003, lr  }
0x1b: {  	s9 =	sadd.s32 $0xFFFFFEF7, lr;
	s5 =	simm.s32 $0xFFFFFFFF;
	p2 =	slt.u32 s8, $0xFFFFF086  }
0x1c: {  	p1 =	slt.u32 s9, $0xF7A;
	s5 =	simm.s32 @!p2 $0x0  }
0x1d: {  	s5 =	simm.s32 @p1 $0x1;
	p0 =	seq.s32 s7, s2  }
0x1e: {  	s7 =	smul.u32 @!p0 $0xF7A, s2;
	p2 =	seq.s32 @!p0 s5, $0x0  }
0x1f: {  	s9 =	smul.u32 $0xF7A, s1;
	s8 =	simm.s32 @!p0 $0x1BF5;
	p2 =	por !p2, p0  }
0x20: {  	[sflag:s8] =	ssyncset.s32 @!p0 $0xFFFFF086;
	s6 =	sadd.s32 @!p0 s3, s7;
	s7 =	simm.s32 @!p0 $0x108  }
0x21: {  	s3 =	sadd.s32 s3, s9;
	s6 =	sadd.s32 @!p0 $0x88, s6;
	s7 =	simm.s32 @p2 $0x1082  }
0x22: {  	[simem:s7], [sflag:s8] =	dma.local @!p0 [hbm:s6], $0xF7A  }
0x23: {  	s9 =	sor.u32 $0xD0000000, s2;
	s6 =	simm.s32 $0x108;
	_ =	swait.ge @!p0 [sflag:s8], $0x0  }
0x24: {  	s3 =	sadd.s32 $0x88, s3;
	s6 =	simm.s32 @!p1 $0x1082;
	[sflag:s4] =	ssyncset.s32 $0xFFFFF086  }
0x25: {  	[simem:s6], [sflag:s4] =	dma.local [hbm:s3], $0xF7A  }
0x26: {  	[smem:$0x3F9D] =	sst s1;
	(tag) =	ssettag s2;
	_ =	strace s9  }
0x27: {  	s1 =	sld [smem:$0x3FAD]  }
0x28: {  	s2 =	sld [smem:$0x3FAE]  }
0x29: {  	s4 =	sld [smem:$0x3FB0]  }
0x2a: {  	p0 =	seq.s32 s5, $0x0;
	s5 =	sld [smem:$0x3FB1]  }
0x2b: {  	s6 =	sld [smem:$0x3FB2]  }
0x2c: {  	s7 =	sld [smem:$0x3FB3]  }
0x2d: {  	s3 =	simm.s32 $0x108;
	s8 =	sld [smem:$0x3FB4]  }
0x2e: {  	s3 =	simm.s32 @!p0 $0x1082;
	s9 =	sld [smem:$0x3FB5]  }
0x2f: {  	lr =	sadd.s32 s0, s3;
	s0 =	sld [smem:$0x3FAC]  }
0x30: {  	s3 =	sld [smem:$0x3FAF]  }
0x31: {  	[smem:$0x3FB8] =	sst s10  }
0x32: {  	s10 =	sld [smem:$0x3FB6];
	_ =	sdelay $0x3  }
0x33: {  	p0 =	seq.s32 s10, $0x1;
	s10 =	sld [smem:$0x3FB8];
	_ =	sdelay $0x3  }
0x34: {  	[smem:$0x3FB8] =	sst s10  }
0x35: {  	s10 =	sld [smem:$0x3FB7];
	_ =	sdelay $0x3  }
0x36: {  	p1 =	seq.s32 s10, $0x1;
	s10 =	sld [smem:$0x3FB8];
	_ =	sdelay $0x3  }
0x37: {  	[smem:$0x3FB8] =	sst s10  }
0x38: {  	s10 =	sld [smem:$0x3FB9]  }
0x39: {  	_ = 	snop;
	(pc) =	sbr.ind lr, $3  }
0x3a: {  	_ = 	snop  }
0x3b: {  	_ = 	snop  }
0x3c: {  	p2 =	seq.s32 s10, $0x1;
	s10 =	sld [smem:$0x3FB8]  }
0x3d: {  	_ =	shalt  }
0x3e: {  	_ =	shalt  }
0x3f: {  	_ =	shalt  }
0x40: {  	_ =	shalt  }
0x41: {  	_ =	shalt  }
0x42: {  	_ =	shalt  }
0x43: {  	_ =	shalt  }
0x44: {  	_ =	shalt  }
0x45: {  	_ =	shalt  }
0x46: {  	_ =	shalt  }
0x47: {  	_ =	shalt  }
0x48: {  	_ =	shalt  }
0x49: {  	_ =	shalt  }
0x4a: {  	_ =	shalt  }
0x4b: {  	_ =	shalt  }
0x4c: {  	_ =	shalt  }
0x4d: {  	_ =	shalt  }
0x4e: {  	_ =	shalt  }
0x4f: {  	_ =	shalt  }
0x50: {  	_ =	shalt  }
0x51: {  	_ =	shalt  }
0x52: {  	_ =	shalt  }
0x53: {  	_ =	shalt  }
0x54: {  	_ =	shalt  }
0x55: {  	_ =	shalt  }
0x56: {  	_ =	shalt  }
0x57: {  	_ =	shalt  }
0x58: {  	_ =	shalt  }
0x59: {  	_ =	shalt  }
0x5a: {  	_ =	shalt  }
0x5b: {  	_ =	shalt  }
0x5c: {  	_ =	shalt  }
0x5d: {  	_ =	shalt  }
0x5e: {  	_ =	shalt  }
0x5f: {  	_ =	shalt  }
0x60: {  	_ =	shalt  }
0x61: {  	_ =	shalt  }
0x62: {  	_ =	shalt  }
0x63: {  	_ =	shalt  }
0x64: {  	_ =	shalt  }
0x65: {  	_ =	shalt  }
0x66: {  	_ =	shalt  }
0x67: {  	_ =	shalt  }
0x68: {  	_ =	shalt  }
0x69: {  	_ =	shalt  }
0x6a: {  	_ =	shalt  }
0x6b: {  	_ =	shalt  }
0x6c: {  	_ =	shalt  }
0x6d: {  	_ =	shalt  }
0x6e: {  	_ =	shalt  }
0x6f: {  	_ =	shalt  }
0x70: {  	_ =	shalt  }
0x71: {  	_ =	shalt  }
0x72: {  	_ =	shalt  }
0x73: {  	_ =	shalt  }
0x74: {  	_ =	shalt  }
0x75: {  	_ =	shalt  }
0x76: {  	_ =	shalt  }
0x77: {  	_ =	shalt  }
0x78: {  	_ =	shalt  }
0x79: {  	_ =	shalt  }
0x7a: {  	_ =	shalt  }
0x7b: {  	_ =	shalt  }
0x7c: {  	_ =	shalt  }
0x7d: {  	_ =	shalt  }
0x7e: {  	_ =	shalt  }
0x7f: {  	_ =	shalt  }
0x80: {  	_ =	shalt  }
0x81: {  	_ =	shalt  }
0x82: {  	_ =	shalt  }
0x83: {  	_ =	shalt  }
0x84: {  	_ =	shalt  }
0x85: {  	_ =	shalt  }
0x86: {  	_ =	shalt  }
0x87: {  	_ =	shalt  }
.Lfunc_end0:
.L_simem_size_0:
called_computation_lowered:
.L_overlay_start_0:
0x88: {  	s2 =	sld [smem:$0x3FD9]  }
0x89: {  	s3 =	sld [smem:$0x3FFE];
	_ =	sdelay $0x1  }
0x8a: {  	s1 =	srdreg.scid  }
0x8b: {  	s0 =	sand.u32 $0x1, s1  }
0x8c: {  	s16 =	sshll.u32 s0, $0xA;
	s2 =	sadd.s32 s3, s2  }
0x8d: {  	s2 =	sadd.s32 s2, s16  }
0x8e: {  	[smem:$0x3FC4] =	sst s2  }
0x8f: {  	_ = 	snop  }
0x90: {  	(tm) =	ssettm $0x1  }
0x91: {  	s17 =	sld [smem:$0x3FFB];
	_ =	sdelay $0x3  }
0x92: {  	_ =	strace s17  }
0x93: {  	s2 =	sld [smem:$0x3FFC];
	_ =	sdelay $0x3  }
0x94: {  	_ =	strace s2  }
0x95: {  	s2 =	sld [smem:$0x3FFD];
	_ =	sdelay $0x3  }
0x96: {  	_ =	strace s2  }
0x97: {  	_ =	strace $0x8FFFFFFF  }
0x98: {  	s18 =	sld [smem:$0x3FDB];
	_ =	sdelay $0x1  }
0x99: {  	s19 =	simm.s32 $_scs_section_size  }
0x9a: {  	s4 =	simm.s32 $_size__tile_overlayer_lowered;
	s5 =	simm.s32 $_tile_overlayer_lowered  }
0x9b: {  	s22 =	simm.s32 $0x1BFF;
	s21 =	sshll.u32 s5, $0x1;
	s2 =	sadd.s32 s19, s18  }
0x9c: {  	s6 =	simm.s32 $0x0;
	s20 =	sshll.u32 s4, $0x1;
	s4 =	sadd.s32 s21, s2  }
0x9d: {  	[timem:s6], [sflag:s22] =	dma.local [hbm:s4], s20  }
0x9e: {  	_ =	swait.ge [sflag:s22], s20  }
0x9f: {  	s3 =	ssub.s32 $0x0, s20;
	[sflag:s22] =	ssyncset.done $0x0  }
0xa0: {  	[sflag:s22] =	ssyncadd.s32 s3;
	_ =	sdelay $0x1  }
0xa1: {  	s23 =	simm.s32 $0x1B8B  }
0xa2: {  	_ =	swait.ge [sflag:s23], $0x1  }
0xa3: {  	[sflag:s23] =	ssyncset.done $0x0  }
0xa4: {  	s25 =	simm.s32 $0x1B8E;
	s24 =	sld [smem:$0x3FFE];
	[sflag:s23] =	ssyncadd.s32 $0xFFFFFFFF  }
0xa5: {  	s26 =	simm.s32 $execute0_lowered;
	[smem:$0x3FD2] =	sst s25  }
0xa6: {  	s4 =	sshll.u32 s26, $0x1;
	_ =	strace $0x80000046;
	[dreg:$0x1] =	wrdreg $0xFFFFFFFF  }
0xa7: {  	s28 =	simm.s32 $_size_execute0_lowered;
	s2 =	sadd.s32 s2, s4;
	[dreg:$0x0] =	wrdreg $0x0  }
0xa8: {  	s4 =	sshll.u32 s28, $0x1;
	[dreg:$0x2] =	wrdreg s2  }
0xa9: {  	[dreg:$0x3] =	wrdreg s4  }
0xaa: {  	[dreg:$0x4] =	wrdreg $0xC0  }
0xab: {  	_ =	task [dreg:s6], $0x5FFFF  }
0xac: {  	[dreg:$0x1] =	wrdreg $0xFFFFFFFF  }
0xad: {  	[dreg:$0x0] =	wrdreg $0x60  }
0xae: {  	[dreg:$0x2] =	wrdreg s24  }
0xaf: {  	[dreg:$0x3] =	wrdreg $0x9  }
0xb0: {  	_ =	task.clear_ibuf [dreg:s6], $0x4FFFF;
	_ =	strace $0x90000046  }
0xb1: {  	s29 =	simm.s32 $0x9;
	_ =	strace $0x80000048  }
0xb2: {  	_ =	swait.ge [sflag:s29], $0x1  }
0xb3: {  	[sflag:s29] =	ssyncadd.s32 $0xFFFFFFFF  }
0xb4: {  	_ =	strace $0x90000048  }
0xb5: {  	_ =	sfence  }
0xb6: {  	s30 =	sld [smem:$0x0];
	_ =	sdelay $0x2  }
0xb7: {  	s31 =	sshll.u32 s1, $0xD;
	s1 =	sshrl.u32 s1, $0x2  }
0xb8: {  	s3 =	sand.u32 $0x4000, s31;
	s1 =	sadd.s32 s1, s30  }
0xb9: {  	s0 =	sor.u32 s3, s0;
	s1 =	sshll.u32 s1, $0x11  }
0xba: {  	s0 =	sor.u32 s1, s0  }
0xbb: {  	s0 =	sadd.s32 $0x8F2B, s0  }
0xbc: {  	[sflag:s0] =	ssyncadd.remote.s32 $0x1  }
0xbd: {  	_ =	sfence.sel $0xFFFF  }
0xbe: {  	[dreg:$0x0] =	wrdreg $0xFFFFFFFF;
	(pc) =	sbr.abs _section_cstart, $3  }
0xbf: {  	[dreg:$0x1] =	wrdreg $0xFFFFFFFF  }
0xc0: {  	_ =	task.clear_ibuf [dreg:s6], $0x2FFFF;
	_ =	strace $0x9FFFFFFF  }
0xc1: {  	(tm) =	ssettm $0x7FFFFFFF  }
tec
execute0_lowered:
.L_overlay_start_1:
0x0: {  	(tag) =	ssettag $0x1  }
0x1: {  	s1 =	srdreg.scid;
	s0 =	stileid.u32  }
0x2: {  	s28 =	sand.u32 $0x1, s1;
	s31 =	sshll.u32 s0, $0x1  }
0x3: {  	s29 =	sor.u32 s28, s31  }
0x4: {  	s26 =	rddreg [dreg:$0x0];
	s3 =	smul.u32 $0xA0, s29  }
0x5: {  	s2 =	simm.s32 $0x0;
	s1 =	rddreg [dreg:$0x1]  }
0x6: {  	[smem:$0x7FF] =	sst s2;
	s3 =	sadd.s32 s3, s26  }
0x7: {  	_ =	strace $0x80000047;
	s4 =	sadd.s32 $0x8E00, s3;
	s3 =	simm.s32 $0x2  }
0x8: {  	[tilespmem:s2], [sflag:$0x2] =	stream.linear.gather [hbm4b:s4+s2], $0x500, $0x38;
	[tilespmem:$0x5500] =	vst v63  }
0x9: {  	_ =	swait.ge [sflag:s3], $0x500  }
0xa: {  	s6 =	simm.s32 $0x80;
	[sflag:s3] =	ssyncset.done $0x0  }
0xb: {  	s7 =	simm.s32 $0x500;
	s5 =	sadd.s32 $0xE00, s26;
	[sflag:s3] =	ssyncadd.s32 $0xFFFFFB00  }
0xc: {  	[tilespmem:s7], [sflag:$0x1] =	stream.indirect.gather [hbm4b:s5+s6], $0x10, s2, s6, $0xb8;
	[tilespmem:$0x5500] =	vst v63  }
0xd: {  	s8 =	simm.s32 $0xD00  }
0xe: {  	[tilespmem:s8], [sflag:$0x1] =	stream.indirect.gather [hbm4b:s5+s6], $0x10, s6, s6, $0xb8;
	[tilespmem:$0x5500] =	vst v63  }
0xf: {  	s9 =	simm.s32 $0x100;
	s10 =	simm.s32 $0x1500  }
0x10: {  	[tilespmem:s10], [sflag:$0x1] =	stream.indirect.gather [hbm4b:s5+s6], $0x10, s9, s6, $0xb8;
	[tilespmem:$0x5500] =	vst v63  }
0x11: {  	s11 =	simm.s32 $0x180;
	s12 =	simm.s32 $0x1D00  }
0x12: {  	[tilespmem:s12], [sflag:$0x1] =	stream.indirect.gather [hbm4b:s5+s6], $0x10, s11, s6, $0xb8;
	[tilespmem:$0x5500] =	vst v63  }
0x13: {  	s13 =	simm.s32 $0x200;
	s14 =	simm.s32 $0x2500  }
0x14: {  	[tilespmem:s14], [sflag:$0x1] =	stream.indirect.gather [hbm4b:s5+s6], $0x10, s13, s6, $0xb8;
	[tilespmem:$0x5500] =	vst v63  }
0x15: {  	s15 =	simm.s32 $0x280;
	s16 =	simm.s32 $0x2D00  }
0x16: {  	[tilespmem:s16], [sflag:$0x1] =	stream.indirect.gather [hbm4b:s5+s6], $0x10, s15, s6, $0xb8;
	[tilespmem:$0x5500] =	vst v63  }
0x17: {  	s17 =	simm.s32 $0x300;
	s18 =	simm.s32 $0x3500  }
0x18: {  	[tilespmem:s18], [sflag:$0x1] =	stream.indirect.gather [hbm4b:s5+s6], $0x10, s17, s6, $0xb8;
	[tilespmem:$0x5500] =	vst v63  }
0x19: {  	s19 =	simm.s32 $0x380;
	s20 =	simm.s32 $0x3D00  }
0x1a: {  	[tilespmem:s20], [sflag:$0x1] =	stream.indirect.gather [hbm4b:s5+s6], $0x10, s19, s6, $0xb8;
	[tilespmem:$0x5500] =	vst v63  }
0x1b: {  	s21 =	simm.s32 $0x400;
	s22 =	simm.s32 $0x4500  }
0x1c: {  	[tilespmem:s22], [sflag:$0x1] =	stream.indirect.gather [hbm4b:s5+s6], $0x10, s21, s6, $0xb8;
	[tilespmem:$0x5500] =	vst v63  }
0x1d: {  	s23 =	simm.s32 $0x480;
	s24 =	simm.s32 $0x4D00;
	s25 =	simm.s32 $0x1  }
0x1e: {  	[tilespmem:s24], [sflag:$0x1] =	stream.indirect.gather [hbm4b:s5+s6], $0x10, s23, s6, $0xb8;
	[tilespmem:$0x5500] =	vst v63  }
0x1f: {  	_ =	swait.ge [sflag:s25], $0x800  }
0x20: {  	[sflag:s25] =	ssyncset.done $0x0  }
0x21: {  	[sflag:s25] =	ssyncadd.s32 $0xFFFFF800  }
0x22: {  	_ =	swait.ge [sflag:s25], $0x800  }
0x23: {  	[sflag:s25] =	ssyncset.done $0x0  }
0x24: {  	[sflag:s25] =	ssyncadd.s32 $0xFFFFF800  }
0x25: {  	_ =	swait.ge [sflag:s25], $0x800  }
0x26: {  	[sflag:s25] =	ssyncset.done $0x0  }
0x27: {  	[sflag:s25] =	ssyncadd.s32 $0xFFFFF800  }
0x28: {  	_ =	swait.ge [sflag:s25], $0x800  }
0x29: {  	[sflag:s25] =	ssyncset.done $0x0  }
0x2a: {  	[sflag:s25] =	ssyncadd.s32 $0xFFFFF800  }
0x2b: {  	_ =	swait.ge [sflag:s25], $0x800  }
0x2c: {  	[sflag:s25] =	ssyncset.done $0x0  }
0x2d: {  	[sflag:s25] =	ssyncadd.s32 $0xFFFFF800  }
0x2e: {  	_ =	swait.ge [sflag:s25], $0x800  }
0x2f: {  	[sflag:s25] =	ssyncset.done $0x0  }
0x30: {  	[sflag:s25] =	ssyncadd.s32 $0xFFFFF800  }
0x31: {  	_ =	swait.ge [sflag:s25], $0x800  }
0x32: {  	[sflag:s25] =	ssyncset.done $0x0  }
0x33: {  	[sflag:s25] =	ssyncadd.s32 $0xFFFFF800  }
0x34: {  	_ =	swait.ge [sflag:s25], $0x800  }
0x35: {  	[sflag:s25] =	ssyncset.done $0x0  }
0x36: {  	s28 =	ssub.s32 $0x2, s28;
	[sflag:s25] =	ssyncadd.s32 $0xFFFFF800  }
0x37: {  	s30 =	sshrl.u32 s28, $0x1;
	_ =	swait.ge [sflag:s25], $0x800  }
0x38: {  	s28 =	ssub.s32 s28, s30;
	[sflag:s25] =	ssyncset.done $0x0  }
0x39: {  	s29 =	smul.u32 $0xA00, s29;
	s28 =	smax.u32 s28, $0x1;
	[sflag:s25] =	ssyncadd.s32 $0xFFFFF800  }
0x3a: {  	p0 =	sne.s32 s28, $0x1;
	_ =	swait.ge [sflag:s25], $0x800  }
.Ltmp0:
0x3b: {  	s26 =	sadd.s32 s29, s26;
	[sflag:s25] =	ssyncset.done $0x0;
	(pc) =	sbr.rel @!p0 .LBB2_2-.Ltmp0, $4  }
0x3c: {  	s26 =	sadd.s32 $0xA200, s26;
	[sflag:s25] =	ssyncadd.s32 $0xFFFFF800  }
0x3d: {  	[hbm4b:s26+s2] =	stream.linear.scatter [tilespmem:s7], [sflag:$0x2], $0x5000, $0x38;
	[tilespmem:$0x5500] =	vst v63  }
0x3e: {  	_ =	swait.ge [sflag:s3], $0x5000  }
0x3f: {  	s28 =	sadd.s32 $0xFFFFFFFF, s28;
	[sflag:s3] =	ssyncset.done $0x0  }
.LBB2_1:
0x40: {  	p0 =	sne.s32 s28, $0x1;
	s28 =	sadd.s32 $0xFFFFFFFF, s28;
	[sflag:s3] =	ssyncadd.s32 $0xFFFFB000  }
0x41: {  	[tilespmem:s2], [sflag:$0x2] =	stream.linear.gather [hbm4b:s4+s2], $0x500, $0x38;
	[tilespmem:$0x5500] =	vst v63  }
0x42: {  	_ =	swait.ge [sflag:s3], $0x500  }
0x43: {  	[sflag:s3] =	ssyncset.done $0x0  }
0x44: {  	[sflag:s3] =	ssyncadd.s32 $0xFFFFFB00  }
0x45: {  	[tilespmem:s7], [sflag:$0x1] =	stream.indirect.gather [hbm4b:s5+s6], $0x10, s2, s6, $0xb8;
	[tilespmem:$0x5500] =	vst v63  }
0x46: {  	_ = 	snop  }
0x47: {  	[tilespmem:s8], [sflag:$0x1] =	stream.indirect.gather [hbm4b:s5+s6], $0x10, s6, s6, $0xb8;
	[tilespmem:$0x5500] =	vst v63  }
0x48: {  	_ = 	snop  }
0x49: {  	[tilespmem:s10], [sflag:$0x1] =	stream.indirect.gather [hbm4b:s5+s6], $0x10, s9, s6, $0xb8;
	[tilespmem:$0x5500] =	vst v63  }
0x4a: {  	_ = 	snop  }
0x4b: {  	[tilespmem:s12], [sflag:$0x1] =	stream.indirect.gather [hbm4b:s5+s6], $0x10, s11, s6, $0xb8;
	[tilespmem:$0x5500] =	vst v63  }
0x4c: {  	_ = 	snop  }
0x4d: {  	[tilespmem:s14], [sflag:$0x1] =	stream.indirect.gather [hbm4b:s5+s6], $0x10, s13, s6, $0xb8;
	[tilespmem:$0x5500] =	vst v63  }
0x4e: {  	_ = 	snop  }
0x4f: {  	[tilespmem:s16], [sflag:$0x1] =	stream.indirect.gather [hbm4b:s5+s6], $0x10, s15, s6, $0xb8;
	[tilespmem:$0x5500] =	vst v63  }
0x50: {  	_ = 	snop  }
0x51: {  	[tilespmem:s18], [sflag:$0x1] =	stream.indirect.gather [hbm4b:s5+s6], $0x10, s17, s6, $0xb8;
	[tilespmem:$0x5500] =	vst v63  }
0x52: {  	_ = 	snop  }
0x53: {  	[tilespmem:s20], [sflag:$0x1] =	stream.indirect.gather [hbm4b:s5+s6], $0x10, s19, s6, $0xb8;
	[tilespmem:$0x5500] =	vst v63  }
0x54: {  	_ = 	snop  }
0x55: {  	[tilespmem:s22], [sflag:$0x1] =	stream.indirect.gather [hbm4b:s5+s6], $0x10, s21, s6, $0xb8;
	[tilespmem:$0x5500] =	vst v63  }
0x56: {  	_ = 	snop  }
0x57: {  	[tilespmem:s24], [sflag:$0x1] =	stream.indirect.gather [hbm4b:s5+s6], $0x10, s23, s6, $0xb8;
	[tilespmem:$0x5500] =	vst v63  }
0x58: {  	_ =	swait.ge [sflag:s25], $0x800  }
0x59: {  	[sflag:s25] =	ssyncset.done $0x0  }
0x5a: {  	[sflag:s25] =	ssyncadd.s32 $0xFFFFF800  }
0x5b: {  	_ =	swait.ge [sflag:s25], $0x800  }
0x5c: {  	[sflag:s25] =	ssyncset.done $0x0  }
0x5d: {  	[sflag:s25] =	ssyncadd.s32 $0xFFFFF800  }
0x5e: {  	_ =	swait.ge [sflag:s25], $0x800  }
0x5f: {  	[sflag:s25] =	ssyncset.done $0x0  }
0x60: {  	[sflag:s25] =	ssyncadd.s32 $0xFFFFF800  }
0x61: {  	_ =	swait.ge [sflag:s25], $0x800  }
0x62: {  	[sflag:s25] =	ssyncset.done $0x0  }
0x63: {  	[sflag:s25] =	ssyncadd.s32 $0xFFFFF800  }
0x64: {  	_ =	swait.ge [sflag:s25], $0x800  }
0x65: {  	[sflag:s25] =	ssyncset.done $0x0  }
0x66: {  	[sflag:s25] =	ssyncadd.s32 $0xFFFFF800  }
0x67: {  	_ =	swait.ge [sflag:s25], $0x800  }
0x68: {  	[sflag:s25] =	ssyncset.done $0x0  }
0x69: {  	[sflag:s25] =	ssyncadd.s32 $0xFFFFF800  }
0x6a: {  	_ =	swait.ge [sflag:s25], $0x800  }
0x6b: {  	[sflag:s25] =	ssyncset.done $0x0  }
0x6c: {  	[sflag:s25] =	ssyncadd.s32 $0xFFFFF800  }
0x6d: {  	_ =	swait.ge [sflag:s25], $0x800  }
0x6e: {  	[sflag:s25] =	ssyncset.done $0x0  }
0x6f: {  	[sflag:s25] =	ssyncadd.s32 $0xFFFFF800  }
0x70: {  	_ =	swait.ge [sflag:s25], $0x800  }
0x71: {  	[sflag:s25] =	ssyncset.done $0x0  }
0x72: {  	[sflag:s25] =	ssyncadd.s32 $0xFFFFF800  }
0x73: {  	_ =	swait.ge [sflag:s25], $0x800  }
.Ltmp1:
0x74: {  	[sflag:s25] =	ssyncset.done $0x0;
	(pc) =	sbr.rel @p0 .LBB2_1-.Ltmp1, $4  }
0x75: {  	[sflag:s25] =	ssyncadd.s32 $0xFFFFF800  }
0x76: {  	[hbm4b:s26+s2] =	stream.linear.scatter [tilespmem:s7], [sflag:$0x2], $0x5000, $0x38;
	[tilespmem:$0x5500] =	vst v63  }
0x77: {  	_ =	swait.ge [sflag:s3], $0x5000  }
0x78: {  	[sflag:s3] =	ssyncset.done $0x0  }
.LBB2_2:
0x79: {  	[sflag:s3] =	ssyncadd.s32 $0xFFFFB000  }
0x7a: {  	_ =	sfence.sel $0x180000  }
0x7b: {  	[bflag:$0x0] =	sbarrier.arrive $0xFFFF  }
0x7c: {  	p0 =	sne.s32 s0, $0x0;
	_ =	strace $0x90000047  }
0x7d: {  	s0 =	sadd.s32 @!p0 $0x100000, s1;
	[bflag:$0x2] =	sbarrier.arrive $0xFFFF  }
0x7e: {  	[sflag:s0] =	ssyncadd.tile.s32 @!p0 $0x1;
	_ =	shalt  }
.Lfunc_end2:
_tile_overlayer_lowered:
.L_overlay_start_2:
0x7f: {  	(tag) =	ssettag $0x2  }
0x80: {  	s0 =	rddreg [dreg:$0x0];
	s2 =	stileid.u32  }
0x81: {  	s1 =	rddreg [dreg:$0x1];
	p0 =	sne.s32 s2, $0x0  }
0x82: {  	s3 =	rddreg [dreg:$0x2];
	[bflag:$0x3] =	sbarrier.arrive $0xFFFF;
	s2 =	simm.s32 @!p0 $0x1C02  }
0x83: {  	[timem:s3], [sflag:s2] =	dma.local @!p0 [hbm:s0], s1  }
0x84: {  	s0 =	simm.s32 @!p0 $0x2  }
0x85: {  	_ =	swait.ge @!p0 [sflag:s0], s1  }
0x86: {  	s1 =	ssub.s32 @!p0 $0x0, s1;
	[sflag:s0] =	ssyncset.done @!p0 $0x0  }
0x87: {  	[sflag:s0] =	ssyncadd.s32 @!p0 s1  }
0x88: {  	[bflag:$0x3] =	sbarrier.arrive $0xFFFF  }
0x89: {  	_ =	shalt  }

</sc_bundles>
